<compile_context>
chip_gen: v7x
topology: tpu7x:2x2x1
jax: 0.10.2.dev20260603
libtpu: 0.0.44.dev20260713+nightly
codegen_flags: <defaults>
</compile_context>

<pallas_src>
import functools

import jax
import jax.numpy as jnp
from jax import lax
from jax.experimental import pallas as pl
from jax.experimental.pallas import tpu as pltpu
from jax.experimental.pallas import tpu_sc as plsc

N_VOCAB = 49408
N_EMBD = 768
N_TOKENS = 77
BATCH = 256

NC = 2
NS = 16
L = 16
NW = NC * NS
CB = 32
QPT = BATCH // CB
NCHUNK = N_TOKENS * QPT
KMAX = 20
NSTEP = 21
NVEC = N_EMBD // L
JB = 16


def _make_kernel():
  mesh = plsc.VectorSubcoreMesh(core_axis_name="c", subcore_axis_name="s")

  @functools.partial(
      pl.kernel,
      mesh=mesh,
      out_type=jax.ShapeDtypeStruct((N_TOKENS, BATCH, N_EMBD), jnp.float32),
      scratch_types=[
          pltpu.VMEM((KMAX, CB), jnp.int32),
          pltpu.VMEM((KMAX, N_EMBD), jnp.float32),
          pltpu.VMEM((CB, N_EMBD), jnp.float32),
          pltpu.VMEM((CB, N_EMBD), jnp.float32),
          pltpu.VMEM((CB, N_EMBD), jnp.float32),
          pltpu.SemaphoreType.DMA,
          pltpu.SemaphoreType.DMA,
          pltpu.SemaphoreType.DMA,
          pltpu.SemaphoreType.DMA,
          pltpu.SemaphoreType.DMA,
          pltpu.SemaphoreType.DMA,
      ],
  )
  def emb_kernel(idx_hbm, table_hbm, pos_hbm, out_hbm, idx_v, pos_v,
                 buf0, buf1, buf2, gsem0, gsem1, gsem2, wsem0, wsem1, wsem2):
    bufs = (buf0, buf1, buf2)
    gsems = (gsem0, gsem1, gsem2)
    wsems = (wsem0, wsem1, wsem2)
    wid = lax.axis_index("s") * NC + lax.axis_index("c")

    def gather_of(k, b):
      return pltpu.make_async_copy(
          table_hbm.at[idx_v.at[k]], bufs[b], gsems[b])

    def write_of(k, b):
      g = wid + NW * k
      t = g // QPT
      qoff = pl.multiple_of((g % QPT) * CB, CB)
      return pltpu.make_async_copy(
          bufs[b], out_hbm.at[t, pl.ds(qoff, CB)], wsems[b])

    def valid(k):
      return wid + NW * k < NCHUNK

    pltpu.sync_copy(idx_hbm.at[wid], idx_v)
    gather_of(0, 0).start()
    gather_of(1, 1).start()
    pltpu.sync_copy(pos_hbm.at[wid], pos_v)

    def per_round(r, _):
      for s in range(3):
        k = r * 3 + s

        @pl.when(valid(k))
        def _():
          gather_of(k, s).wait()

        pred_w = valid(k - 1) if s > 0 else jnp.logical_and(r >= 1,
                                                            valid(k - 1))
        @pl.when(pred_w)
        def _():
          write_of(k - 1, (s + 2) % 3).wait()

        @pl.when(valid(k + 2))
        def _():
          gather_of(k + 2, (s + 2) % 3).start()

        @pl.when(valid(k))
        def _():
          for jb in range(NVEC // JB):
            pregs = [pos_v[k, pl.ds((jb * JB + j) * L, L)] for j in range(JB)]

            def add_block(i, c):
              for j in range(JB):
                plsc.addupdate(bufs[s].at[i, pl.ds((jb * JB + j) * L, L)],
                               pregs[j])
              return c

            lax.fori_loop(0, CB, add_block, 0)
          write_of(k, s).start()
      return 0

    lax.fori_loop(0, NSTEP // 3, per_round, 0)

  return emb_kernel


_EMB_KERNEL = _make_kernel()


def kernel(tokens, token_embedding, position_embedding):
  tok_t = tokens.astype(jnp.int32).T
  idx_all = tok_t.reshape(NCHUNK, CB)
  idx_all = jnp.pad(idx_all, ((0, KMAX * NW - NCHUNK), (0, 0)))
  idx_all = idx_all.reshape(KMAX, NW, CB).transpose(1, 0, 2)
  pos_all = jnp.repeat(position_embedding, QPT, axis=0)
  pos_all = jnp.pad(pos_all, ((0, KMAX * NW - NCHUNK), (0, 0)))
  pos_all = pos_all.reshape(KMAX, NW, N_EMBD).transpose(1, 0, 2)
  out_t = _EMB_KERNEL(idx_all, token_embedding, pos_all)
  return jnp.transpose(out_t, (1, 0, 2))

# --- scband reference (transcript-rebuilt; emitter-appended) ---
"""Pipeline reference for scband-clipembedding-25572235280578 (READ-ONLY COPY).

The authoritative reference and input builder live on the scoring server;
editing this copy changes nothing except your own understanding.
"""

import jax, jax.numpy as jnp
import numpy as np

N_VOCAB = 49408
N_EMBD = 768
N_TOKENS = 77
BATCH = 256

def setup_inputs(seed: int = 0) -> dict:
    key = jax.random.key(seed)
    k1, k2, k3 = jax.random.split(key, 3)
    tokens = jax.random.randint(k1, (BATCH, N_TOKENS), 0, N_VOCAB, dtype=jnp.int64 if jax.config.jax_enable_x64 else jnp.int32)
    token_embedding = jax.random.normal(k2, (N_VOCAB, N_EMBD), dtype=jnp.float32)
    position_embedding = jax.random.normal(k3, (N_TOKENS, N_EMBD), dtype=jnp.float32) * 0.02
    return {"tokens": tokens, "token_embedding": token_embedding, "position_embedding": position_embedding}

def reference(tokens, token_embedding, position_embedding):
    # x = self.token_embedding(tokens)  -> gather rows of table
    x = jnp.take(token_embedding, tokens, axis=0)  # [B, n_tokens, n_embd]
    # x += self.position_embedding (broadcast over batch)
    x = x + position_embedding[None, :, :]
    return x

if __name__ == "__main__":
    import jax
    _d = setup_inputs()
    print(jax.jit(kernel)(*tuple(_d.values())))

</pallas_src>

<mosaic_0001>
#map = affine_map<(d0, d1) -> (0, 0, 0)>
#map1 = affine_map<(d0, d1) -> (0, 0)>
module attributes {stable_mosaic.version = 14 : i64} {
  func.func @emb_kernel(%arg0: i32, %arg1: i32, %arg2: memref<32x20x32xi32, #tpu.memory_space<hbm>>, %arg3: memref<49408x768xf32, #tpu.memory_space<hbm>>, %arg4: memref<32x20x768xf32, #tpu.memory_space<hbm>>, %arg5: memref<77x256x768xf32, #tpu.memory_space<hbm>>, %arg6: memref<20x32xi32, #tpu.memory_space<vmem>>, %arg7: memref<20x768xf32, #tpu.memory_space<vmem>>, %arg8: memref<32x768xf32, #tpu.memory_space<vmem>>, %arg9: memref<32x768xf32, #tpu.memory_space<vmem>>, %arg10: memref<32x768xf32, #tpu.memory_space<vmem>>, %arg11: memref<!tpu.dma_semaphore, #tpu.memory_space<semaphore_mem>>, %arg12: memref<!tpu.dma_semaphore, #tpu.memory_space<semaphore_mem>>, %arg13: memref<!tpu.dma_semaphore, #tpu.memory_space<semaphore_mem>>, %arg14: memref<!tpu.dma_semaphore, #tpu.memory_space<semaphore_mem>>, %arg15: memref<!tpu.dma_semaphore, #tpu.memory_space<semaphore_mem>>, %arg16: memref<!tpu.dma_semaphore, #tpu.memory_space<semaphore_mem>>) attributes {dimension_semantics = [#tpu.dimension_semantics<core_parallel>, #tpu.dimension_semantics<subcore_parallel>], iteration_bounds = array<i64: 2, 16>, scalar_prefetch = 0 : i64, scratch_operands = 11 : i64, tpu.core_type = #tpu.core_type<sc_vector_subcore>, window_params = [{transform_indices = #map}, {transform_indices = #map1}, {transform_indices = #map}, {transform_indices = #map}]} {
    %mul3A = arith.constant 2 : i32
    %mul3A_0 = arith.muli %arg1, %mul3A : i32
    %add3A = arith.addi %mul3A_0, %arg0 : i32
    "tpu.region"() ({
      %run_scoped3A = tpu.sem_alloc : memref<!tpu.dma_semaphore, #tpu.memory_space<semaphore_mem>>
      %dma_start3A_20 = arith.constant 0 : i32
      %dma_start3A_21 = arith.constant 0 : i32
      %dma_start3A_22 = tpu.memref_slice %arg2[%add3A, %dma_start3A_20, %dma_start3A_21] : memref<32x20x32xi32, #tpu.memory_space<hbm>> -> memref<1x20x32xi32, #tpu.memory_space<hbm>>
      %dma_start3A_23 = tpu.memref_squeeze %dma_start3A_22 : memref<1x20x32xi32, #tpu.memory_space<hbm>> -> memref<20x32xi32, #tpu.memory_space<hbm>>
      %dma_start3A_24 = arith.constant 0 : i32
      %dma_start3A_25 = arith.constant 0 : i32
      %dma_start3A_26 = tpu.memref_slice %arg2[%add3A, %dma_start3A_24, %dma_start3A_25] : memref<32x20x32xi32, #tpu.memory_space<hbm>> -> memref<1x20x32xi32, #tpu.memory_space<hbm>>
      %dma_start3A_27 = tpu.memref_squeeze %dma_start3A_26 : memref<1x20x32xi32, #tpu.memory_space<hbm>> -> memref<20x32xi32, #tpu.memory_space<hbm>>
      tpu.enqueue_dma source(%dma_start3A_27 : memref<20x32xi32, #tpu.memory_space<hbm>>) target(%arg6 : memref<20x32xi32, #tpu.memory_space<vmem>>) target_semaphore(%run_scoped3A : memref<!tpu.dma_semaphore, #tpu.memory_space<semaphore_mem>>)
      %dma_wait3A = arith.constant 0 : i32
      %dma_wait3A_28 = arith.constant 0 : i32
      %dma_wait3A_29 = tpu.memref_slice %arg2[%add3A, %dma_wait3A, %dma_wait3A_28] : memref<32x20x32xi32, #tpu.memory_space<hbm>> -> memref<1x20x32xi32, #tpu.memory_space<hbm>>
      %dma_wait3A_30 = tpu.memref_squeeze %dma_wait3A_29 : memref<1x20x32xi32, #tpu.memory_space<hbm>> -> memref<20x32xi32, #tpu.memory_space<hbm>>
      %dma_wait3A_31 = arith.constant 0 : i32
      %dma_wait3A_32 = arith.constant 0 : i32
      %dma_wait3A_33 = tpu.memref_slice %arg2[%add3A, %dma_wait3A_31, %dma_wait3A_32] : memref<32x20x32xi32, #tpu.memory_space<hbm>> -> memref<1x20x32xi32, #tpu.memory_space<hbm>>
      %dma_wait3A_34 = tpu.memref_squeeze %dma_wait3A_33 : memref<1x20x32xi32, #tpu.memory_space<hbm>> -> memref<20x32xi32, #tpu.memory_space<hbm>>
      tpu.wait_dma2 semaphore(%run_scoped3A : memref<!tpu.dma_semaphore, #tpu.memory_space<semaphore_mem>>) src(%dma_wait3A_34 : memref<20x32xi32, #tpu.memory_space<hbm>>) dst(%arg6 : memref<20x32xi32, #tpu.memory_space<vmem>>)
      tpu.yield
    }) : () -> ()
    %dma_start3A = arith.constant 0 : i32
    %dma_start3A_1 = arith.constant 0 : i32
    %dma_start3A_2 = tpu.memref_slice %arg6[%dma_start3A, %dma_start3A_1] : memref<20x32xi32, #tpu.memory_space<vmem>> -> memref<1x32xi32, #tpu.memory_space<vmem>>
    %dma_start3A_3 = tpu.memref_squeeze %dma_start3A_2 : memref<1x32xi32, #tpu.memory_space<vmem>> -> memref<32xi32, #tpu.memory_space<vmem>>
    %dma_start3A_4 = arith.constant 0 : i32
    %dma_start3A_5 = arith.constant 0 : i32
    %dma_start3A_6 = tpu.memref_slice %arg3[%dma_start3A_4, %dma_start3A_5] : memref<49408x768xf32, #tpu.memory_space<hbm>> -> memref<49408x768xf32, #tpu.memory_space<hbm>>
    tpu.enqueue_indirect_dma source(%dma_start3A_6 : memref<49408x768xf32, #tpu.memory_space<hbm>>) target(%arg8 : memref<32x768xf32, #tpu.memory_space<vmem>>) offsets(%dma_start3A_3 : memref<32xi32, #tpu.memory_space<vmem>>) semaphore(%arg11 : memref<!tpu.dma_semaphore, #tpu.memory_space<semaphore_mem>>)
    %dma_start3A_7 = arith.constant 1 : i32
    %dma_start3A_8 = arith.constant 0 : i32
    %dma_start3A_9 = tpu.memref_slice %arg6[%dma_start3A_7, %dma_start3A_8] : memref<20x32xi32, #tpu.memory_space<vmem>> -> memref<1x32xi32, #tpu.memory_space<vmem>>
    %dma_start3A_10 = tpu.memref_squeeze %dma_start3A_9 : memref<1x32xi32, #tpu.memory_space<vmem>> -> memref<32xi32, #tpu.memory_space<vmem>>
    %dma_start3A_11 = arith.constant 0 : i32
    %dma_start3A_12 = arith.constant 0 : i32
    %dma_start3A_13 = tpu.memref_slice %arg3[%dma_start3A_11, %dma_start3A_12] : memref<49408x768xf32, #tpu.memory_space<hbm>> -> memref<49408x768xf32, #tpu.memory_space<hbm>>
    tpu.enqueue_indirect_dma source(%dma_start3A_13 : memref<49408x768xf32, #tpu.memory_space<hbm>>) target(%arg9 : memref<32x768xf32, #tpu.memory_space<vmem>>) offsets(%dma_start3A_10 : memref<32xi32, #tpu.memory_space<vmem>>) semaphore(%arg12 : memref<!tpu.dma_semaphore, #tpu.memory_space<semaphore_mem>>)
    "tpu.region"() ({
      %run_scoped3A = tpu.sem_alloc : memref<!tpu.dma_semaphore, #tpu.memory_space<semaphore_mem>>
      %dma_start3A_20 = arith.constant 0 : i32
      %dma_start3A_21 = arith.constant 0 : i32
      %dma_start3A_22 = tpu.memref_slice %arg4[%add3A, %dma_start3A_20, %dma_start3A_21] : memref<32x20x768xf32, #tpu.memory_space<hbm>> -> memref<1x20x768xf32, #tpu.memory_space<hbm>>
      %dma_start3A_23 = tpu.memref_squeeze %dma_start3A_22 : memref<1x20x768xf32, #tpu.memory_space<hbm>> -> memref<20x768xf32, #tpu.memory_space<hbm>>
      %dma_start3A_24 = arith.constant 0 : i32
      %dma_start3A_25 = arith.constant 0 : i32
      %dma_start3A_26 = tpu.memref_slice %arg4[%add3A, %dma_start3A_24, %dma_start3A_25] : memref<32x20x768xf32, #tpu.memory_space<hbm>> -> memref<1x20x768xf32, #tpu.memory_space<hbm>>
      %dma_start3A_27 = tpu.memref_squeeze %dma_start3A_26 : memref<1x20x768xf32, #tpu.memory_space<hbm>> -> memref<20x768xf32, #tpu.memory_space<hbm>>
      tpu.enqueue_dma source(%dma_start3A_27 : memref<20x768xf32, #tpu.memory_space<hbm>>) target(%arg7 : memref<20x768xf32, #tpu.memory_space<vmem>>) target_semaphore(%run_scoped3A : memref<!tpu.dma_semaphore, #tpu.memory_space<semaphore_mem>>)
      %dma_wait3A = arith.constant 0 : i32
      %dma_wait3A_28 = arith.constant 0 : i32
      %dma_wait3A_29 = tpu.memref_slice %arg4[%add3A, %dma_wait3A, %dma_wait3A_28] : memref<32x20x768xf32, #tpu.memory_space<hbm>> -> memref<1x20x768xf32, #tpu.memory_space<hbm>>
      %dma_wait3A_30 = tpu.memref_squeeze %dma_wait3A_29 : memref<1x20x768xf32, #tpu.memory_space<hbm>> -> memref<20x768xf32, #tpu.memory_space<hbm>>
      %dma_wait3A_31 = arith.constant 0 : i32
      %dma_wait3A_32 = arith.constant 0 : i32
      %dma_wait3A_33 = tpu.memref_slice %arg4[%add3A, %dma_wait3A_31, %dma_wait3A_32] : memref<32x20x768xf32, #tpu.memory_space<hbm>> -> memref<1x20x768xf32, #tpu.memory_space<hbm>>
      %dma_wait3A_34 = tpu.memref_squeeze %dma_wait3A_33 : memref<1x20x768xf32, #tpu.memory_space<hbm>> -> memref<20x768xf32, #tpu.memory_space<hbm>>
      tpu.wait_dma2 semaphore(%run_scoped3A : memref<!tpu.dma_semaphore, #tpu.memory_space<semaphore_mem>>) src(%dma_wait3A_34 : memref<20x768xf32, #tpu.memory_space<hbm>>) dst(%arg7 : memref<20x768xf32, #tpu.memory_space<vmem>>)
      tpu.yield
    }) : () -> ()
    %scan3A = arith.constant 0 : i32
    %scan3A_14 = arith.constant 0 : i32
    %scan3A_15 = arith.constant 7 : i32
    %scan3A_16 = arith.addi %scan3A_14, %scan3A_15 : i32
    %scan3A_17 = arith.constant 1 : i32
    %scan3A_18 = scf.for %scan3A_20 = %scan3A_14 to %scan3A_16 step %scan3A_17 iter_args(%scan3A_21 = %scan3A) -> (i32)  : i32 {
      %mul3A_22 = arith.constant 3 : i32
      %mul3A_23 = arith.muli %scan3A_20, %mul3A_22 : i32
      %add3A_24 = arith.constant 0 : i32
      %add3A_25 = arith.addi %mul3A_23, %add3A_24 : i32
      %mul3A_26 = arith.constant 32 : i32
      %mul3A_27 = arith.muli %mul3A_26, %add3A_25 : i32
      %add3A_28 = arith.addi %add3A, %mul3A_27 : i32
      %lt3A = arith.constant 616 : i32
      %lt3A_29 = arith.cmpi slt, %add3A_28, %lt3A : i32
      %convert_element_type3A = arith.extui %lt3A_29 : i1 to i32
      %cond3A = arith.constant 0 : i32
      %cond3A_30 = arith.cmpi ne, %convert_element_type3A, %cond3A : i32
      scf.if %cond3A_30 {
        %dma_wait3A = arith.constant 0 : i32
        %dma_wait3A_140 = tpu.memref_slice %arg6[%add3A_25, %dma_wait3A] : memref<20x32xi32, #tpu.memory_space<vmem>> -> memref<1x32xi32, #tpu.memory_space<vmem>>
        %dma_wait3A_141 = tpu.memref_squeeze %dma_wait3A_140 : memref<1x32xi32, #tpu.memory_space<vmem>> -> memref<32xi32, #tpu.memory_space<vmem>>
        %dma_wait3A_142 = arith.constant 0 : i32
        %dma_wait3A_143 = arith.constant 0 : i32
        %dma_wait3A_144 = tpu.memref_slice %arg3[%dma_wait3A_142, %dma_wait3A_143] : memref<49408x768xf32, #tpu.memory_space<hbm>> -> memref<49408x768xf32, #tpu.memory_space<hbm>>
        tpu.wait_indirect_dma semaphore(%arg11 : memref<!tpu.dma_semaphore, #tpu.memory_space<semaphore_mem>>) src(%dma_wait3A_144 : memref<49408x768xf32, #tpu.memory_space<hbm>>) dst(%arg8 : memref<32x768xf32, #tpu.memory_space<vmem>>)
      } else {
      }
      %ge3A = arith.constant 1 : i32
      %ge3A_31 = arith.cmpi sge, %scan3A_20, %ge3A : i32
      %sub3A = arith.constant 1 : i32
      %sub3A_32 = arith.subi %add3A_25, %sub3A : i32
      %mul3A_33 = arith.constant 32 : i32
      %mul3A_34 = arith.muli %mul3A_33, %sub3A_32 : i32
      %add3A_35 = arith.addi %add3A, %mul3A_34 : i32
      %lt3A_36 = arith.constant 616 : i32
      %lt3A_37 = arith.cmpi slt, %add3A_35, %lt3A_36 : i32
      %and3A = arith.andi %ge3A_31, %lt3A_37 : i1
      %convert_element_type3A_38 = arith.extui %and3A : i1 to i32
      %cond3A_39 = arith.constant 0 : i32
      %cond3A_40 = arith.cmpi ne, %convert_element_type3A_38, %cond3A_39 : i32
      scf.if %cond3A_40 {
        %sub3A_140 = arith.constant 1 : i32
        %sub3A_141 = arith.subi %add3A_25, %sub3A_140 : i32
        %mul3A_142 = arith.constant 32 : i32
        %mul3A_143 = arith.muli %mul3A_142, %sub3A_141 : i32
        %add3A_144 = arith.addi %add3A, %mul3A_143 : i32
        %jit3A = arith.constant 8 : i32
        %div3A = arith.divsi %add3A_144, %jit3A : i32
        %sign3A = arith.constant 0 : i32
        %sign3A_145 = arith.cmpi sgt, %add3A_144, %sign3A : i32
        %sign3A_146 = arith.extui %sign3A_145 : i1 to i32
        %sign3A_147 = arith.constant 0 : i32
        %sign3A_148 = arith.cmpi slt, %add3A_144, %sign3A_147 : i32
        %sign3A_149 = arith.extui %sign3A_148 : i1 to i32
        %sign3A_150 = arith.subi %sign3A_146, %sign3A_149 : i32
        %sign3A_151 = arith.constant 0 : i32
        %sign3A_152 = arith.cmpi sgt, %jit3A, %sign3A_151 : i32
        %sign3A_153 = arith.extui %sign3A_152 : i1 to i32
        %sign3A_154 = arith.constant 0 : i32
        %sign3A_155 = arith.cmpi slt, %jit3A, %sign3A_154 : i32
        %sign3A_156 = arith.extui %sign3A_155 : i1 to i32
        %sign3A_157 = arith.subi %sign3A_153, %sign3A_156 : i32
        %ne3A = arith.cmpi ne, %sign3A_150, %sign3A_157 : i32
        %rem3A = arith.remsi %add3A_144, %jit3A : i32
        %ne3A_158 = arith.constant 0 : i32
        %ne3A_159 = arith.cmpi ne, %rem3A, %ne3A_158 : i32
        %and3A_160 = arith.andi %ne3A, %ne3A_159 : i1
        %sub3A_161 = arith.constant 1 : i32
        %sub3A_162 = arith.subi %div3A, %sub3A_161 : i32
        %select_n3A = arith.select %and3A_160, %sub3A_162, %div3A : i32
        %jit3A_163 = arith.constant 8 : i32
        %eq3A = arith.constant 0 : i32
        %eq3A_164 = arith.cmpi eq, %jit3A_163, %eq3A : i32
        %jit3A_165 = arith.constant 1 : i32
        %select_n3A_166 = arith.select %eq3A_164, %jit3A_165, %jit3A_163 : i32
        %rem3A_167 = arith.remsi %add3A_144, %select_n3A_166 : i32
        %ne3A_168 = arith.constant 0 : i32
        %ne3A_169 = arith.cmpi ne, %rem3A_167, %ne3A_168 : i32
        %lt3A_170 = arith.constant 0 : i32
        %lt3A_171 = arith.cmpi slt, %rem3A_167, %lt3A_170 : i32
        %lt3A_172 = arith.constant 0 : i32
        %lt3A_173 = arith.cmpi slt, %select_n3A_166, %lt3A_172 : i32
        %ne3A_174 = arith.xori %lt3A_171, %lt3A_173 : i1
        %and3A_175 = arith.andi %ne3A_174, %ne3A_169 : i1
        %add3A_176 = arith.addi %rem3A_167, %select_n3A_166 : i32
        %select_n3A_177 = arith.select %and3A_175, %add3A_176, %rem3A_167 : i32
        %mul3A_178 = arith.constant 32 : i32
        %mul3A_179 = arith.muli %select_n3A_177, %mul3A_178 : i32
        %multiple_of3A = tpu.assume_multiple %mul3A_179, 32 : i32
        %dma_wait3A = arith.constant 0 : i32
        %dma_wait3A_180 = tpu.memref_slice %arg5[%select_n3A, %multiple_of3A, %dma_wait3A] : memref<77x256x768xf32, #tpu.memory_space<hbm>> -> memref<1x32x768xf32, #tpu.memory_space<hbm>>
        %dma_wait3A_181 = tpu.memref_squeeze %dma_wait3A_180 : memref<1x32x768xf32, #tpu.memory_space<hbm>> -> memref<32x768xf32, #tpu.memory_space<hbm>>
        %dma_wait3A_182 = arith.constant 0 : i32
        %dma_wait3A_183 = tpu.memref_slice %arg5[%select_n3A, %multiple_of3A, %dma_wait3A_182] : memref<77x256x768xf32, #tpu.memory_space<hbm>> -> memref<1x32x768xf32, #tpu.memory_space<hbm>>
        %dma_wait3A_184 = tpu.memref_squeeze %dma_wait3A_183 : memref<1x32x768xf32, #tpu.memory_space<hbm>> -> memref<32x768xf32, #tpu.memory_space<hbm>>
        tpu.wait_dma2 semaphore(%arg16 : memref<!tpu.dma_semaphore, #tpu.memory_space<semaphore_mem>>) src(%arg10 : memref<32x768xf32, #tpu.memory_space<vmem>>) dst(%dma_wait3A_184 : memref<32x768xf32, #tpu.memory_space<hbm>>)
      } else {
      }
      %add3A_41 = arith.constant 2 : i32
      %add3A_42 = arith.addi %add3A_25, %add3A_41 : i32
      %mul3A_43 = arith.constant 32 : i32
      %mul3A_44 = arith.muli %mul3A_43, %add3A_42 : i32
      %add3A_45 = arith.addi %add3A, %mul3A_44 : i32
      %lt3A_46 = arith.constant 616 : i32
      %lt3A_47 = arith.cmpi slt, %add3A_45, %lt3A_46 : i32
      %convert_element_type3A_48 = arith.extui %lt3A_47 : i1 to i32
      %cond3A_49 = arith.constant 0 : i32
      %cond3A_50 = arith.cmpi ne, %convert_element_type3A_48, %cond3A_49 : i32
      scf.if %cond3A_50 {
        %add3A_140 = arith.constant 2 : i32
        %add3A_141 = arith.addi %add3A_25, %add3A_140 : i32
        %dma_start3A_142 = arith.constant 0 : i32
        %dma_start3A_143 = tpu.memref_slice %arg6[%add3A_141, %dma_start3A_142] : memref<20x32xi32, #tpu.memory_space<vmem>> -> memref<1x32xi32, #tpu.memory_space<vmem>>
        %dma_start3A_144 = tpu.memref_squeeze %dma_start3A_143 : memref<1x32xi32, #tpu.memory_space<vmem>> -> memref<32xi32, #tpu.memory_space<vmem>>
        %dma_start3A_145 = arith.constant 0 : i32
        %dma_start3A_146 = arith.constant 0 : i32
        %dma_start3A_147 = tpu.memref_slice %arg3[%dma_start3A_145, %dma_start3A_146] : memref<49408x768xf32, #tpu.memory_space<hbm>> -> memref<49408x768xf32, #tpu.memory_space<hbm>>
        tpu.enqueue_indirect_dma source(%dma_start3A_147 : memref<49408x768xf32, #tpu.memory_space<hbm>>) target(%arg10 : memref<32x768xf32, #tpu.memory_space<vmem>>) offsets(%dma_start3A_144 : memref<32xi32, #tpu.memory_space<vmem>>) semaphore(%arg13 : memref<!tpu.dma_semaphore, #tpu.memory_space<semaphore_mem>>)
      } else {
      }
      %mul3A_51 = arith.constant 32 : i32
      %mul3A_52 = arith.muli %mul3A_51, %add3A_25 : i32
      %add3A_53 = arith.addi %add3A, %mul3A_52 : i32
      %lt3A_54 = arith.constant 616 : i32
      %lt3A_55 = arith.cmpi slt, %add3A_53, %lt3A_54 : i32
      %convert_element_type3A_56 = arith.extui %lt3A_55 : i1 to i32
      %cond3A_57 = arith.constant 0 : i32
      %cond3A_58 = arith.cmpi ne, %convert_element_type3A_56, %cond3A_57 : i32
      scf.if %cond3A_58 {
        %get3A = arith.index_cast %add3A_25 : i32 to index
        %get3A_140 = arith.constant 0 : index
        %get3A_141 = tpu.vector_load %arg7[%get3A, %get3A_140] {strides = array<i32>} : memref<20x768xf32, #tpu.memory_space<vmem>>, vector<1x16xf32>,
        %get3A_142 = vector.shape_cast %get3A_141 : vector<1x16xf32> to vector<16xf32>
        %get3A_143 = arith.index_cast %add3A_25 : i32 to index
        %get3A_144 = arith.constant 16 : index
        %get3A_145 = tpu.vector_load %arg7[%get3A_143, %get3A_144] {strides = array<i32>} : memref<20x768xf32, #tpu.memory_space<vmem>>, vector<1x16xf32>,
        %get3A_146 = vector.shape_cast %get3A_145 : vector<1x16xf32> to vector<16xf32>
        %get3A_147 = arith.index_cast %add3A_25 : i32 to index
        %get3A_148 = arith.constant 32 : index
        %get3A_149 = tpu.vector_load %arg7[%get3A_147, %get3A_148] {strides = array<i32>} : memref<20x768xf32, #tpu.memory_space<vmem>>, vector<1x16xf32>,
        %get3A_150 = vector.shape_cast %get3A_149 : vector<1x16xf32> to vector<16xf32>
        %get3A_151 = arith.index_cast %add3A_25 : i32 to index
        %get3A_152 = arith.constant 48 : index
        %get3A_153 = tpu.vector_load %arg7[%get3A_151, %get3A_152] {strides = array<i32>} : memref<20x768xf32, #tpu.memory_space<vmem>>, vector<1x16xf32>,
        %get3A_154 = vector.shape_cast %get3A_153 : vector<1x16xf32> to vector<16xf32>
        %get3A_155 = arith.index_cast %add3A_25 : i32 to index
        %get3A_156 = arith.constant 64 : index
        %get3A_157 = tpu.vector_load %arg7[%get3A_155, %get3A_156] {strides = array<i32>} : memref<20x768xf32, #tpu.memory_space<vmem>>, vector<1x16xf32>,
        %get3A_158 = vector.shape_cast %get3A_157 : vector<1x16xf32> to vector<16xf32>
        %get3A_159 = arith.index_cast %add3A_25 : i32 to index
        %get3A_160 = arith.constant 80 : index
        %get3A_161 = tpu.vector_load %arg7[%get3A_159, %get3A_160] {strides = array<i32>} : memref<20x768xf32, #tpu.memory_space<vmem>>, vector<1x16xf32>,
        %get3A_162 = vector.shape_cast %get3A_161 : vector<1x16xf32> to vector<16xf32>
        %get3A_163 = arith.index_cast %add3A_25 : i32 to index
        %get3A_164 = arith.constant 96 : index
        %get3A_165 = tpu.vector_load %arg7[%get3A_163, %get3A_164] {strides = array<i32>} : memref<20x768xf32, #tpu.memory_space<vmem>>, vector<1x16xf32>,
        %get3A_166 = vector.shape_cast %get3A_165 : vector<1x16xf32> to vector<16xf32>
        %get3A_167 = arith.index_cast %add3A_25 : i32 to index
        %get3A_168 = arith.constant 112 : index
        %get3A_169 = tpu.vector_load %arg7[%get3A_167, %get3A_168] {strides = array<i32>} : memref<20x768xf32, #tpu.memory_space<vmem>>, vector<1x16xf32>,
        %get3A_170 = vector.shape_cast %get3A_169 : vector<1x16xf32> to vector<16xf32>
        %get3A_171 = arith.index_cast %add3A_25 : i32 to index
        %get3A_172 = arith.constant 128 : index
        %get3A_173 = tpu.vector_load %arg7[%get3A_171, %get3A_172] {strides = array<i32>} : memref<20x768xf32, #tpu.memory_space<vmem>>, vector<1x16xf32>,
        %get3A_174 = vector.shape_cast %get3A_173 : vector<1x16xf32> to vector<16xf32>
        %get3A_175 = arith.index_cast %add3A_25 : i32 to index
        %get3A_176 = arith.constant 144 : index
        %get3A_177 = tpu.vector_load %arg7[%get3A_175, %get3A_176] {strides = array<i32>} : memref<20x768xf32, #tpu.memory_space<vmem>>, vector<1x16xf32>,
        %get3A_178 = vector.shape_cast %get3A_177 : vector<1x16xf32> to vector<16xf32>
        %get3A_179 = arith.index_cast %add3A_25 : i32 to index
        %get3A_180 = arith.constant 160 : index
        %get3A_181 = tpu.vector_load %arg7[%get3A_179, %get3A_180] {strides = array<i32>} : memref<20x768xf32, #tpu.memory_space<vmem>>, vector<1x16xf32>,
        %get3A_182 = vector.shape_cast %get3A_181 : vector<1x16xf32> to vector<16xf32>
        %get3A_183 = arith.index_cast %add3A_25 : i32 to index
        %get3A_184 = arith.constant 176 : index
        %get3A_185 = tpu.vector_load %arg7[%get3A_183, %get3A_184] {strides = array<i32>} : memref<20x768xf32, #tpu.memory_space<vmem>>, vector<1x16xf32>,
        %get3A_186 = vector.shape_cast %get3A_185 : vector<1x16xf32> to vector<16xf32>
        %get3A_187 = arith.index_cast %add3A_25 : i32 to index
        %get3A_188 = arith.constant 192 : index
        %get3A_189 = tpu.vector_load %arg7[%get3A_187, %get3A_188] {strides = array<i32>} : memref<20x768xf32, #tpu.memory_space<vmem>>, vector<1x16xf32>,
        %get3A_190 = vector.shape_cast %get3A_189 : vector<1x16xf32> to vector<16xf32>
        %get3A_191 = arith.index_cast %add3A_25 : i32 to index
        %get3A_192 = arith.constant 208 : index
        %get3A_193 = tpu.vector_load %arg7[%get3A_191, %get3A_192] {strides = array<i32>} : memref<20x768xf32, #tpu.memory_space<vmem>>, vector<1x16xf32>,
        %get3A_194 = vector.shape_cast %get3A_193 : vector<1x16xf32> to vector<16xf32>
        %get3A_195 = arith.index_cast %add3A_25 : i32 to index
        %get3A_196 = arith.constant 224 : index
        %get3A_197 = tpu.vector_load %arg7[%get3A_195, %get3A_196] {strides = array<i32>} : memref<20x768xf32, #tpu.memory_space<vmem>>, vector<1x16xf32>,
        %get3A_198 = vector.shape_cast %get3A_197 : vector<1x16xf32> to vector<16xf32>
        %get3A_199 = arith.index_cast %add3A_25 : i32 to index
        %get3A_200 = arith.constant 240 : index
        %get3A_201 = tpu.vector_load %arg7[%get3A_199, %get3A_200] {strides = array<i32>} : memref<20x768xf32, #tpu.memory_space<vmem>>, vector<1x16xf32>,
        %get3A_202 = vector.shape_cast %get3A_201 : vector<1x16xf32> to vector<16xf32>
        %scan3A_203 = arith.constant 0 : i32
        %scan3A_204 = arith.constant 0 : i32
        %scan3A_205 = arith.constant 32 : i32
        %scan3A_206 = arith.addi %scan3A_204, %scan3A_205 : i32
        %scan3A_207 = arith.constant 1 : i32
        scf.for %scan3A_393 = %scan3A_204 to %scan3A_206 step %scan3A_207  : i32 {
          %swap3A = arith.index_cast %scan3A_393 : i32 to index
          %swap3A_394 = arith.constant 0 : index
          %swap3A_395 = tpu.vector_load %arg8[%swap3A, %swap3A_394] {strides = array<i32>} : memref<32x768xf32, #tpu.memory_space<vmem>>, vector<1x16xf32>,
          %swap3A_396 = vector.shape_cast %swap3A_395 : vector<1x16xf32> to vector<16xf32>
          %swap3A_397 = vector.shape_cast %get3A_142 : vector<16xf32> to vector<1x16xf32>
          tpu.vector_store %arg8[%swap3A, %swap3A_394], %swap3A_397 {add = true, strides = array<i32>} : memref<32x768xf32, #tpu.memory_space<vmem>>, vector<1x16xf32>,
          %swap3A_398 = arith.index_cast %scan3A_393 : i32 to index
          %swap3A_399 = arith.constant 16 : index
          %swap3A_400 = tpu.vector_load %arg8[%swap3A_398, %swap3A_399] {strides = array<i32>} : memref<32x768xf32, #tpu.memory_space<vmem>>, vector<1x16xf32>,
          %swap3A_401 = vector.shape_cast %swap3A_400 : vector<1x16xf32> to vector<16xf32>
          %swap3A_402 = vector.shape_cast %get3A_146 : vector<16xf32> to vector<1x16xf32>
          tpu.vector_store %arg8[%swap3A_398, %swap3A_399], %swap3A_402 {add = true, strides = array<i32>} : memref<32x768xf32, #tpu.memory_space<vmem>>, vector<1x16xf32>,
          %swap3A_403 = arith.index_cast %scan3A_393 : i32 to index
          %swap3A_404 = arith.constant 32 : index
          %swap3A_405 = tpu.vector_load %arg8[%swap3A_403, %swap3A_404] {strides = array<i32>} : memref<32x768xf32, #tpu.memory_space<vmem>>, vector<1x16xf32>,
          %swap3A_406 = vector.shape_cast %swap3A_405 : vector<1x16xf32> to vector<16xf32>
          %swap3A_407 = vector.shape_cast %get3A_150 : vector<16xf32> to vector<1x16xf32>
          tpu.vector_store %arg8[%swap3A_403, %swap3A_404], %swap3A_407 {add = true, strides = array<i32>} : memref<32x768xf32, #tpu.memory_space<vmem>>, vector<1x16xf32>,
          %swap3A_408 = arith.index_cast %scan3A_393 : i32 to index
          %swap3A_409 = arith.constant 48 : index
          %swap3A_410 = tpu.vector_load %arg8[%swap3A_408, %swap3A_409] {strides = array<i32>} : memref<32x768xf32, #tpu.memory_space<vmem>>, vector<1x16xf32>,
          %swap3A_411 = vector.shape_cast %swap3A_410 : vector<1x16xf32> to vector<16xf32>
          %swap3A_412 = vector.shape_cast %get3A_154 : vector<16xf32> to vector<1x16xf32>
          tpu.vector_store %arg8[%swap3A_408, %swap3A_409], %swap3A_412 {add = true, strides = array<i32>} : memref<32x768xf32, #tpu.memory_space<vmem>>, vector<1x16xf32>,
          %swap3A_413 = arith.index_cast %scan3A_393 : i32 to index
          %swap3A_414 = arith.constant 64 : index
          %swap3A_415 = tpu.vector_load %arg8[%swap3A_413, %swap3A_414] {strides = array<i32>} : memref<32x768xf32, #tpu.memory_space<vmem>>, vector<1x16xf32>,
          %swap3A_416 = vector.shape_cast %swap3A_415 : vector<1x16xf32> to vector<16xf32>
          %swap3A_417 = vector.shape_cast %get3A_158 : vector<16xf32> to vector<1x16xf32>
          tpu.vector_store %arg8[%swap3A_413, %swap3A_414], %swap3A_417 {add = true, strides = array<i32>} : memref<32x768xf32, #tpu.memory_space<vmem>>, vector<1x16xf32>,
          %swap3A_418 = arith.index_cast %scan3A_393 : i32 to index
          %swap3A_419 = arith.constant 80 : index
          %swap3A_420 = tpu.vector_load %arg8[%swap3A_418, %swap3A_419] {strides = array<i32>} : memref<32x768xf32, #tpu.memory_space<vmem>>, vector<1x16xf32>,
          %swap3A_421 = vector.shape_cast %swap3A_420 : vector<1x16xf32> to vector<16xf32>
          %swap3A_422 = vector.shape_cast %get3A_162 : vector<16xf32> to vector<1x16xf32>
          tpu.vector_store %arg8[%swap3A_418, %swap3A_419], %swap3A_422 {add = true, strides = array<i32>} : memref<32x768xf32, #tpu.memory_space<vmem>>, vector<1x16xf32>,
          %swap3A_423 = arith.index_cast %scan3A_393 : i32 to index
          %swap3A_424 = arith.constant 96 : index
          %swap3A_425 = tpu.vector_load %arg8[%swap3A_423, %swap3A_424] {strides = array<i32>} : memref<32x768xf32, #tpu.memory_space<vmem>>, vector<1x16xf32>,
          %swap3A_426 = vector.shape_cast %swap3A_425 : vector<1x16xf32> to vector<16xf32>
          %swap3A_427 = vector.shape_cast %get3A_166 : vector<16xf32> to vector<1x16xf32>
          tpu.vector_store %arg8[%swap3A_423, %swap3A_424], %swap3A_427 {add = true, strides = array<i32>} : memref<32x768xf32, #tpu.memory_space<vmem>>, vector<1x16xf32>,
          %swap3A_428 = arith.index_cast %scan3A_393 : i32 to index
          %swap3A_429 = arith.constant 112 : index
          %swap3A_430 = tpu.vector_load %arg8[%swap3A_428, %swap3A_429] {strides = array<i32>} : memref<32x768xf32, #tpu.memory_space<vmem>>, vector<1x16xf32>,
          %swap3A_431 = vector.shape_cast %swap3A_430 : vector<1x16xf32> to vector<16xf32>
          %swap3A_432 = vector.shape_cast %get3A_170 : vector<16xf32> to vector<1x16xf32>
          tpu.vector_store %arg8[%swap3A_428, %swap3A_429], %swap3A_432 {add = true, strides = array<i32>} : memref<32x768xf32, #tpu.memory_space<vmem>>, vector<1x16xf32>,
          %swap3A_433 = arith.index_cast %scan3A_393 : i32 to index
          %swap3A_434 = arith.constant 128 : index
          %swap3A_435 = tpu.vector_load %arg8[%swap3A_433, %swap3A_434] {strides = array<i32>} : memref<32x768xf32, #tpu.memory_space<vmem>>, vector<1x16xf32>,
          %swap3A_436 = vector.shape_cast %swap3A_435 : vector<1x16xf32> to vector<16xf32>
          %swap3A_437 = vector.shape_cast %get3A_174 : vector<16xf32> to vector<1x16xf32>
          tpu.vector_store %arg8[%swap3A_433, %swap3A_434], %swap3A_437 {add = true, strides = array<i32>} : memref<32x768xf32, #tpu.memory_space<vmem>>, vector<1x16xf32>,
          %swap3A_438 = arith.index_cast %scan3A_393 : i32 to index
          %swap3A_439 = arith.constant 144 : index
          %swap3A_440 = tpu.vector_load %arg8[%swap3A_438, %swap3A_439] {strides = array<i32>} : memref<32x768xf32, #tpu.memory_space<vmem>>, vector<1x16xf32>,
          %swap3A_441 = vector.shape_cast %swap3A_440 : vector<1x16xf32> to vector<16xf32>
          %swap3A_442 = vector.shape_cast %get3A_178 : vector<16xf32> to vector<1x16xf32>
          tpu.vector_store %arg8[%swap3A_438, %swap3A_439], %swap3A_442 {add = true, strides = array<i32>} : memref<32x768xf32, #tpu.memory_space<vmem>>, vector<1x16xf32>,
          %swap3A_443 = arith.index_cast %scan3A_393 : i32 to index
          %swap3A_444 = arith.constant 160 : index
          %swap3A_445 = tpu.vector_load %arg8[%swap3A_443, %swap3A_444] {strides = array<i32>} : memref<32x768xf32, #tpu.memory_space<vmem>>, vector<1x16xf32>,
          %swap3A_446 = vector.shape_cast %swap3A_445 : vector<1x16xf32> to vector<16xf32>
          %swap3A_447 = vector.shape_cast %get3A_182 : vector<16xf32> to vector<1x16xf32>
          tpu.vector_store %arg8[%swap3A_443, %swap3A_444], %swap3A_447 {add = true, strides = array<i32>} : memref<32x768xf32, #tpu.memory_space<vmem>>, vector<1x16xf32>,
          %swap3A_448 = arith.index_cast %scan3A_393 : i32 to index
          %swap3A_449 = arith.constant 176 : index
          %swap3A_450 = tpu.vector_load %arg8[%swap3A_448, %swap3A_449] {strides = array<i32>} : memref<32x768xf32, #tpu.memory_space<vmem>>, vector<1x16xf32>,
          %swap3A_451 = vector.shape_cast %swap3A_450 : vector<1x16xf32> to vector<16xf32>
          %swap3A_452 = vector.shape_cast %get3A_186 : vector<16xf32> to vector<1x16xf32>
          tpu.vector_store %arg8[%swap3A_448, %swap3A_449], %swap3A_452 {add = true, strides = array<i32>} : memref<32x768xf32, #tpu.memory_space<vmem>>, vector<1x16xf32>,
          %swap3A_453 = arith.index_cast %scan3A_393 : i32 to index
          %swap3A_454 = arith.constant 192 : index
          %swap3A_455 = tpu.vector_load %arg8[%swap3A_453, %swap3A_454] {strides = array<i32>} : memref<32x768xf32, #tpu.memory_space<vmem>>, vector<1x16xf32>,
          %swap3A_456 = vector.shape_cast %swap3A_455 : vector<1x16xf32> to vector<16xf32>
          %swap3A_457 = vector.shape_cast %get3A_190 : vector<16xf32> to vector<1x16xf32>
          tpu.vector_store %arg8[%swap3A_453, %swap3A_454], %swap3A_457 {add = true, strides = array<i32>} : memref<32x768xf32, #tpu.memory_space<vmem>>, vector<1x16xf32>,
          %swap3A_458 = arith.index_cast %scan3A_393 : i32 to index
          %swap3A_459 = arith.constant 208 : index
          %swap3A_460 = tpu.vector_load %arg8[%swap3A_458, %swap3A_459] {strides = array<i32>} : memref<32x768xf32, #tpu.memory_space<vmem>>, vector<1x16xf32>,
          %swap3A_461 = vector.shape_cast %swap3A_460 : vector<1x16xf32> to vector<16xf32>
          %swap3A_462 = vector.shape_cast %get3A_194 : vector<16xf32> to vector<1x16xf32>
          tpu.vector_store %arg8[%swap3A_458, %swap3A_459], %swap3A_462 {add = true, strides = array<i32>} : memref<32x768xf32, #tpu.memory_space<vmem>>, vector<1x16xf32>,
          %swap3A_463 = arith.index_cast %scan3A_393 : i32 to index
          %swap3A_464 = arith.constant 224 : index
          %swap3A_465 = tpu.vector_load %arg8[%swap3A_463, %swap3A_464] {strides = array<i32>} : memref<32x768xf32, #tpu.memory_space<vmem>>, vector<1x16xf32>,
          %swap3A_466 = vector.shape_cast %swap3A_465 : vector<1x16xf32> to vector<16xf32>
          %swap3A_467 = vector.shape_cast %get3A_198 : vector<16xf32> to vector<1x16xf32>
          tpu.vector_store %arg8[%swap3A_463, %swap3A_464], %swap3A_467 {add = true, strides = array<i32>} : memref<32x768xf32, #tpu.memory_space<vmem>>, vector<1x16xf32>,
          %swap3A_468 = arith.index_cast %scan3A_393 : i32 to index
          %swap3A_469 = arith.constant 240 : index
          %swap3A_470 = tpu.vector_load %arg8[%swap3A_468, %swap3A_469] {strides = array<i32>} : memref<32x768xf32, #tpu.memory_space<vmem>>, vector<1x16xf32>,
          %swap3A_471 = vector.shape_cast %swap3A_470 : vector<1x16xf32> to vector<16xf32>
          %swap3A_472 = vector.shape_cast %get3A_202 : vector<16xf32> to vector<1x16xf32>
          tpu.vector_store %arg8[%swap3A_468, %swap3A_469], %swap3A_472 {add = true, strides = array<i32>} : memref<32x768xf32, #tpu.memory_space<vmem>>, vector<1x16xf32>,
        }
        %scan3A_208 = arith.constant 32 : i32
        %get3A_209 = arith.index_cast %add3A_25 : i32 to index
        %get3A_210 = arith.constant 256 : index
        %get3A_211 = tpu.vector_load %arg7[%get3A_209, %get3A_210] {strides = array<i32>} : memref<20x768xf32, #tpu.memory_space<vmem>>, vector<1x16xf32>,
        %get3A_212 = vector.shape_cast %get3A_211 : vector<1x16xf32> to vector<16xf32>
        %get3A_213 = arith.index_cast %add3A_25 : i32 to index
        %get3A_214 = arith.constant 272 : index
        %get3A_215 = tpu.vector_load %arg7[%get3A_213, %get3A_214] {strides = array<i32>} : memref<20x768xf32, #tpu.memory_space<vmem>>, vector<1x16xf32>,
        %get3A_216 = vector.shape_cast %get3A_215 : vector<1x16xf32> to vector<16xf32>
        %get3A_217 = arith.index_cast %add3A_25 : i32 to index
        %get3A_218 = arith.constant 288 : index
        %get3A_219 = tpu.vector_load %arg7[%get3A_217, %get3A_218] {strides = array<i32>} : memref<20x768xf32, #tpu.memory_space<vmem>>, vector<1x16xf32>,
        %get3A_220 = vector.shape_cast %get3A_219 : vector<1x16xf32> to vector<16xf32>
        %get3A_221 = arith.index_cast %add3A_25 : i32 to index
        %get3A_222 = arith.constant 304 : index
        %get3A_223 = tpu.vector_load %arg7[%get3A_221, %get3A_222] {strides = array<i32>} : memref<20x768xf32, #tpu.memory_space<vmem>>, vector<1x16xf32>,
        %get3A_224 = vector.shape_cast %get3A_223 : vector<1x16xf32> to vector<16xf32>
        %get3A_225 = arith.index_cast %add3A_25 : i32 to index
        %get3A_226 = arith.constant 320 : index
        %get3A_227 = tpu.vector_load %arg7[%get3A_225, %get3A_226] {strides = array<i32>} : memref<20x768xf32, #tpu.memory_space<vmem>>, vector<1x16xf32>,
        %get3A_228 = vector.shape_cast %get3A_227 : vector<1x16xf32> to vector<16xf32>
        %get3A_229 = arith.index_cast %add3A_25 : i32 to index
        %get3A_230 = arith.constant 336 : index
        %get3A_231 = tpu.vector_load %arg7[%get3A_229, %get3A_230] {strides = array<i32>} : memref<20x768xf32, #tpu.memory_space<vmem>>, vector<1x16xf32>,
        %get3A_232 = vector.shape_cast %get3A_231 : vector<1x16xf32> to vector<16xf32>
        %get3A_233 = arith.index_cast %add3A_25 : i32 to index
        %get3A_234 = arith.constant 352 : index
        %get3A_235 = tpu.vector_load %arg7[%get3A_233, %get3A_234] {strides = array<i32>} : memref<20x768xf32, #tpu.memory_space<vmem>>, vector<1x16xf32>,
        %get3A_236 = vector.shape_cast %get3A_235 : vector<1x16xf32> to vector<16xf32>
        %get3A_237 = arith.index_cast %add3A_25 : i32 to index
        %get3A_238 = arith.constant 368 : index
        %get3A_239 = tpu.vector_load %arg7[%get3A_237, %get3A_238] {strides = array<i32>} : memref<20x768xf32, #tpu.memory_space<vmem>>, vector<1x16xf32>,
        %get3A_240 = vector.shape_cast %get3A_239 : vector<1x16xf32> to vector<16xf32>
        %get3A_241 = arith.index_cast %add3A_25 : i32 to index
        %get3A_242 = arith.constant 384 : index
        %get3A_243 = tpu.vector_load %arg7[%get3A_241, %get3A_242] {strides = array<i32>} : memref<20x768xf32, #tpu.memory_space<vmem>>, vector<1x16xf32>,
        %get3A_244 = vector.shape_cast %get3A_243 : vector<1x16xf32> to vector<16xf32>
        %get3A_245 = arith.index_cast %add3A_25 : i32 to index
        %get3A_246 = arith.constant 400 : index
        %get3A_247 = tpu.vector_load %arg7[%get3A_245, %get3A_246] {strides = array<i32>} : memref<20x768xf32, #tpu.memory_space<vmem>>, vector<1x16xf32>,
        %get3A_248 = vector.shape_cast %get3A_247 : vector<1x16xf32> to vector<16xf32>
        %get3A_249 = arith.index_cast %add3A_25 : i32 to index
        %get3A_250 = arith.constant 416 : index
        %get3A_251 = tpu.vector_load %arg7[%get3A_249, %get3A_250] {strides = array<i32>} : memref<20x768xf32, #tpu.memory_space<vmem>>, vector<1x16xf32>,
        %get3A_252 = vector.shape_cast %get3A_251 : vector<1x16xf32> to vector<16xf32>
        %get3A_253 = arith.index_cast %add3A_25 : i32 to index
        %get3A_254 = arith.constant 432 : index
        %get3A_255 = tpu.vector_load %arg7[%get3A_253, %get3A_254] {strides = array<i32>} : memref<20x768xf32, #tpu.memory_space<vmem>>, vector<1x16xf32>,
        %get3A_256 = vector.shape_cast %get3A_255 : vector<1x16xf32> to vector<16xf32>
        %get3A_257 = arith.index_cast %add3A_25 : i32 to index
        %get3A_258 = arith.constant 448 : index
        %get3A_259 = tpu.vector_load %arg7[%get3A_257, %get3A_258] {strides = array<i32>} : memref<20x768xf32, #tpu.memory_space<vmem>>, vector<1x16xf32>,
        %get3A_260 = vector.shape_cast %get3A_259 : vector<1x16xf32> to vector<16xf32>
        %get3A_261 = arith.index_cast %add3A_25 : i32 to index
        %get3A_262 = arith.constant 464 : index
        %get3A_263 = tpu.vector_load %arg7[%get3A_261, %get3A_262] {strides = array<i32>} : memref<20x768xf32, #tpu.memory_space<vmem>>, vector<1x16xf32>,
        %get3A_264 = vector.shape_cast %get3A_263 : vector<1x16xf32> to vector<16xf32>
        %get3A_265 = arith.index_cast %add3A_25 : i32 to index
        %get3A_266 = arith.constant 480 : index
        %get3A_267 = tpu.vector_load %arg7[%get3A_265, %get3A_266] {strides = array<i32>} : memref<20x768xf32, #tpu.memory_space<vmem>>, vector<1x16xf32>,
        %get3A_268 = vector.shape_cast %get3A_267 : vector<1x16xf32> to vector<16xf32>
        %get3A_269 = arith.index_cast %add3A_25 : i32 to index
        %get3A_270 = arith.constant 496 : index
        %get3A_271 = tpu.vector_load %arg7[%get3A_269, %get3A_270] {strides = array<i32>} : memref<20x768xf32, #tpu.memory_space<vmem>>, vector<1x16xf32>,
        %get3A_272 = vector.shape_cast %get3A_271 : vector<1x16xf32> to vector<16xf32>
        %scan3A_273 = arith.constant 0 : i32
        %scan3A_274 = arith.constant 0 : i32
        %scan3A_275 = arith.constant 32 : i32
        %scan3A_276 = arith.addi %scan3A_274, %scan3A_275 : i32
        %scan3A_277 = arith.constant 1 : i32
        scf.for %scan3A_393 = %scan3A_274 to %scan3A_276 step %scan3A_277  : i32 {
          %swap3A = arith.index_cast %scan3A_393 : i32 to index
          %swap3A_394 = arith.constant 256 : index
          %swap3A_395 = tpu.vector_load %arg8[%swap3A, %swap3A_394] {strides = array<i32>} : memref<32x768xf32, #tpu.memory_space<vmem>>, vector<1x16xf32>,
          %swap3A_396 = vector.shape_cast %swap3A_395 : vector<1x16xf32> to vector<16xf32>
          %swap3A_397 = vector.shape_cast %get3A_212 : vector<16xf32> to vector<1x16xf32>
          tpu.vector_store %arg8[%swap3A, %swap3A_394], %swap3A_397 {add = true, strides = array<i32>} : memref<32x768xf32, #tpu.memory_space<vmem>>, vector<1x16xf32>,
          %swap3A_398 = arith.index_cast %scan3A_393 : i32 to index
          %swap3A_399 = arith.constant 272 : index
          %swap3A_400 = tpu.vector_load %arg8[%swap3A_398, %swap3A_399] {strides = array<i32>} : memref<32x768xf32, #tpu.memory_space<vmem>>, vector<1x16xf32>,
          %swap3A_401 = vector.shape_cast %swap3A_400 : vector<1x16xf32> to vector<16xf32>
          %swap3A_402 = vector.shape_cast %get3A_216 : vector<16xf32> to vector<1x16xf32>
          tpu.vector_store %arg8[%swap3A_398, %swap3A_399], %swap3A_402 {add = true, strides = array<i32>} : memref<32x768xf32, #tpu.memory_space<vmem>>, vector<1x16xf32>,
          %swap3A_403 = arith.index_cast %scan3A_393 : i32 to index
          %swap3A_404 = arith.constant 288 : index
          %swap3A_405 = tpu.vector_load %arg8[%swap3A_403, %swap3A_404] {strides = array<i32>} : memref<32x768xf32, #tpu.memory_space<vmem>>, vector<1x16xf32>,
          %swap3A_406 = vector.shape_cast %swap3A_405 : vector<1x16xf32> to vector<16xf32>
          %swap3A_407 = vector.shape_cast %get3A_220 : vector<16xf32> to vector<1x16xf32>
          tpu.vector_store %arg8[%swap3A_403, %swap3A_404], %swap3A_407 {add = true, strides = array<i32>} : memref<32x768xf32, #tpu.memory_space<vmem>>, vector<1x16xf32>,
          %swap3A_408 = arith.index_cast %scan3A_393 : i32 to index
          %swap3A_409 = arith.constant 304 : index
          %swap3A_410 = tpu.vector_load %arg8[%swap3A_408, %swap3A_409] {strides = array<i32>} : memref<32x768xf32, #tpu.memory_space<vmem>>, vector<1x16xf32>,
          %swap3A_411 = vector.shape_cast %swap3A_410 : vector<1x16xf32> to vector<16xf32>
          %swap3A_412 = vector.shape_cast %get3A_224 : vector<16xf32> to vector<1x16xf32>
          tpu.vector_store %arg8[%swap3A_408, %swap3A_409], %swap3A_412 {add = true, strides = array<i32>} : memref<32x768xf32, #tpu.memory_space<vmem>>, vector<1x16xf32>,
          %swap3A_413 = arith.index_cast %scan3A_393 : i32 to index
          %swap3A_414 = arith.constant 320 : index
          %swap3A_415 = tpu.vector_load %arg8[%swap3A_413, %swap3A_414] {strides = array<i32>} : memref<32x768xf32, #tpu.memory_space<vmem>>, vector<1x16xf32>,
          %swap3A_416 = vector.shape_cast %swap3A_415 : vector<1x16xf32> to vector<16xf32>
          %swap3A_417 = vector.shape_cast %get3A_228 : vector<16xf32> to vector<1x16xf32>
          tpu.vector_store %arg8[%swap3A_413, %swap3A_414], %swap3A_417 {add = true, strides = array<i32>} : memref<32x768xf32, #tpu.memory_space<vmem>>, vector<1x16xf32>,
          %swap3A_418 = arith.index_cast %scan3A_393 : i32 to index
          %swap3A_419 = arith.constant 336 : index
          %swap3A_420 = tpu.vector_load %arg8[%swap3A_418, %swap3A_419] {strides = array<i32>} : memref<32x768xf32, #tpu.memory_space<vmem>>, vector<1x16xf32>,
          %swap3A_421 = vector.shape_cast %swap3A_420 : vector<1x16xf32> to vector<16xf32>
          %swap3A_422 = vector.shape_cast %get3A_232 : vector<16xf32> to vector<1x16xf32>
          tpu.vector_store %arg8[%swap3A_418, %swap3A_419], %swap3A_422 {add = true, strides = array<i32>} : memref<32x768xf32, #tpu.memory_space<vmem>>, vector<1x16xf32>,
          %swap3A_423 = arith.index_cast %scan3A_393 : i32 to index
          %swap3A_424 = arith.constant 352 : index
          %swap3A_425 = tpu.vector_load %arg8[%swap3A_423, %swap3A_424] {strides = array<i32>} : memref<32x768xf32, #tpu.memory_space<vmem>>, vector<1x16xf32>,
          %swap3A_426 = vector.shape_cast %swap3A_425 : vector<1x16xf32> to vector<16xf32>
          %swap3A_427 = vector.shape_cast %get3A_236 : vector<16xf32> to vector<1x16xf32>
          tpu.vector_store %arg8[%swap3A_423, %swap3A_424], %swap3A_427 {add = true, strides = array<i32>} : memref<32x768xf32, #tpu.memory_space<vmem>>, vector<1x16xf32>,
          %swap3A_428 = arith.index_cast %scan3A_393 : i32 to index
          %swap3A_429 = arith.constant 368 : index
          %swap3A_430 = tpu.vector_load %arg8[%swap3A_428, %swap3A_429] {strides = array<i32>} : memref<32x768xf32, #tpu.memory_space<vmem>>, vector<1x16xf32>,
          %swap3A_431 = vector.shape_cast %swap3A_430 : vector<1x16xf32> to vector<16xf32>
          %swap3A_432 = vector.shape_cast %get3A_240 : vector<16xf32> to vector<1x16xf32>
          tpu.vector_store %arg8[%swap3A_428, %swap3A_429], %swap3A_432 {add = true, strides = array<i32>} : memref<32x768xf32, #tpu.memory_space<vmem>>, vector<1x16xf32>,
          %swap3A_433 = arith.index_cast %scan3A_393 : i32 to index
          %swap3A_434 = arith.constant 384 : index
          %swap3A_435 = tpu.vector_load %arg8[%swap3A_433, %swap3A_434] {strides = array<i32>} : memref<32x768xf32, #tpu.memory_space<vmem>>, vector<1x16xf32>,
          %swap3A_436 = vector.shape_cast %swap3A_435 : vector<1x16xf32> to vector<16xf32>
          %swap3A_437 = vector.shape_cast %get3A_244 : vector<16xf32> to vector<1x16xf32>
          tpu.vector_store %arg8[%swap3A_433, %swap3A_434], %swap3A_437 {add = true, strides = array<i32>} : memref<32x768xf32, #tpu.memory_space<vmem>>, vector<1x16xf32>,
          %swap3A_438 = arith.index_cast %scan3A_393 : i32 to index
          %swap3A_439 = arith.constant 400 : index
          %swap3A_440 = tpu.vector_load %arg8[%swap3A_438, %swap3A_439] {strides = array<i32>} : memref<32x768xf32, #tpu.memory_space<vmem>>, vector<1x16xf32>,
          %swap3A_441 = vector.shape_cast %swap3A_440 : vector<1x16xf32> to vector<16xf32>
          %swap3A_442 = vector.shape_cast %get3A_248 : vector<16xf32> to vector<1x16xf32>
          tpu.vector_store %arg8[%swap3A_438, %swap3A_439], %swap3A_442 {add = true, strides = array<i32>} : memref<32x768xf32, #tpu.memory_space<vmem>>, vector<1x16xf32>,
          %swap3A_443 = arith.index_cast %scan3A_393 : i32 to index
          %swap3A_444 = arith.constant 416 : index
          %swap3A_445 = tpu.vector_load %arg8[%swap3A_443, %swap3A_444] {strides = array<i32>} : memref<32x768xf32, #tpu.memory_space<vmem>>, vector<1x16xf32>,
          %swap3A_446 = vector.shape_cast %swap3A_445 : vector<1x16xf32> to vector<16xf32>
          %swap3A_447 = vector.shape_cast %get3A_252 : vector<16xf32> to vector<1x16xf32>
          tpu.vector_store %arg8[%swap3A_443, %swap3A_444], %swap3A_447 {add = true, strides = array<i32>} : memref<32x768xf32, #tpu.memory_space<vmem>>, vector<1x16xf32>,
          %swap3A_448 = arith.index_cast %scan3A_393 : i32 to index
          %swap3A_449 = arith.constant 432 : index
          %swap3A_450 = tpu.vector_load %arg8[%swap3A_448, %swap3A_449] {strides = array<i32>} : memref<32x768xf32, #tpu.memory_space<vmem>>, vector<1x16xf32>,
          %swap3A_451 = vector.shape_cast %swap3A_450 : vector<1x16xf32> to vector<16xf32>
          %swap3A_452 = vector.shape_cast %get3A_256 : vector<16xf32> to vector<1x16xf32>
          tpu.vector_store %arg8[%swap3A_448, %swap3A_449], %swap3A_452 {add = true, strides = array<i32>} : memref<32x768xf32, #tpu.memory_space<vmem>>, vector<1x16xf32>,
          %swap3A_453 = arith.index_cast %scan3A_393 : i32 to index
          %swap3A_454 = arith.constant 448 : index
          %swap3A_455 = tpu.vector_load %arg8[%swap3A_453, %swap3A_454] {strides = array<i32>} : memref<32x768xf32, #tpu.memory_space<vmem>>, vector<1x16xf32>,
          %swap3A_456 = vector.shape_cast %swap3A_455 : vector<1x16xf32> to vector<16xf32>
          %swap3A_457 = vector.shape_cast %get3A_260 : vector<16xf32> to vector<1x16xf32>
          tpu.vector_store %arg8[%swap3A_453, %swap3A_454], %swap3A_457 {add = true, strides = array<i32>} : memref<32x768xf32, #tpu.memory_space<vmem>>, vector<1x16xf32>,
          %swap3A_458 = arith.index_cast %scan3A_393 : i32 to index
          %swap3A_459 = arith.constant 464 : index
          %swap3A_460 = tpu.vector_load %arg8[%swap3A_458, %swap3A_459] {strides = array<i32>} : memref<32x768xf32, #tpu.memory_space<vmem>>, vector<1x16xf32>,
          %swap3A_461 = vector.shape_cast %swap3A_460 : vector<1x16xf32> to vector<16xf32>
          %swap3A_462 = vector.shape_cast %get3A_264 : vector<16xf32> to vector<1x16xf32>
          tpu.vector_store %arg8[%swap3A_458, %swap3A_459], %swap3A_462 {add = true, strides = array<i32>} : memref<32x768xf32, #tpu.memory_space<vmem>>, vector<1x16xf32>,
          %swap3A_463 = arith.index_cast %scan3A_393 : i32 to index
          %swap3A_464 = arith.constant 480 : index
          %swap3A_465 = tpu.vector_load %arg8[%swap3A_463, %swap3A_464] {strides = array<i32>} : memref<32x768xf32, #tpu.memory_space<vmem>>, vector<1x16xf32>,
          %swap3A_466 = vector.shape_cast %swap3A_465 : vector<1x16xf32> to vector<16xf32>
          %swap3A_467 = vector.shape_cast %get3A_268 : vector<16xf32> to vector<1x16xf32>
          tpu.vector_store %arg8[%swap3A_463, %swap3A_464], %swap3A_467 {add = true, strides = array<i32>} : memref<32x768xf32, #tpu.memory_space<vmem>>, vector<1x16xf32>,
          %swap3A_468 = arith.index_cast %scan3A_393 : i32 to index
          %swap3A_469 = arith.constant 496 : index
          %swap3A_470 = tpu.vector_load %arg8[%swap3A_468, %swap3A_469] {strides = array<i32>} : memref<32x768xf32, #tpu.memory_space<vmem>>, vector<1x16xf32>,
          %swap3A_471 = vector.shape_cast %swap3A_470 : vector<1x16xf32> to vector<16xf32>
          %swap3A_472 = vector.shape_cast %get3A_272 : vector<16xf32> to vector<1x16xf32>
          tpu.vector_store %arg8[%swap3A_468, %swap3A_469], %swap3A_472 {add = true, strides = array<i32>} : memref<32x768xf32, #tpu.memory_space<vmem>>, vector<1x16xf32>,
        }
        %scan3A_278 = arith.constant 32 : i32
        %get3A_279 = arith.index_cast %add3A_25 : i32 to index
        %get3A_280 = arith.constant 512 : index
        %get3A_281 = tpu.vector_load %arg7[%get3A_279, %get3A_280] {strides = array<i32>} : memref<20x768xf32, #tpu.memory_space<vmem>>, vector<1x16xf32>,
        %get3A_282 = vector.shape_cast %get3A_281 : vector<1x16xf32> to vector<16xf32>
        %get3A_283 = arith.index_cast %add3A_25 : i32 to index
        %get3A_284 = arith.constant 528 : index
        %get3A_285 = tpu.vector_load %arg7[%get3A_283, %get3A_284] {strides = array<i32>} : memref<20x768xf32, #tpu.memory_space<vmem>>, vector<1x16xf32>,
        %get3A_286 = vector.shape_cast %get3A_285 : vector<1x16xf32> to vector<16xf32>
        %get3A_287 = arith.index_cast %add3A_25 : i32 to index
        %get3A_288 = arith.constant 544 : index
        %get3A_289 = tpu.vector_load %arg7[%get3A_287, %get3A_288] {strides = array<i32>} : memref<20x768xf32, #tpu.memory_space<vmem>>, vector<1x16xf32>,
        %get3A_290 = vector.shape_cast %get3A_289 : vector<1x16xf32> to vector<16xf32>
        %get3A_291 = arith.index_cast %add3A_25 : i32 to index
        %get3A_292 = arith.constant 560 : index
        %get3A_293 = tpu.vector_load %arg7[%get3A_291, %get3A_292] {strides = array<i32>} : memref<20x768xf32, #tpu.memory_space<vmem>>, vector<1x16xf32>,
        %get3A_294 = vector.shape_cast %get3A_293 : vector<1x16xf32> to vector<16xf32>
        %get3A_295 = arith.index_cast %add3A_25 : i32 to index
        %get3A_296 = arith.constant 576 : index
        %get3A_297 = tpu.vector_load %arg7[%get3A_295, %get3A_296] {strides = array<i32>} : memref<20x768xf32, #tpu.memory_space<vmem>>, vector<1x16xf32>,
        %get3A_298 = vector.shape_cast %get3A_297 : vector<1x16xf32> to vector<16xf32>
        %get3A_299 = arith.index_cast %add3A_25 : i32 to index
        %get3A_300 = arith.constant 592 : index
        %get3A_301 = tpu.vector_load %arg7[%get3A_299, %get3A_300] {strides = array<i32>} : memref<20x768xf32, #tpu.memory_space<vmem>>, vector<1x16xf32>,
        %get3A_302 = vector.shape_cast %get3A_301 : vector<1x16xf32> to vector<16xf32>
        %get3A_303 = arith.index_cast %add3A_25 : i32 to index
        %get3A_304 = arith.constant 608 : index
        %get3A_305 = tpu.vector_load %arg7[%get3A_303, %get3A_304] {strides = array<i32>} : memref<20x768xf32, #tpu.memory_space<vmem>>, vector<1x16xf32>,
        %get3A_306 = vector.shape_cast %get3A_305 : vector<1x16xf32> to vector<16xf32>
        %get3A_307 = arith.index_cast %add3A_25 : i32 to index
        %get3A_308 = arith.constant 624 : index
        %get3A_309 = tpu.vector_load %arg7[%get3A_307, %get3A_308] {strides = array<i32>} : memref<20x768xf32, #tpu.memory_space<vmem>>, vector<1x16xf32>,
        %get3A_310 = vector.shape_cast %get3A_309 : vector<1x16xf32> to vector<16xf32>
        %get3A_311 = arith.index_cast %add3A_25 : i32 to index
        %get3A_312 = arith.constant 640 : index
        %get3A_313 = tpu.vector_load %arg7[%get3A_311, %get3A_312] {strides = array<i32>} : memref<20x768xf32, #tpu.memory_space<vmem>>, vector<1x16xf32>,
        %get3A_314 = vector.shape_cast %get3A_313 : vector<1x16xf32> to vector<16xf32>
        %get3A_315 = arith.index_cast %add3A_25 : i32 to index
        %get3A_316 = arith.constant 656 : index
        %get3A_317 = tpu.vector_load %arg7[%get3A_315, %get3A_316] {strides = array<i32>} : memref<20x768xf32, #tpu.memory_space<vmem>>, vector<1x16xf32>,
        %get3A_318 = vector.shape_cast %get3A_317 : vector<1x16xf32> to vector<16xf32>
        %get3A_319 = arith.index_cast %add3A_25 : i32 to index
        %get3A_320 = arith.constant 672 : index
        %get3A_321 = tpu.vector_load %arg7[%get3A_319, %get3A_320] {strides = array<i32>} : memref<20x768xf32, #tpu.memory_space<vmem>>, vector<1x16xf32>,
        %get3A_322 = vector.shape_cast %get3A_321 : vector<1x16xf32> to vector<16xf32>
        %get3A_323 = arith.index_cast %add3A_25 : i32 to index
        %get3A_324 = arith.constant 688 : index
        %get3A_325 = tpu.vector_load %arg7[%get3A_323, %get3A_324] {strides = array<i32>} : memref<20x768xf32, #tpu.memory_space<vmem>>, vector<1x16xf32>,
        %get3A_326 = vector.shape_cast %get3A_325 : vector<1x16xf32> to vector<16xf32>
        %get3A_327 = arith.index_cast %add3A_25 : i32 to index
        %get3A_328 = arith.constant 704 : index
        %get3A_329 = tpu.vector_load %arg7[%get3A_327, %get3A_328] {strides = array<i32>} : memref<20x768xf32, #tpu.memory_space<vmem>>, vector<1x16xf32>,
        %get3A_330 = vector.shape_cast %get3A_329 : vector<1x16xf32> to vector<16xf32>
        %get3A_331 = arith.index_cast %add3A_25 : i32 to index
        %get3A_332 = arith.constant 720 : index
        %get3A_333 = tpu.vector_load %arg7[%get3A_331, %get3A_332] {strides = array<i32>} : memref<20x768xf32, #tpu.memory_space<vmem>>, vector<1x16xf32>,
        %get3A_334 = vector.shape_cast %get3A_333 : vector<1x16xf32> to vector<16xf32>
        %get3A_335 = arith.index_cast %add3A_25 : i32 to index
        %get3A_336 = arith.constant 736 : index
        %get3A_337 = tpu.vector_load %arg7[%get3A_335, %get3A_336] {strides = array<i32>} : memref<20x768xf32, #tpu.memory_space<vmem>>, vector<1x16xf32>,
        %get3A_338 = vector.shape_cast %get3A_337 : vector<1x16xf32> to vector<16xf32>
        %get3A_339 = arith.index_cast %add3A_25 : i32 to index
        %get3A_340 = arith.constant 752 : index
        %get3A_341 = tpu.vector_load %arg7[%get3A_339, %get3A_340] {strides = array<i32>} : memref<20x768xf32, #tpu.memory_space<vmem>>, vector<1x16xf32>,
        %get3A_342 = vector.shape_cast %get3A_341 : vector<1x16xf32> to vector<16xf32>
        %scan3A_343 = arith.constant 0 : i32
        %scan3A_344 = arith.constant 0 : i32
        %scan3A_345 = arith.constant 32 : i32
        %scan3A_346 = arith.addi %scan3A_344, %scan3A_345 : i32
        %scan3A_347 = arith.constant 1 : i32
        scf.for %scan3A_393 = %scan3A_344 to %scan3A_346 step %scan3A_347  : i32 {
          %swap3A = arith.index_cast %scan3A_393 : i32 to index
          %swap3A_394 = arith.constant 512 : index
          %swap3A_395 = tpu.vector_load %arg8[%swap3A, %swap3A_394] {strides = array<i32>} : memref<32x768xf32, #tpu.memory_space<vmem>>, vector<1x16xf32>,
          %swap3A_396 = vector.shape_cast %swap3A_395 : vector<1x16xf32> to vector<16xf32>
          %swap3A_397 = vector.shape_cast %get3A_282 : vector<16xf32> to vector<1x16xf32>
          tpu.vector_store %arg8[%swap3A, %swap3A_394], %swap3A_397 {add = true, strides = array<i32>} : memref<32x768xf32, #tpu.memory_space<vmem>>, vector<1x16xf32>,
          %swap3A_398 = arith.index_cast %scan3A_393 : i32 to index
          %swap3A_399 = arith.constant 528 : index
          %swap3A_400 = tpu.vector_load %arg8[%swap3A_398, %swap3A_399] {strides = array<i32>} : memref<32x768xf32, #tpu.memory_space<vmem>>, vector<1x16xf32>,
          %swap3A_401 = vector.shape_cast %swap3A_400 : vector<1x16xf32> to vector<16xf32>
          %swap3A_402 = vector.shape_cast %get3A_286 : vector<16xf32> to vector<1x16xf32>
          tpu.vector_store %arg8[%swap3A_398, %swap3A_399], %swap3A_402 {add = true, strides = array<i32>} : memref<32x768xf32, #tpu.memory_space<vmem>>, vector<1x16xf32>,
          %swap3A_403 = arith.index_cast %scan3A_393 : i32 to index
          %swap3A_404 = arith.constant 544 : index
          %swap3A_405 = tpu.vector_load %arg8[%swap3A_403, %swap3A_404] {strides = array<i32>} : memref<32x768xf32, #tpu.memory_space<vmem>>, vector<1x16xf32>,
          %swap3A_406 = vector.shape_cast %swap3A_405 : vector<1x16xf32> to vector<16xf32>
          %swap3A_407 = vector.shape_cast %get3A_290 : vector<16xf32> to vector<1x16xf32>
          tpu.vector_store %arg8[%swap3A_403, %swap3A_404], %swap3A_407 {add = true, strides = array<i32>} : memref<32x768xf32, #tpu.memory_space<vmem>>, vector<1x16xf32>,
          %swap3A_408 = arith.index_cast %scan3A_393 : i32 to index
          %swap3A_409 = arith.constant 560 : index
          %swap3A_410 = tpu.vector_load %arg8[%swap3A_408, %swap3A_409] {strides = array<i32>} : memref<32x768xf32, #tpu.memory_space<vmem>>, vector<1x16xf32>,
          %swap3A_411 = vector.shape_cast %swap3A_410 : vector<1x16xf32> to vector<16xf32>
          %swap3A_412 = vector.shape_cast %get3A_294 : vector<16xf32> to vector<1x16xf32>
          tpu.vector_store %arg8[%swap3A_408, %swap3A_409], %swap3A_412 {add = true, strides = array<i32>} : memref<32x768xf32, #tpu.memory_space<vmem>>, vector<1x16xf32>,
          %swap3A_413 = arith.index_cast %scan3A_393 : i32 to index
          %swap3A_414 = arith.constant 576 : index
          %swap3A_415 = tpu.vector_load %arg8[%swap3A_413, %swap3A_414] {strides = array<i32>} : memref<32x768xf32, #tpu.memory_space<vmem>>, vector<1x16xf32>,
          %swap3A_416 = vector.shape_cast %swap3A_415 : vector<1x16xf32> to vector<16xf32>
          %swap3A_417 = vector.shape_cast %get3A_298 : vector<16xf32> to vector<1x16xf32>
          tpu.vector_store %arg8[%swap3A_413, %swap3A_414], %swap3A_417 {add = true, strides = array<i32>} : memref<32x768xf32, #tpu.memory_space<vmem>>, vector<1x16xf32>,
          %swap3A_418 = arith.index_cast %scan3A_393 : i32 to index
          %swap3A_419 = arith.constant 592 : index
          %swap3A_420 = tpu.vector_load %arg8[%swap3A_418, %swap3A_419] {strides = array<i32>} : memref<32x768xf32, #tpu.memory_space<vmem>>, vector<1x16xf32>,
          %swap3A_421 = vector.shape_cast %swap3A_420 : vector<1x16xf32> to vector<16xf32>
          %swap3A_422 = vector.shape_cast %get3A_302 : vector<16xf32> to vector<1x16xf32>
          tpu.vector_store %arg8[%swap3A_418, %swap3A_419], %swap3A_422 {add = true, strides = array<i32>} : memref<32x768xf32, #tpu.memory_space<vmem>>, vector<1x16xf32>,
          %swap3A_423 = arith.index_cast %scan3A_393 : i32 to index
          %swap3A_424 = arith.constant 608 : index
          %swap3A_425 = tpu.vector_load %arg8[%swap3A_423, %swap3A_424] {strides = array<i32>} : memref<32x768xf32, #tpu.memory_space<vmem>>, vector<1x16xf32>,
          %swap3A_426 = vector.shape_cast %swap3A_425 : vector<1x16xf32> to vector<16xf32>
          %swap3A_427 = vector.shape_cast %get3A_306 : vector<16xf32> to vector<1x16xf32>
          tpu.vector_store %arg8[%swap3A_423, %swap3A_424], %swap3A_427 {add = true, strides = array<i32>} : memref<32x768xf32, #tpu.memory_space<vmem>>, vector<1x16xf32>,
          %swap3A_428 = arith.index_cast %scan3A_393 : i32 to index
          %swap3A_429 = arith.constant 624 : index
          %swap3A_430 = tpu.vector_load %arg8[%swap3A_428, %swap3A_429] {strides = array<i32>} : memref<32x768xf32, #tpu.memory_space<vmem>>, vector<1x16xf32>,
          %swap3A_431 = vector.shape_cast %swap3A_430 : vector<1x16xf32> to vector<16xf32>
          %swap3A_432 = vector.shape_cast %get3A_310 : vector<16xf32> to vector<1x16xf32>
          tpu.vector_store %arg8[%swap3A_428, %swap3A_429], %swap3A_432 {add = true, strides = array<i32>} : memref<32x768xf32, #tpu.memory_space<vmem>>, vector<1x16xf32>,
          %swap3A_433 = arith.index_cast %scan3A_393 : i32 to index
          %swap3A_434 = arith.constant 640 : index
          %swap3A_435 = tpu.vector_load %arg8[%swap3A_433, %swap3A_434] {strides = array<i32>} : memref<32x768xf32, #tpu.memory_space<vmem>>, vector<1x16xf32>,
          %swap3A_436 = vector.shape_cast %swap3A_435 : vector<1x16xf32> to vector<16xf32>
          %swap3A_437 = vector.shape_cast %get3A_314 : vector<16xf32> to vector<1x16xf32>
          tpu.vector_store %arg8[%swap3A_433, %swap3A_434], %swap3A_437 {add = true, strides = array<i32>} : memref<32x768xf32, #tpu.memory_space<vmem>>, vector<1x16xf32>,
          %swap3A_438 = arith.index_cast %scan3A_393 : i32 to index
          %swap3A_439 = arith.constant 656 : index
          %swap3A_440 = tpu.vector_load %arg8[%swap3A_438, %swap3A_439] {strides = array<i32>} : memref<32x768xf32, #tpu.memory_space<vmem>>, vector<1x16xf32>,
          %swap3A_441 = vector.shape_cast %swap3A_440 : vector<1x16xf32> to vector<16xf32>
          %swap3A_442 = vector.shape_cast %get3A_318 : vector<16xf32> to vector<1x16xf32>
          tpu.vector_store %arg8[%swap3A_438, %swap3A_439], %swap3A_442 {add = true, strides = array<i32>} : memref<32x768xf32, #tpu.memory_space<vmem>>, vector<1x16xf32>,
          %swap3A_443 = arith.index_cast %scan3A_393 : i32 to index
          %swap3A_444 = arith.constant 672 : index
          %swap3A_445 = tpu.vector_load %arg8[%swap3A_443, %swap3A_444] {strides = array<i32>} : memref<32x768xf32, #tpu.memory_space<vmem>>, vector<1x16xf32>,
          %swap3A_446 = vector.shape_cast %swap3A_445 : vector<1x16xf32> to vector<16xf32>
          %swap3A_447 = vector.shape_cast %get3A_322 : vector<16xf32> to vector<1x16xf32>
          tpu.vector_store %arg8[%swap3A_443, %swap3A_444], %swap3A_447 {add = true, strides = array<i32>} : memref<32x768xf32, #tpu.memory_space<vmem>>, vector<1x16xf32>,
          %swap3A_448 = arith.index_cast %scan3A_393 : i32 to index
          %swap3A_449 = arith.constant 688 : index
          %swap3A_450 = tpu.vector_load %arg8[%swap3A_448, %swap3A_449] {strides = array<i32>} : memref<32x768xf32, #tpu.memory_space<vmem>>, vector<1x16xf32>,
          %swap3A_451 = vector.shape_cast %swap3A_450 : vector<1x16xf32> to vector<16xf32>
          %swap3A_452 = vector.shape_cast %get3A_326 : vector<16xf32> to vector<1x16xf32>
          tpu.vector_store %arg8[%swap3A_448, %swap3A_449], %swap3A_452 {add = true, strides = array<i32>} : memref<32x768xf32, #tpu.memory_space<vmem>>, vector<1x16xf32>,
          %swap3A_453 = arith.index_cast %scan3A_393 : i32 to index
          %swap3A_454 = arith.constant 704 : index
          %swap3A_455 = tpu.vector_load %arg8[%swap3A_453, %swap3A_454] {strides = array<i32>} : memref<32x768xf32, #tpu.memory_space<vmem>>, vector<1x16xf32>,
          %swap3A_456 = vector.shape_cast %swap3A_455 : vector<1x16xf32> to vector<16xf32>
          %swap3A_457 = vector.shape_cast %get3A_330 : vector<16xf32> to vector<1x16xf32>
          tpu.vector_store %arg8[%swap3A_453, %swap3A_454], %swap3A_457 {add = true, strides = array<i32>} : memref<32x768xf32, #tpu.memory_space<vmem>>, vector<1x16xf32>,
          %swap3A_458 = arith.index_cast %scan3A_393 : i32 to index
          %swap3A_459 = arith.constant 720 : index
          %swap3A_460 = tpu.vector_load %arg8[%swap3A_458, %swap3A_459] {strides = array<i32>} : memref<32x768xf32, #tpu.memory_space<vmem>>, vector<1x16xf32>,
          %swap3A_461 = vector.shape_cast %swap3A_460 : vector<1x16xf32> to vector<16xf32>
          %swap3A_462 = vector.shape_cast %get3A_334 : vector<16xf32> to vector<1x16xf32>
          tpu.vector_store %arg8[%swap3A_458, %swap3A_459], %swap3A_462 {add = true, strides = array<i32>} : memref<32x768xf32, #tpu.memory_space<vmem>>, vector<1x16xf32>,
          %swap3A_463 = arith.index_cast %scan3A_393 : i32 to index
          %swap3A_464 = arith.constant 736 : index
          %swap3A_465 = tpu.vector_load %arg8[%swap3A_463, %swap3A_464] {strides = array<i32>} : memref<32x768xf32, #tpu.memory_space<vmem>>, vector<1x16xf32>,
          %swap3A_466 = vector.shape_cast %swap3A_465 : vector<1x16xf32> to vector<16xf32>
          %swap3A_467 = vector.shape_cast %get3A_338 : vector<16xf32> to vector<1x16xf32>
          tpu.vector_store %arg8[%swap3A_463, %swap3A_464], %swap3A_467 {add = true, strides = array<i32>} : memref<32x768xf32, #tpu.memory_space<vmem>>, vector<1x16xf32>,
          %swap3A_468 = arith.index_cast %scan3A_393 : i32 to index
          %swap3A_469 = arith.constant 752 : index
          %swap3A_470 = tpu.vector_load %arg8[%swap3A_468, %swap3A_469] {strides = array<i32>} : memref<32x768xf32, #tpu.memory_space<vmem>>, vector<1x16xf32>,
          %swap3A_471 = vector.shape_cast %swap3A_470 : vector<1x16xf32> to vector<16xf32>
          %swap3A_472 = vector.shape_cast %get3A_342 : vector<16xf32> to vector<1x16xf32>
          tpu.vector_store %arg8[%swap3A_468, %swap3A_469], %swap3A_472 {add = true, strides = array<i32>} : memref<32x768xf32, #tpu.memory_space<vmem>>, vector<1x16xf32>,
        }
        %scan3A_348 = arith.constant 32 : i32
        %mul3A_349 = arith.constant 32 : i32
        %mul3A_350 = arith.muli %mul3A_349, %add3A_25 : i32
        %add3A_351 = arith.addi %add3A, %mul3A_350 : i32
        %jit3A = arith.constant 8 : i32
        %div3A = arith.divsi %add3A_351, %jit3A : i32
        %sign3A = arith.constant 0 : i32
        %sign3A_352 = arith.cmpi sgt, %add3A_351, %sign3A : i32
        %sign3A_353 = arith.extui %sign3A_352 : i1 to i32
        %sign3A_354 = arith.constant 0 : i32
        %sign3A_355 = arith.cmpi slt, %add3A_351, %sign3A_354 : i32
        %sign3A_356 = arith.extui %sign3A_355 : i1 to i32
        %sign3A_357 = arith.subi %sign3A_353, %sign3A_356 : i32
        %sign3A_358 = arith.constant 0 : i32
        %sign3A_359 = arith.cmpi sgt, %jit3A, %sign3A_358 : i32
        %sign3A_360 = arith.extui %sign3A_359 : i1 to i32
        %sign3A_361 = arith.constant 0 : i32
        %sign3A_362 = arith.cmpi slt, %jit3A, %sign3A_361 : i32
        %sign3A_363 = arith.extui %sign3A_362 : i1 to i32
        %sign3A_364 = arith.subi %sign3A_360, %sign3A_363 : i32
        %ne3A = arith.cmpi ne, %sign3A_357, %sign3A_364 : i32
        %rem3A = arith.remsi %add3A_351, %jit3A : i32
        %ne3A_365 = arith.constant 0 : i32
        %ne3A_366 = arith.cmpi ne, %rem3A, %ne3A_365 : i32
        %and3A_367 = arith.andi %ne3A, %ne3A_366 : i1
        %sub3A_368 = arith.constant 1 : i32
        %sub3A_369 = arith.subi %div3A, %sub3A_368 : i32
        %select_n3A = arith.select %and3A_367, %sub3A_369, %div3A : i32
        %jit3A_370 = arith.constant 8 : i32
        %eq3A = arith.constant 0 : i32
        %eq3A_371 = arith.cmpi eq, %jit3A_370, %eq3A : i32
        %jit3A_372 = arith.constant 1 : i32
        %select_n3A_373 = arith.select %eq3A_371, %jit3A_372, %jit3A_370 : i32
        %rem3A_374 = arith.remsi %add3A_351, %select_n3A_373 : i32
        %ne3A_375 = arith.constant 0 : i32
        %ne3A_376 = arith.cmpi ne, %rem3A_374, %ne3A_375 : i32
        %lt3A_377 = arith.constant 0 : i32
        %lt3A_378 = arith.cmpi slt, %rem3A_374, %lt3A_377 : i32
        %lt3A_379 = arith.constant 0 : i32
        %lt3A_380 = arith.cmpi slt, %select_n3A_373, %lt3A_379 : i32
        %ne3A_381 = arith.xori %lt3A_378, %lt3A_380 : i1
        %and3A_382 = arith.andi %ne3A_381, %ne3A_376 : i1
        %add3A_383 = arith.addi %rem3A_374, %select_n3A_373 : i32
        %select_n3A_384 = arith.select %and3A_382, %add3A_383, %rem3A_374 : i32
        %mul3A_385 = arith.constant 32 : i32
        %mul3A_386 = arith.muli %select_n3A_384, %mul3A_385 : i32
        %multiple_of3A = tpu.assume_multiple %mul3A_386, 32 : i32
        %dma_start3A_387 = arith.constant 0 : i32
        %dma_start3A_388 = tpu.memref_slice %arg5[%select_n3A, %multiple_of3A, %dma_start3A_387] : memref<77x256x768xf32, #tpu.memory_space<hbm>> -> memref<1x32x768xf32, #tpu.memory_space<hbm>>
        %dma_start3A_389 = tpu.memref_squeeze %dma_start3A_388 : memref<1x32x768xf32, #tpu.memory_space<hbm>> -> memref<32x768xf32, #tpu.memory_space<hbm>>
        %dma_start3A_390 = arith.constant 0 : i32
        %dma_start3A_391 = tpu.memref_slice %arg5[%select_n3A, %multiple_of3A, %dma_start3A_390] : memref<77x256x768xf32, #tpu.memory_space<hbm>> -> memref<1x32x768xf32, #tpu.memory_space<hbm>>
        %dma_start3A_392 = tpu.memref_squeeze %dma_start3A_391 : memref<1x32x768xf32, #tpu.memory_space<hbm>> -> memref<32x768xf32, #tpu.memory_space<hbm>>
        tpu.enqueue_dma source(%arg8 : memref<32x768xf32, #tpu.memory_space<vmem>>) target(%dma_start3A_392 : memref<32x768xf32, #tpu.memory_space<hbm>>) target_semaphore(%arg14 : memref<!tpu.dma_semaphore, #tpu.memory_space<semaphore_mem>>)
      } else {
      }
      %mul3A_59 = arith.constant 3 : i32
      %mul3A_60 = arith.muli %scan3A_20, %mul3A_59 : i32
      %add3A_61 = arith.constant 1 : i32
      %add3A_62 = arith.addi %mul3A_60, %add3A_61 : i32
      %mul3A_63 = arith.constant 32 : i32
      %mul3A_64 = arith.muli %mul3A_63, %add3A_62 : i32
      %add3A_65 = arith.addi %add3A, %mul3A_64 : i32
      %lt3A_66 = arith.constant 616 : i32
      %lt3A_67 = arith.cmpi slt, %add3A_65, %lt3A_66 : i32
      %convert_element_type3A_68 = arith.extui %lt3A_67 : i1 to i32
      %cond3A_69 = arith.constant 0 : i32
      %cond3A_70 = arith.cmpi ne, %convert_element_type3A_68, %cond3A_69 : i32
      scf.if %cond3A_70 {
        %dma_wait3A = arith.constant 0 : i32
        %dma_wait3A_140 = tpu.memref_slice %arg6[%add3A_62, %dma_wait3A] : memref<20x32xi32, #tpu.memory_space<vmem>> -> memref<1x32xi32, #tpu.memory_space<vmem>>
        %dma_wait3A_141 = tpu.memref_squeeze %dma_wait3A_140 : memref<1x32xi32, #tpu.memory_space<vmem>> -> memref<32xi32, #tpu.memory_space<vmem>>
        %dma_wait3A_142 = arith.constant 0 : i32
        %dma_wait3A_143 = arith.constant 0 : i32
        %dma_wait3A_144 = tpu.memref_slice %arg3[%dma_wait3A_142, %dma_wait3A_143] : memref<49408x768xf32, #tpu.memory_space<hbm>> -> memref<49408x768xf32, #tpu.memory_space<hbm>>
        tpu.wait_indirect_dma semaphore(%arg12 : memref<!tpu.dma_semaphore, #tpu.memory_space<semaphore_mem>>) src(%dma_wait3A_144 : memref<49408x768xf32, #tpu.memory_space<hbm>>) dst(%arg9 : memref<32x768xf32, #tpu.memory_space<vmem>>)
      } else {
      }
      %sub3A_71 = arith.constant 1 : i32
      %sub3A_72 = arith.subi %add3A_62, %sub3A_71 : i32
      %mul3A_73 = arith.constant 32 : i32
      %mul3A_74 = arith.muli %mul3A_73, %sub3A_72 : i32
      %add3A_75 = arith.addi %add3A, %mul3A_74 : i32
      %lt3A_76 = arith.constant 616 : i32
      %lt3A_77 = arith.cmpi slt, %add3A_75, %lt3A_76 : i32
      %convert_element_type3A_78 = arith.extui %lt3A_77 : i1 to i32
      %cond3A_79 = arith.constant 0 : i32
      %cond3A_80 = arith.cmpi ne, %convert_element_type3A_78, %cond3A_79 : i32
      scf.if %cond3A_80 {
        %sub3A_140 = arith.constant 1 : i32
        %sub3A_141 = arith.subi %add3A_62, %sub3A_140 : i32
        %mul3A_142 = arith.constant 32 : i32
        %mul3A_143 = arith.muli %mul3A_142, %sub3A_141 : i32
        %add3A_144 = arith.addi %add3A, %mul3A_143 : i32
        %jit3A = arith.constant 8 : i32
        %div3A = arith.divsi %add3A_144, %jit3A : i32
        %sign3A = arith.constant 0 : i32
        %sign3A_145 = arith.cmpi sgt, %add3A_144, %sign3A : i32
        %sign3A_146 = arith.extui %sign3A_145 : i1 to i32
        %sign3A_147 = arith.constant 0 : i32
        %sign3A_148 = arith.cmpi slt, %add3A_144, %sign3A_147 : i32
        %sign3A_149 = arith.extui %sign3A_148 : i1 to i32
        %sign3A_150 = arith.subi %sign3A_146, %sign3A_149 : i32
        %sign3A_151 = arith.constant 0 : i32
        %sign3A_152 = arith.cmpi sgt, %jit3A, %sign3A_151 : i32
        %sign3A_153 = arith.extui %sign3A_152 : i1 to i32
        %sign3A_154 = arith.constant 0 : i32
        %sign3A_155 = arith.cmpi slt, %jit3A, %sign3A_154 : i32
        %sign3A_156 = arith.extui %sign3A_155 : i1 to i32
        %sign3A_157 = arith.subi %sign3A_153, %sign3A_156 : i32
        %ne3A = arith.cmpi ne, %sign3A_150, %sign3A_157 : i32
        %rem3A = arith.remsi %add3A_144, %jit3A : i32
        %ne3A_158 = arith.constant 0 : i32
        %ne3A_159 = arith.cmpi ne, %rem3A, %ne3A_158 : i32
        %and3A_160 = arith.andi %ne3A, %ne3A_159 : i1
        %sub3A_161 = arith.constant 1 : i32
        %sub3A_162 = arith.subi %div3A, %sub3A_161 : i32
        %select_n3A = arith.select %and3A_160, %sub3A_162, %div3A : i32
        %jit3A_163 = arith.constant 8 : i32
        %eq3A = arith.constant 0 : i32
        %eq3A_164 = arith.cmpi eq, %jit3A_163, %eq3A : i32
        %jit3A_165 = arith.constant 1 : i32
        %select_n3A_166 = arith.select %eq3A_164, %jit3A_165, %jit3A_163 : i32
        %rem3A_167 = arith.remsi %add3A_144, %select_n3A_166 : i32
        %ne3A_168 = arith.constant 0 : i32
        %ne3A_169 = arith.cmpi ne, %rem3A_167, %ne3A_168 : i32
        %lt3A_170 = arith.constant 0 : i32
        %lt3A_171 = arith.cmpi slt, %rem3A_167, %lt3A_170 : i32
        %lt3A_172 = arith.constant 0 : i32
        %lt3A_173 = arith.cmpi slt, %select_n3A_166, %lt3A_172 : i32
        %ne3A_174 = arith.xori %lt3A_171, %lt3A_173 : i1
        %and3A_175 = arith.andi %ne3A_174, %ne3A_169 : i1
        %add3A_176 = arith.addi %rem3A_167, %select_n3A_166 : i32
        %select_n3A_177 = arith.select %and3A_175, %add3A_176, %rem3A_167 : i32
        %mul3A_178 = arith.constant 32 : i32
        %mul3A_179 = arith.muli %select_n3A_177, %mul3A_178 : i32
        %multiple_of3A = tpu.assume_multiple %mul3A_179, 32 : i32
        %dma_wait3A = arith.constant 0 : i32
        %dma_wait3A_180 = tpu.memref_slice %arg5[%select_n3A, %multiple_of3A, %dma_wait3A] : memref<77x256x768xf32, #tpu.memory_space<hbm>> -> memref<1x32x768xf32, #tpu.memory_space<hbm>>
        %dma_wait3A_181 = tpu.memref_squeeze %dma_wait3A_180 : memref<1x32x768xf32, #tpu.memory_space<hbm>> -> memref<32x768xf32, #tpu.memory_space<hbm>>
        %dma_wait3A_182 = arith.constant 0 : i32
        %dma_wait3A_183 = tpu.memref_slice %arg5[%select_n3A, %multiple_of3A, %dma_wait3A_182] : memref<77x256x768xf32, #tpu.memory_space<hbm>> -> memref<1x32x768xf32, #tpu.memory_space<hbm>>
        %dma_wait3A_184 = tpu.memref_squeeze %dma_wait3A_183 : memref<1x32x768xf32, #tpu.memory_space<hbm>> -> memref<32x768xf32, #tpu.memory_space<hbm>>
        tpu.wait_dma2 semaphore(%arg14 : memref<!tpu.dma_semaphore, #tpu.memory_space<semaphore_mem>>) src(%arg8 : memref<32x768xf32, #tpu.memory_space<vmem>>) dst(%dma_wait3A_184 : memref<32x768xf32, #tpu.memory_space<hbm>>)
      } else {
      }
      %add3A_81 = arith.constant 2 : i32
      %add3A_82 = arith.addi %add3A_62, %add3A_81 : i32
      %mul3A_83 = arith.constant 32 : i32
      %mul3A_84 = arith.muli %mul3A_83, %add3A_82 : i32
      %add3A_85 = arith.addi %add3A, %mul3A_84 : i32
      %lt3A_86 = arith.constant 616 : i32
      %lt3A_87 = arith.cmpi slt, %add3A_85, %lt3A_86 : i32
      %convert_element_type3A_88 = arith.extui %lt3A_87 : i1 to i32
      %cond3A_89 = arith.constant 0 : i32
      %cond3A_90 = arith.cmpi ne, %convert_element_type3A_88, %cond3A_89 : i32
      scf.if %cond3A_90 {
        %add3A_140 = arith.constant 2 : i32
        %add3A_141 = arith.addi %add3A_62, %add3A_140 : i32
        %dma_start3A_142 = arith.constant 0 : i32
        %dma_start3A_143 = tpu.memref_slice %arg6[%add3A_141, %dma_start3A_142] : memref<20x32xi32, #tpu.memory_space<vmem>> -> memref<1x32xi32, #tpu.memory_space<vmem>>
        %dma_start3A_144 = tpu.memref_squeeze %dma_start3A_143 : memref<1x32xi32, #tpu.memory_space<vmem>> -> memref<32xi32, #tpu.memory_space<vmem>>
        %dma_start3A_145 = arith.constant 0 : i32
        %dma_start3A_146 = arith.constant 0 : i32
        %dma_start3A_147 = tpu.memref_slice %arg3[%dma_start3A_145, %dma_start3A_146] : memref<49408x768xf32, #tpu.memory_space<hbm>> -> memref<49408x768xf32, #tpu.memory_space<hbm>>
        tpu.enqueue_indirect_dma source(%dma_start3A_147 : memref<49408x768xf32, #tpu.memory_space<hbm>>) target(%arg8 : memref<32x768xf32, #tpu.memory_space<vmem>>) offsets(%dma_start3A_144 : memref<32xi32, #tpu.memory_space<vmem>>) semaphore(%arg11 : memref<!tpu.dma_semaphore, #tpu.memory_space<semaphore_mem>>)
      } else {
      }
      %mul3A_91 = arith.constant 32 : i32
      %mul3A_92 = arith.muli %mul3A_91, %add3A_62 : i32
      %add3A_93 = arith.addi %add3A, %mul3A_92 : i32
      %lt3A_94 = arith.constant 616 : i32
      %lt3A_95 = arith.cmpi slt, %add3A_93, %lt3A_94 : i32
      %convert_element_type3A_96 = arith.extui %lt3A_95 : i1 to i32
      %cond3A_97 = arith.constant 0 : i32
      %cond3A_98 = arith.cmpi ne, %convert_element_type3A_96, %cond3A_97 : i32
      scf.if %cond3A_98 {
        %get3A = arith.index_cast %add3A_62 : i32 to index
        %get3A_140 = arith.constant 0 : index
        %get3A_141 = tpu.vector_load %arg7[%get3A, %get3A_140] {strides = array<i32>} : memref<20x768xf32, #tpu.memory_space<vmem>>, vector<1x16xf32>,
        %get3A_142 = vector.shape_cast %get3A_141 : vector<1x16xf32> to vector<16xf32>
        %get3A_143 = arith.index_cast %add3A_62 : i32 to index
        %get3A_144 = arith.constant 16 : index
        %get3A_145 = tpu.vector_load %arg7[%get3A_143, %get3A_144] {strides = array<i32>} : memref<20x768xf32, #tpu.memory_space<vmem>>, vector<1x16xf32>,
        %get3A_146 = vector.shape_cast %get3A_145 : vector<1x16xf32> to vector<16xf32>
        %get3A_147 = arith.index_cast %add3A_62 : i32 to index
        %get3A_148 = arith.constant 32 : index
        %get3A_149 = tpu.vector_load %arg7[%get3A_147, %get3A_148] {strides = array<i32>} : memref<20x768xf32, #tpu.memory_space<vmem>>, vector<1x16xf32>,
        %get3A_150 = vector.shape_cast %get3A_149 : vector<1x16xf32> to vector<16xf32>
        %get3A_151 = arith.index_cast %add3A_62 : i32 to index
        %get3A_152 = arith.constant 48 : index
        %get3A_153 = tpu.vector_load %arg7[%get3A_151, %get3A_152] {strides = array<i32>} : memref<20x768xf32, #tpu.memory_space<vmem>>, vector<1x16xf32>,
        %get3A_154 = vector.shape_cast %get3A_153 : vector<1x16xf32> to vector<16xf32>
        %get3A_155 = arith.index_cast %add3A_62 : i32 to index
        %get3A_156 = arith.constant 64 : index
        %get3A_157 = tpu.vector_load %arg7[%get3A_155, %get3A_156] {strides = array<i32>} : memref<20x768xf32, #tpu.memory_space<vmem>>, vector<1x16xf32>,
        %get3A_158 = vector.shape_cast %get3A_157 : vector<1x16xf32> to vector<16xf32>
        %get3A_159 = arith.index_cast %add3A_62 : i32 to index
        %get3A_160 = arith.constant 80 : index
        %get3A_161 = tpu.vector_load %arg7[%get3A_159, %get3A_160] {strides = array<i32>} : memref<20x768xf32, #tpu.memory_space<vmem>>, vector<1x16xf32>,
        %get3A_162 = vector.shape_cast %get3A_161 : vector<1x16xf32> to vector<16xf32>
        %get3A_163 = arith.index_cast %add3A_62 : i32 to index
        %get3A_164 = arith.constant 96 : index
        %get3A_165 = tpu.vector_load %arg7[%get3A_163, %get3A_164] {strides = array<i32>} : memref<20x768xf32, #tpu.memory_space<vmem>>, vector<1x16xf32>,
        %get3A_166 = vector.shape_cast %get3A_165 : vector<1x16xf32> to vector<16xf32>
        %get3A_167 = arith.index_cast %add3A_62 : i32 to index
        %get3A_168 = arith.constant 112 : index
        %get3A_169 = tpu.vector_load %arg7[%get3A_167, %get3A_168] {strides = array<i32>} : memref<20x768xf32, #tpu.memory_space<vmem>>, vector<1x16xf32>,
        %get3A_170 = vector.shape_cast %get3A_169 : vector<1x16xf32> to vector<16xf32>
        %get3A_171 = arith.index_cast %add3A_62 : i32 to index
        %get3A_172 = arith.constant 128 : index
        %get3A_173 = tpu.vector_load %arg7[%get3A_171, %get3A_172] {strides = array<i32>} : memref<20x768xf32, #tpu.memory_space<vmem>>, vector<1x16xf32>,
        %get3A_174 = vector.shape_cast %get3A_173 : vector<1x16xf32> to vector<16xf32>
        %get3A_175 = arith.index_cast %add3A_62 : i32 to index
        %get3A_176 = arith.constant 144 : index
        %get3A_177 = tpu.vector_load %arg7[%get3A_175, %get3A_176] {strides = array<i32>} : memref<20x768xf32, #tpu.memory_space<vmem>>, vector<1x16xf32>,
        %get3A_178 = vector.shape_cast %get3A_177 : vector<1x16xf32> to vector<16xf32>
        %get3A_179 = arith.index_cast %add3A_62 : i32 to index
        %get3A_180 = arith.constant 160 : index
        %get3A_181 = tpu.vector_load %arg7[%get3A_179, %get3A_180] {strides = array<i32>} : memref<20x768xf32, #tpu.memory_space<vmem>>, vector<1x16xf32>,
        %get3A_182 = vector.shape_cast %get3A_181 : vector<1x16xf32> to vector<16xf32>
        %get3A_183 = arith.index_cast %add3A_62 : i32 to index
        %get3A_184 = arith.constant 176 : index
        %get3A_185 = tpu.vector_load %arg7[%get3A_183, %get3A_184] {strides = array<i32>} : memref<20x768xf32, #tpu.memory_space<vmem>>, vector<1x16xf32>,
        %get3A_186 = vector.shape_cast %get3A_185 : vector<1x16xf32> to vector<16xf32>
        %get3A_187 = arith.index_cast %add3A_62 : i32 to index
        %get3A_188 = arith.constant 192 : index
        %get3A_189 = tpu.vector_load %arg7[%get3A_187, %get3A_188] {strides = array<i32>} : memref<20x768xf32, #tpu.memory_space<vmem>>, vector<1x16xf32>,
        %get3A_190 = vector.shape_cast %get3A_189 : vector<1x16xf32> to vector<16xf32>
        %get3A_191 = arith.index_cast %add3A_62 : i32 to index
        %get3A_192 = arith.constant 208 : index
        %get3A_193 = tpu.vector_load %arg7[%get3A_191, %get3A_192] {strides = array<i32>} : memref<20x768xf32, #tpu.memory_space<vmem>>, vector<1x16xf32>,
        %get3A_194 = vector.shape_cast %get3A_193 : vector<1x16xf32> to vector<16xf32>
        %get3A_195 = arith.index_cast %add3A_62 : i32 to index
        %get3A_196 = arith.constant 224 : index
        %get3A_197 = tpu.vector_load %arg7[%get3A_195, %get3A_196] {strides = array<i32>} : memref<20x768xf32, #tpu.memory_space<vmem>>, vector<1x16xf32>,
        %get3A_198 = vector.shape_cast %get3A_197 : vector<1x16xf32> to vector<16xf32>
        %get3A_199 = arith.index_cast %add3A_62 : i32 to index
        %get3A_200 = arith.constant 240 : index
        %get3A_201 = tpu.vector_load %arg7[%get3A_199, %get3A_200] {strides = array<i32>} : memref<20x768xf32, #tpu.memory_space<vmem>>, vector<1x16xf32>,
        %get3A_202 = vector.shape_cast %get3A_201 : vector<1x16xf32> to vector<16xf32>
        %scan3A_203 = arith.constant 0 : i32
        %scan3A_204 = arith.constant 0 : i32
        %scan3A_205 = arith.constant 32 : i32
        %scan3A_206 = arith.addi %scan3A_204, %scan3A_205 : i32
        %scan3A_207 = arith.constant 1 : i32
        scf.for %scan3A_393 = %scan3A_204 to %scan3A_206 step %scan3A_207  : i32 {
          %swap3A = arith.index_cast %scan3A_393 : i32 to index
          %swap3A_394 = arith.constant 0 : index
          %swap3A_395 = tpu.vector_load %arg9[%swap3A, %swap3A_394] {strides = array<i32>} : memref<32x768xf32, #tpu.memory_space<vmem>>, vector<1x16xf32>,
          %swap3A_396 = vector.shape_cast %swap3A_395 : vector<1x16xf32> to vector<16xf32>
          %swap3A_397 = vector.shape_cast %get3A_142 : vector<16xf32> to vector<1x16xf32>
          tpu.vector_store %arg9[%swap3A, %swap3A_394], %swap3A_397 {add = true, strides = array<i32>} : memref<32x768xf32, #tpu.memory_space<vmem>>, vector<1x16xf32>,
          %swap3A_398 = arith.index_cast %scan3A_393 : i32 to index
          %swap3A_399 = arith.constant 16 : index
          %swap3A_400 = tpu.vector_load %arg9[%swap3A_398, %swap3A_399] {strides = array<i32>} : memref<32x768xf32, #tpu.memory_space<vmem>>, vector<1x16xf32>,
          %swap3A_401 = vector.shape_cast %swap3A_400 : vector<1x16xf32> to vector<16xf32>
          %swap3A_402 = vector.shape_cast %get3A_146 : vector<16xf32> to vector<1x16xf32>
          tpu.vector_store %arg9[%swap3A_398, %swap3A_399], %swap3A_402 {add = true, strides = array<i32>} : memref<32x768xf32, #tpu.memory_space<vmem>>, vector<1x16xf32>,
          %swap3A_403 = arith.index_cast %scan3A_393 : i32 to index
          %swap3A_404 = arith.constant 32 : index
          %swap3A_405 = tpu.vector_load %arg9[%swap3A_403, %swap3A_404] {strides = array<i32>} : memref<32x768xf32, #tpu.memory_space<vmem>>, vector<1x16xf32>,
          %swap3A_406 = vector.shape_cast %swap3A_405 : vector<1x16xf32> to vector<16xf32>
          %swap3A_407 = vector.shape_cast %get3A_150 : vector<16xf32> to vector<1x16xf32>
          tpu.vector_store %arg9[%swap3A_403, %swap3A_404], %swap3A_407 {add = true, strides = array<i32>} : memref<32x768xf32, #tpu.memory_space<vmem>>, vector<1x16xf32>,
          %swap3A_408 = arith.index_cast %scan3A_393 : i32 to index
          %swap3A_409 = arith.constant 48 : index
          %swap3A_410 = tpu.vector_load %arg9[%swap3A_408, %swap3A_409] {strides = array<i32>} : memref<32x768xf32, #tpu.memory_space<vmem>>, vector<1x16xf32>,
          %swap3A_411 = vector.shape_cast %swap3A_410 : vector<1x16xf32> to vector<16xf32>
          %swap3A_412 = vector.shape_cast %get3A_154 : vector<16xf32> to vector<1x16xf32>
          tpu.vector_store %arg9[%swap3A_408, %swap3A_409], %swap3A_412 {add = true, strides = array<i32>} : memref<32x768xf32, #tpu.memory_space<vmem>>, vector<1x16xf32>,
          %swap3A_413 = arith.index_cast %scan3A_393 : i32 to index
          %swap3A_414 = arith.constant 64 : index
          %swap3A_415 = tpu.vector_load %arg9[%swap3A_413, %swap3A_414] {strides = array<i32>} : memref<32x768xf32, #tpu.memory_space<vmem>>, vector<1x16xf32>,
          %swap3A_416 = vector.shape_cast %swap3A_415 : vector<1x16xf32> to vector<16xf32>
          %swap3A_417 = vector.shape_cast %get3A_158 : vector<16xf32> to vector<1x16xf32>
          tpu.vector_store %arg9[%swap3A_413, %swap3A_414], %swap3A_417 {add = true, strides = array<i32>} : memref<32x768xf32, #tpu.memory_space<vmem>>, vector<1x16xf32>,
          %swap3A_418 = arith.index_cast %scan3A_393 : i32 to index
          %swap3A_419 = arith.constant 80 : index
          %swap3A_420 = tpu.vector_load %arg9[%swap3A_418, %swap3A_419] {strides = array<i32>} : memref<32x768xf32, #tpu.memory_space<vmem>>, vector<1x16xf32>,
          %swap3A_421 = vector.shape_cast %swap3A_420 : vector<1x16xf32> to vector<16xf32>
          %swap3A_422 = vector.shape_cast %get3A_162 : vector<16xf32> to vector<1x16xf32>
          tpu.vector_store %arg9[%swap3A_418, %swap3A_419], %swap3A_422 {add = true, strides = array<i32>} : memref<32x768xf32, #tpu.memory_space<vmem>>, vector<1x16xf32>,
          %swap3A_423 = arith.index_cast %scan3A_393 : i32 to index
          %swap3A_424 = arith.constant 96 : index
          %swap3A_425 = tpu.vector_load %arg9[%swap3A_423, %swap3A_424] {strides = array<i32>} : memref<32x768xf32, #tpu.memory_space<vmem>>, vector<1x16xf32>,
          %swap3A_426 = vector.shape_cast %swap3A_425 : vector<1x16xf32> to vector<16xf32>
          %swap3A_427 = vector.shape_cast %get3A_166 : vector<16xf32> to vector<1x16xf32>
          tpu.vector_store %arg9[%swap3A_423, %swap3A_424], %swap3A_427 {add = true, strides = array<i32>} : memref<32x768xf32, #tpu.memory_space<vmem>>, vector<1x16xf32>,
          %swap3A_428 = arith.index_cast %scan3A_393 : i32 to index
          %swap3A_429 = arith.constant 112 : index
          %swap3A_430 = tpu.vector_load %arg9[%swap3A_428, %swap3A_429] {strides = array<i32>} : memref<32x768xf32, #tpu.memory_space<vmem>>, vector<1x16xf32>,
          %swap3A_431 = vector.shape_cast %swap3A_430 : vector<1x16xf32> to vector<16xf32>
          %swap3A_432 = vector.shape_cast %get3A_170 : vector<16xf32> to vector<1x16xf32>
          tpu.vector_store %arg9[%swap3A_428, %swap3A_429], %swap3A_432 {add = true, strides = array<i32>} : memref<32x768xf32, #tpu.memory_space<vmem>>, vector<1x16xf32>,
          %swap3A_433 = arith.index_cast %scan3A_393 : i32 to index
          %swap3A_434 = arith.constant 128 : index
          %swap3A_435 = tpu.vector_load %arg9[%swap3A_433, %swap3A_434] {strides = array<i32>} : memref<32x768xf32, #tpu.memory_space<vmem>>, vector<1x16xf32>,
          %swap3A_436 = vector.shape_cast %swap3A_435 : vector<1x16xf32> to vector<16xf32>
          %swap3A_437 = vector.shape_cast %get3A_174 : vector<16xf32> to vector<1x16xf32>
          tpu.vector_store %arg9[%swap3A_433, %swap3A_434], %swap3A_437 {add = true, strides = array<i32>} : memref<32x768xf32, #tpu.memory_space<vmem>>, vector<1x16xf32>,
          %swap3A_438 = arith.index_cast %scan3A_393 : i32 to index
          %swap3A_439 = arith.constant 144 : index
          %swap3A_440 = tpu.vector_load %arg9[%swap3A_438, %swap3A_439] {strides = array<i32>} : memref<32x768xf32, #tpu.memory_space<vmem>>, vector<1x16xf32>,
          %swap3A_441 = vector.shape_cast %swap3A_440 : vector<1x16xf32> to vector<16xf32>
          %swap3A_442 = vector.shape_cast %get3A_178 : vector<16xf32> to vector<1x16xf32>
          tpu.vector_store %arg9[%swap3A_438, %swap3A_439], %swap3A_442 {add = true, strides = array<i32>} : memref<32x768xf32, #tpu.memory_space<vmem>>, vector<1x16xf32>,
          %swap3A_443 = arith.index_cast %scan3A_393 : i32 to index
          %swap3A_444 = arith.constant 160 : index
          %swap3A_445 = tpu.vector_load %arg9[%swap3A_443, %swap3A_444] {strides = array<i32>} : memref<32x768xf32, #tpu.memory_space<vmem>>, vector<1x16xf32>,
          %swap3A_446 = vector.shape_cast %swap3A_445 : vector<1x16xf32> to vector<16xf32>
          %swap3A_447 = vector.shape_cast %get3A_182 : vector<16xf32> to vector<1x16xf32>
          tpu.vector_store %arg9[%swap3A_443, %swap3A_444], %swap3A_447 {add = true, strides = array<i32>} : memref<32x768xf32, #tpu.memory_space<vmem>>, vector<1x16xf32>,
          %swap3A_448 = arith.index_cast %scan3A_393 : i32 to index
          %swap3A_449 = arith.constant 176 : index
          %swap3A_450 = tpu.vector_load %arg9[%swap3A_448, %swap3A_449] {strides = array<i32>} : memref<32x768xf32, #tpu.memory_space<vmem>>, vector<1x16xf32>,
          %swap3A_451 = vector.shape_cast %swap3A_450 : vector<1x16xf32> to vector<16xf32>
          %swap3A_452 = vector.shape_cast %get3A_186 : vector<16xf32> to vector<1x16xf32>
          tpu.vector_store %arg9[%swap3A_448, %swap3A_449], %swap3A_452 {add = true, strides = array<i32>} : memref<32x768xf32, #tpu.memory_space<vmem>>, vector<1x16xf32>,
          %swap3A_453 = arith.index_cast %scan3A_393 : i32 to index
          %swap3A_454 = arith.constant 192 : index
          %swap3A_455 = tpu.vector_load %arg9[%swap3A_453, %swap3A_454] {strides = array<i32>} : memref<32x768xf32, #tpu.memory_space<vmem>>, vector<1x16xf32>,
          %swap3A_456 = vector.shape_cast %swap3A_455 : vector<1x16xf32> to vector<16xf32>
          %swap3A_457 = vector.shape_cast %get3A_190 : vector<16xf32> to vector<1x16xf32>
          tpu.vector_store %arg9[%swap3A_453, %swap3A_454], %swap3A_457 {add = true, strides = array<i32>} : memref<32x768xf32, #tpu.memory_space<vmem>>, vector<1x16xf32>,
          %swap3A_458 = arith.index_cast %scan3A_393 : i32 to index
          %swap3A_459 = arith.constant 208 : index
          %swap3A_460 = tpu.vector_load %arg9[%swap3A_458, %swap3A_459] {strides = array<i32>} : memref<32x768xf32, #tpu.memory_space<vmem>>, vector<1x16xf32>,
          %swap3A_461 = vector.shape_cast %swap3A_460 : vector<1x16xf32> to vector<16xf32>
          %swap3A_462 = vector.shape_cast %get3A_194 : vector<16xf32> to vector<1x16xf32>
          tpu.vector_store %arg9[%swap3A_458, %swap3A_459], %swap3A_462 {add = true, strides = array<i32>} : memref<32x768xf32, #tpu.memory_space<vmem>>, vector<1x16xf32>,
          %swap3A_463 = arith.index_cast %scan3A_393 : i32 to index
          %swap3A_464 = arith.constant 224 : index
          %swap3A_465 = tpu.vector_load %arg9[%swap3A_463, %swap3A_464] {strides = array<i32>} : memref<32x768xf32, #tpu.memory_space<vmem>>, vector<1x16xf32>,
          %swap3A_466 = vector.shape_cast %swap3A_465 : vector<1x16xf32> to vector<16xf32>
          %swap3A_467 = vector.shape_cast %get3A_198 : vector<16xf32> to vector<1x16xf32>
          tpu.vector_store %arg9[%swap3A_463, %swap3A_464], %swap3A_467 {add = true, strides = array<i32>} : memref<32x768xf32, #tpu.memory_space<vmem>>, vector<1x16xf32>,
          %swap3A_468 = arith.index_cast %scan3A_393 : i32 to index
          %swap3A_469 = arith.constant 240 : index
          %swap3A_470 = tpu.vector_load %arg9[%swap3A_468, %swap3A_469] {strides = array<i32>} : memref<32x768xf32, #tpu.memory_space<vmem>>, vector<1x16xf32>,
          %swap3A_471 = vector.shape_cast %swap3A_470 : vector<1x16xf32> to vector<16xf32>
          %swap3A_472 = vector.shape_cast %get3A_202 : vector<16xf32> to vector<1x16xf32>
          tpu.vector_store %arg9[%swap3A_468, %swap3A_469], %swap3A_472 {add = true, strides = array<i32>} : memref<32x768xf32, #tpu.memory_space<vmem>>, vector<1x16xf32>,
        }
        %scan3A_208 = arith.constant 32 : i32
        %get3A_209 = arith.index_cast %add3A_62 : i32 to index
        %get3A_210 = arith.constant 256 : index
        %get3A_211 = tpu.vector_load %arg7[%get3A_209, %get3A_210] {strides = array<i32>} : memref<20x768xf32, #tpu.memory_space<vmem>>, vector<1x16xf32>,
        %get3A_212 = vector.shape_cast %get3A_211 : vector<1x16xf32> to vector<16xf32>
        %get3A_213 = arith.index_cast %add3A_62 : i32 to index
        %get3A_214 = arith.constant 272 : index
        %get3A_215 = tpu.vector_load %arg7[%get3A_213, %get3A_214] {strides = array<i32>} : memref<20x768xf32, #tpu.memory_space<vmem>>, vector<1x16xf32>,
        %get3A_216 = vector.shape_cast %get3A_215 : vector<1x16xf32> to vector<16xf32>
        %get3A_217 = arith.index_cast %add3A_62 : i32 to index
        %get3A_218 = arith.constant 288 : index
        %get3A_219 = tpu.vector_load %arg7[%get3A_217, %get3A_218] {strides = array<i32>} : memref<20x768xf32, #tpu.memory_space<vmem>>, vector<1x16xf32>,
        %get3A_220 = vector.shape_cast %get3A_219 : vector<1x16xf32> to vector<16xf32>
        %get3A_221 = arith.index_cast %add3A_62 : i32 to index
        %get3A_222 = arith.constant 304 : index
        %get3A_223 = tpu.vector_load %arg7[%get3A_221, %get3A_222] {strides = array<i32>} : memref<20x768xf32, #tpu.memory_space<vmem>>, vector<1x16xf32>,
        %get3A_224 = vector.shape_cast %get3A_223 : vector<1x16xf32> to vector<16xf32>
        %get3A_225 = arith.index_cast %add3A_62 : i32 to index
        %get3A_226 = arith.constant 320 : index
        %get3A_227 = tpu.vector_load %arg7[%get3A_225, %get3A_226] {strides = array<i32>} : memref<20x768xf32, #tpu.memory_space<vmem>>, vector<1x16xf32>,
        %get3A_228 = vector.shape_cast %get3A_227 : vector<1x16xf32> to vector<16xf32>
        %get3A_229 = arith.index_cast %add3A_62 : i32 to index
        %get3A_230 = arith.constant 336 : index
        %get3A_231 = tpu.vector_load %arg7[%get3A_229, %get3A_230] {strides = array<i32>} : memref<20x768xf32, #tpu.memory_space<vmem>>, vector<1x16xf32>,
        %get3A_232 = vector.shape_cast %get3A_231 : vector<1x16xf32> to vector<16xf32>
        %get3A_233 = arith.index_cast %add3A_62 : i32 to index
        %get3A_234 = arith.constant 352 : index
        %get3A_235 = tpu.vector_load %arg7[%get3A_233, %get3A_234] {strides = array<i32>} : memref<20x768xf32, #tpu.memory_space<vmem>>, vector<1x16xf32>,
        %get3A_236 = vector.shape_cast %get3A_235 : vector<1x16xf32> to vector<16xf32>
        %get3A_237 = arith.index_cast %add3A_62 : i32 to index
        %get3A_238 = arith.constant 368 : index
        %get3A_239 = tpu.vector_load %arg7[%get3A_237, %get3A_238] {strides = array<i32>} : memref<20x768xf32, #tpu.memory_space<vmem>>, vector<1x16xf32>,
        %get3A_240 = vector.shape_cast %get3A_239 : vector<1x16xf32> to vector<16xf32>
        %get3A_241 = arith.index_cast %add3A_62 : i32 to index
        %get3A_242 = arith.constant 384 : index
        %get3A_243 = tpu.vector_load %arg7[%get3A_241, %get3A_242] {strides = array<i32>} : memref<20x768xf32, #tpu.memory_space<vmem>>, vector<1x16xf32>,
        %get3A_244 = vector.shape_cast %get3A_243 : vector<1x16xf32> to vector<16xf32>
        %get3A_245 = arith.index_cast %add3A_62 : i32 to index
        %get3A_246 = arith.constant 400 : index
        %get3A_247 = tpu.vector_load %arg7[%get3A_245, %get3A_246] {strides = array<i32>} : memref<20x768xf32, #tpu.memory_space<vmem>>, vector<1x16xf32>,
        %get3A_248 = vector.shape_cast %get3A_247 : vector<1x16xf32> to vector<16xf32>
        %get3A_249 = arith.index_cast %add3A_62 : i32 to index
        %get3A_250 = arith.constant 416 : index
        %get3A_251 = tpu.vector_load %arg7[%get3A_249, %get3A_250] {strides = array<i32>} : memref<20x768xf32, #tpu.memory_space<vmem>>, vector<1x16xf32>,
        %get3A_252 = vector.shape_cast %get3A_251 : vector<1x16xf32> to vector<16xf32>
        %get3A_253 = arith.index_cast %add3A_62 : i32 to index
        %get3A_254 = arith.constant 432 : index
        %get3A_255 = tpu.vector_load %arg7[%get3A_253, %get3A_254] {strides = array<i32>} : memref<20x768xf32, #tpu.memory_space<vmem>>, vector<1x16xf32>,
        %get3A_256 = vector.shape_cast %get3A_255 : vector<1x16xf32> to vector<16xf32>
        %get3A_257 = arith.index_cast %add3A_62 : i32 to index
        %get3A_258 = arith.constant 448 : index
        %get3A_259 = tpu.vector_load %arg7[%get3A_257, %get3A_258] {strides = array<i32>} : memref<20x768xf32, #tpu.memory_space<vmem>>, vector<1x16xf32>,
        %get3A_260 = vector.shape_cast %get3A_259 : vector<1x16xf32> to vector<16xf32>
        %get3A_261 = arith.index_cast %add3A_62 : i32 to index
        %get3A_262 = arith.constant 464 : index
        %get3A_263 = tpu.vector_load %arg7[%get3A_261, %get3A_262] {strides = array<i32>} : memref<20x768xf32, #tpu.memory_space<vmem>>, vector<1x16xf32>,
        %get3A_264 = vector.shape_cast %get3A_263 : vector<1x16xf32> to vector<16xf32>
        %get3A_265 = arith.index_cast %add3A_62 : i32 to index
        %get3A_266 = arith.constant 480 : index
        %get3A_267 = tpu.vector_load %arg7[%get3A_265, %get3A_266] {strides = array<i32>} : memref<20x768xf32, #tpu.memory_space<vmem>>, vector<1x16xf32>,
        %get3A_268 = vector.shape_cast %get3A_267 : vector<1x16xf32> to vector<16xf32>
        %get3A_269 = arith.index_cast %add3A_62 : i32 to index
        %get3A_270 = arith.constant 496 : index
        %get3A_271 = tpu.vector_load %arg7[%get3A_269, %get3A_270] {strides = array<i32>} : memref<20x768xf32, #tpu.memory_space<vmem>>, vector<1x16xf32>,
        %get3A_272 = vector.shape_cast %get3A_271 : vector<1x16xf32> to vector<16xf32>
        %scan3A_273 = arith.constant 0 : i32
        %scan3A_274 = arith.constant 0 : i32
        %scan3A_275 = arith.constant 32 : i32
        %scan3A_276 = arith.addi %scan3A_274, %scan3A_275 : i32
        %scan3A_277 = arith.constant 1 : i32
        scf.for %scan3A_393 = %scan3A_274 to %scan3A_276 step %scan3A_277  : i32 {
          %swap3A = arith.index_cast %scan3A_393 : i32 to index
          %swap3A_394 = arith.constant 256 : index
          %swap3A_395 = tpu.vector_load %arg9[%swap3A, %swap3A_394] {strides = array<i32>} : memref<32x768xf32, #tpu.memory_space<vmem>>, vector<1x16xf32>,
          %swap3A_396 = vector.shape_cast %swap3A_395 : vector<1x16xf32> to vector<16xf32>
          %swap3A_397 = vector.shape_cast %get3A_212 : vector<16xf32> to vector<1x16xf32>
          tpu.vector_store %arg9[%swap3A, %swap3A_394], %swap3A_397 {add = true, strides = array<i32>} : memref<32x768xf32, #tpu.memory_space<vmem>>, vector<1x16xf32>,
          %swap3A_398 = arith.index_cast %scan3A_393 : i32 to index
          %swap3A_399 = arith.constant 272 : index
          %swap3A_400 = tpu.vector_load %arg9[%swap3A_398, %swap3A_399] {strides = array<i32>} : memref<32x768xf32, #tpu.memory_space<vmem>>, vector<1x16xf32>,
          %swap3A_401 = vector.shape_cast %swap3A_400 : vector<1x16xf32> to vector<16xf32>
          %swap3A_402 = vector.shape_cast %get3A_216 : vector<16xf32> to vector<1x16xf32>
          tpu.vector_store %arg9[%swap3A_398, %swap3A_399], %swap3A_402 {add = true, strides = array<i32>} : memref<32x768xf32, #tpu.memory_space<vmem>>, vector<1x16xf32>,
          %swap3A_403 = arith.index_cast %scan3A_393 : i32 to index
          %swap3A_404 = arith.constant 288 : index
          %swap3A_405 = tpu.vector_load %arg9[%swap3A_403, %swap3A_404] {strides = array<i32>} : memref<32x768xf32, #tpu.memory_space<vmem>>, vector<1x16xf32>,
          %swap3A_406 = vector.shape_cast %swap3A_405 : vector<1x16xf32> to vector<16xf32>
          %swap3A_407 = vector.shape_cast %get3A_220 : vector<16xf32> to vector<1x16xf32>
          tpu.vector_store %arg9[%swap3A_403, %swap3A_404], %swap3A_407 {add = true, strides = array<i32>} : memref<32x768xf32, #tpu.memory_space<vmem>>, vector<1x16xf32>,
          %swap3A_408 = arith.index_cast %scan3A_393 : i32 to index
          %swap3A_409 = arith.constant 304 : index
          %swap3A_410 = tpu.vector_load %arg9[%swap3A_408, %swap3A_409] {strides = array<i32>} : memref<32x768xf32, #tpu.memory_space<vmem>>, vector<1x16xf32>,
          %swap3A_411 = vector.shape_cast %swap3A_410 : vector<1x16xf32> to vector<16xf32>
          %swap3A_412 = vector.shape_cast %get3A_224 : vector<16xf32> to vector<1x16xf32>
          tpu.vector_store %arg9[%swap3A_408, %swap3A_409], %swap3A_412 {add = true, strides = array<i32>} : memref<32x768xf32, #tpu.memory_space<vmem>>, vector<1x16xf32>,
          %swap3A_413 = arith.index_cast %scan3A_393 : i32 to index
          %swap3A_414 = arith.constant 320 : index
          %swap3A_415 = tpu.vector_load %arg9[%swap3A_413, %swap3A_414] {strides = array<i32>} : memref<32x768xf32, #tpu.memory_space<vmem>>, vector<1x16xf32>,
          %swap3A_416 = vector.shape_cast %swap3A_415 : vector<1x16xf32> to vector<16xf32>
          %swap3A_417 = vector.shape_cast %get3A_228 : vector<16xf32> to vector<1x16xf32>
          tpu.vector_store %arg9[%swap3A_413, %swap3A_414], %swap3A_417 {add = true, strides = array<i32>} : memref<32x768xf32, #tpu.memory_space<vmem>>, vector<1x16xf32>,
          %swap3A_418 = arith.index_cast %scan3A_393 : i32 to index
          %swap3A_419 = arith.constant 336 : index
          %swap3A_420 = tpu.vector_load %arg9[%swap3A_418, %swap3A_419] {strides = array<i32>} : memref<32x768xf32, #tpu.memory_space<vmem>>, vector<1x16xf32>,
          %swap3A_421 = vector.shape_cast %swap3A_420 : vector<1x16xf32> to vector<16xf32>
          %swap3A_422 = vector.shape_cast %get3A_232 : vector<16xf32> to vector<1x16xf32>
          tpu.vector_store %arg9[%swap3A_418, %swap3A_419], %swap3A_422 {add = true, strides = array<i32>} : memref<32x768xf32, #tpu.memory_space<vmem>>, vector<1x16xf32>,
          %swap3A_423 = arith.index_cast %scan3A_393 : i32 to index
          %swap3A_424 = arith.constant 352 : index
          %swap3A_425 = tpu.vector_load %arg9[%swap3A_423, %swap3A_424] {strides = array<i32>} : memref<32x768xf32, #tpu.memory_space<vmem>>, vector<1x16xf32>,
          %swap3A_426 = vector.shape_cast %swap3A_425 : vector<1x16xf32> to vector<16xf32>
          %swap3A_427 = vector.shape_cast %get3A_236 : vector<16xf32> to vector<1x16xf32>
          tpu.vector_store %arg9[%swap3A_423, %swap3A_424], %swap3A_427 {add = true, strides = array<i32>} : memref<32x768xf32, #tpu.memory_space<vmem>>, vector<1x16xf32>,
          %swap3A_428 = arith.index_cast %scan3A_393 : i32 to index
          %swap3A_429 = arith.constant 368 : index
          %swap3A_430 = tpu.vector_load %arg9[%swap3A_428, %swap3A_429] {strides = array<i32>} : memref<32x768xf32, #tpu.memory_space<vmem>>, vector<1x16xf32>,
          %swap3A_431 = vector.shape_cast %swap3A_430 : vector<1x16xf32> to vector<16xf32>
          %swap3A_432 = vector.shape_cast %get3A_240 : vector<16xf32> to vector<1x16xf32>
          tpu.vector_store %arg9[%swap3A_428, %swap3A_429], %swap3A_432 {add = true, strides = array<i32>} : memref<32x768xf32, #tpu.memory_space<vmem>>, vector<1x16xf32>,
          %swap3A_433 = arith.index_cast %scan3A_393 : i32 to index
          %swap3A_434 = arith.constant 384 : index
          %swap3A_435 = tpu.vector_load %arg9[%swap3A_433, %swap3A_434] {strides = array<i32>} : memref<32x768xf32, #tpu.memory_space<vmem>>, vector<1x16xf32>,
          %swap3A_436 = vector.shape_cast %swap3A_435 : vector<1x16xf32> to vector<16xf32>
          %swap3A_437 = vector.shape_cast %get3A_244 : vector<16xf32> to vector<1x16xf32>
          tpu.vector_store %arg9[%swap3A_433, %swap3A_434], %swap3A_437 {add = true, strides = array<i32>} : memref<32x768xf32, #tpu.memory_space<vmem>>, vector<1x16xf32>,
          %swap3A_438 = arith.index_cast %scan3A_393 : i32 to index
          %swap3A_439 = arith.constant 400 : index
          %swap3A_440 = tpu.vector_load %arg9[%swap3A_438, %swap3A_439] {strides = array<i32>} : memref<32x768xf32, #tpu.memory_space<vmem>>, vector<1x16xf32>,
          %swap3A_441 = vector.shape_cast %swap3A_440 : vector<1x16xf32> to vector<16xf32>
          %swap3A_442 = vector.shape_cast %get3A_248 : vector<16xf32> to vector<1x16xf32>
          tpu.vector_store %arg9[%swap3A_438, %swap3A_439], %swap3A_442 {add = true, strides = array<i32>} : memref<32x768xf32, #tpu.memory_space<vmem>>, vector<1x16xf32>,
          %swap3A_443 = arith.index_cast %scan3A_393 : i32 to index
          %swap3A_444 = arith.constant 416 : index
          %swap3A_445 = tpu.vector_load %arg9[%swap3A_443, %swap3A_444] {strides = array<i32>} : memref<32x768xf32, #tpu.memory_space<vmem>>, vector<1x16xf32>,
          %swap3A_446 = vector.shape_cast %swap3A_445 : vector<1x16xf32> to vector<16xf32>
          %swap3A_447 = vector.shape_cast %get3A_252 : vector<16xf32> to vector<1x16xf32>
          tpu.vector_store %arg9[%swap3A_443, %swap3A_444], %swap3A_447 {add = true, strides = array<i32>} : memref<32x768xf32, #tpu.memory_space<vmem>>, vector<1x16xf32>,
          %swap3A_448 = arith.index_cast %scan3A_393 : i32 to index
          %swap3A_449 = arith.constant 432 : index
          %swap3A_450 = tpu.vector_load %arg9[%swap3A_448, %swap3A_449] {strides = array<i32>} : memref<32x768xf32, #tpu.memory_space<vmem>>, vector<1x16xf32>,
          %swap3A_451 = vector.shape_cast %swap3A_450 : vector<1x16xf32> to vector<16xf32>
          %swap3A_452 = vector.shape_cast %get3A_256 : vector<16xf32> to vector<1x16xf32>
          tpu.vector_store %arg9[%swap3A_448, %swap3A_449], %swap3A_452 {add = true, strides = array<i32>} : memref<32x768xf32, #tpu.memory_space<vmem>>, vector<1x16xf32>,
          %swap3A_453 = arith.index_cast %scan3A_393 : i32 to index
          %swap3A_454 = arith.constant 448 : index
          %swap3A_455 = tpu.vector_load %arg9[%swap3A_453, %swap3A_454] {strides = array<i32>} : memref<32x768xf32, #tpu.memory_space<vmem>>, vector<1x16xf32>,
          %swap3A_456 = vector.shape_cast %swap3A_455 : vector<1x16xf32> to vector<16xf32>
          %swap3A_457 = vector.shape_cast %get3A_260 : vector<16xf32> to vector<1x16xf32>
          tpu.vector_store %arg9[%swap3A_453, %swap3A_454], %swap3A_457 {add = true, strides = array<i32>} : memref<32x768xf32, #tpu.memory_space<vmem>>, vector<1x16xf32>,
          %swap3A_458 = arith.index_cast %scan3A_393 : i32 to index
          %swap3A_459 = arith.constant 464 : index
          %swap3A_460 = tpu.vector_load %arg9[%swap3A_458, %swap3A_459] {strides = array<i32>} : memref<32x768xf32, #tpu.memory_space<vmem>>, vector<1x16xf32>,
          %swap3A_461 = vector.shape_cast %swap3A_460 : vector<1x16xf32> to vector<16xf32>
          %swap3A_462 = vector.shape_cast %get3A_264 : vector<16xf32> to vector<1x16xf32>
          tpu.vector_store %arg9[%swap3A_458, %swap3A_459], %swap3A_462 {add = true, strides = array<i32>} : memref<32x768xf32, #tpu.memory_space<vmem>>, vector<1x16xf32>,
          %swap3A_463 = arith.index_cast %scan3A_393 : i32 to index
          %swap3A_464 = arith.constant 480 : index
          %swap3A_465 = tpu.vector_load %arg9[%swap3A_463, %swap3A_464] {strides = array<i32>} : memref<32x768xf32, #tpu.memory_space<vmem>>, vector<1x16xf32>,
          %swap3A_466 = vector.shape_cast %swap3A_465 : vector<1x16xf32> to vector<16xf32>
          %swap3A_467 = vector.shape_cast %get3A_268 : vector<16xf32> to vector<1x16xf32>
          tpu.vector_store %arg9[%swap3A_463, %swap3A_464], %swap3A_467 {add = true, strides = array<i32>} : memref<32x768xf32, #tpu.memory_space<vmem>>, vector<1x16xf32>,
          %swap3A_468 = arith.index_cast %scan3A_393 : i32 to index
          %swap3A_469 = arith.constant 496 : index
          %swap3A_470 = tpu.vector_load %arg9[%swap3A_468, %swap3A_469] {strides = array<i32>} : memref<32x768xf32, #tpu.memory_space<vmem>>, vector<1x16xf32>,
          %swap3A_471 = vector.shape_cast %swap3A_470 : vector<1x16xf32> to vector<16xf32>
          %swap3A_472 = vector.shape_cast %get3A_272 : vector<16xf32> to vector<1x16xf32>
          tpu.vector_store %arg9[%swap3A_468, %swap3A_469], %swap3A_472 {add = true, strides = array<i32>} : memref<32x768xf32, #tpu.memory_space<vmem>>, vector<1x16xf32>,
        }
        %scan3A_278 = arith.constant 32 : i32
        %get3A_279 = arith.index_cast %add3A_62 : i32 to index
        %get3A_280 = arith.constant 512 : index
        %get3A_281 = tpu.vector_load %arg7[%get3A_279, %get3A_280] {strides = array<i32>} : memref<20x768xf32, #tpu.memory_space<vmem>>, vector<1x16xf32>,
        %get3A_282 = vector.shape_cast %get3A_281 : vector<1x16xf32> to vector<16xf32>
        %get3A_283 = arith.index_cast %add3A_62 : i32 to index
        %get3A_284 = arith.constant 528 : index
        %get3A_285 = tpu.vector_load %arg7[%get3A_283, %get3A_284] {strides = array<i32>} : memref<20x768xf32, #tpu.memory_space<vmem>>, vector<1x16xf32>,
        %get3A_286 = vector.shape_cast %get3A_285 : vector<1x16xf32> to vector<16xf32>
        %get3A_287 = arith.index_cast %add3A_62 : i32 to index
        %get3A_288 = arith.constant 544 : index
        %get3A_289 = tpu.vector_load %arg7[%get3A_287, %get3A_288] {strides = array<i32>} : memref<20x768xf32, #tpu.memory_space<vmem>>, vector<1x16xf32>,
        %get3A_290 = vector.shape_cast %get3A_289 : vector<1x16xf32> to vector<16xf32>
        %get3A_291 = arith.index_cast %add3A_62 : i32 to index
        %get3A_292 = arith.constant 560 : index
        %get3A_293 = tpu.vector_load %arg7[%get3A_291, %get3A_292] {strides = array<i32>} : memref<20x768xf32, #tpu.memory_space<vmem>>, vector<1x16xf32>,
        %get3A_294 = vector.shape_cast %get3A_293 : vector<1x16xf32> to vector<16xf32>
        %get3A_295 = arith.index_cast %add3A_62 : i32 to index
        %get3A_296 = arith.constant 576 : index
        %get3A_297 = tpu.vector_load %arg7[%get3A_295, %get3A_296] {strides = array<i32>} : memref<20x768xf32, #tpu.memory_space<vmem>>, vector<1x16xf32>,
        %get3A_298 = vector.shape_cast %get3A_297 : vector<1x16xf32> to vector<16xf32>
        %get3A_299 = arith.index_cast %add3A_62 : i32 to index
        %get3A_300 = arith.constant 592 : index
        %get3A_301 = tpu.vector_load %arg7[%get3A_299, %get3A_300] {strides = array<i32>} : memref<20x768xf32, #tpu.memory_space<vmem>>, vector<1x16xf32>,
        %get3A_302 = vector.shape_cast %get3A_301 : vector<1x16xf32> to vector<16xf32>
        %get3A_303 = arith.index_cast %add3A_62 : i32 to index
        %get3A_304 = arith.constant 608 : index
        %get3A_305 = tpu.vector_load %arg7[%get3A_303, %get3A_304] {strides = array<i32>} : memref<20x768xf32, #tpu.memory_space<vmem>>, vector<1x16xf32>,
        %get3A_306 = vector.shape_cast %get3A_305 : vector<1x16xf32> to vector<16xf32>
        %get3A_307 = arith.index_cast %add3A_62 : i32 to index
        %get3A_308 = arith.constant 624 : index
        %get3A_309 = tpu.vector_load %arg7[%get3A_307, %get3A_308] {strides = array<i32>} : memref<20x768xf32, #tpu.memory_space<vmem>>, vector<1x16xf32>,
        %get3A_310 = vector.shape_cast %get3A_309 : vector<1x16xf32> to vector<16xf32>
        %get3A_311 = arith.index_cast %add3A_62 : i32 to index
        %get3A_312 = arith.constant 640 : index
        %get3A_313 = tpu.vector_load %arg7[%get3A_311, %get3A_312] {strides = array<i32>} : memref<20x768xf32, #tpu.memory_space<vmem>>, vector<1x16xf32>,
        %get3A_314 = vector.shape_cast %get3A_313 : vector<1x16xf32> to vector<16xf32>
        %get3A_315 = arith.index_cast %add3A_62 : i32 to index
        %get3A_316 = arith.constant 656 : index
        %get3A_317 = tpu.vector_load %arg7[%get3A_315, %get3A_316] {strides = array<i32>} : memref<20x768xf32, #tpu.memory_space<vmem>>, vector<1x16xf32>,
        %get3A_318 = vector.shape_cast %get3A_317 : vector<1x16xf32> to vector<16xf32>
        %get3A_319 = arith.index_cast %add3A_62 : i32 to index
        %get3A_320 = arith.constant 672 : index
        %get3A_321 = tpu.vector_load %arg7[%get3A_319, %get3A_320] {strides = array<i32>} : memref<20x768xf32, #tpu.memory_space<vmem>>, vector<1x16xf32>,
        %get3A_322 = vector.shape_cast %get3A_321 : vector<1x16xf32> to vector<16xf32>
        %get3A_323 = arith.index_cast %add3A_62 : i32 to index
        %get3A_324 = arith.constant 688 : index
        %get3A_325 = tpu.vector_load %arg7[%get3A_323, %get3A_324] {strides = array<i32>} : memref<20x768xf32, #tpu.memory_space<vmem>>, vector<1x16xf32>,
        %get3A_326 = vector.shape_cast %get3A_325 : vector<1x16xf32> to vector<16xf32>
        %get3A_327 = arith.index_cast %add3A_62 : i32 to index
        %get3A_328 = arith.constant 704 : index
        %get3A_329 = tpu.vector_load %arg7[%get3A_327, %get3A_328] {strides = array<i32>} : memref<20x768xf32, #tpu.memory_space<vmem>>, vector<1x16xf32>,
        %get3A_330 = vector.shape_cast %get3A_329 : vector<1x16xf32> to vector<16xf32>
        %get3A_331 = arith.index_cast %add3A_62 : i32 to index
        %get3A_332 = arith.constant 720 : index
        %get3A_333 = tpu.vector_load %arg7[%get3A_331, %get3A_332] {strides = array<i32>} : memref<20x768xf32, #tpu.memory_space<vmem>>, vector<1x16xf32>,
        %get3A_334 = vector.shape_cast %get3A_333 : vector<1x16xf32> to vector<16xf32>
        %get3A_335 = arith.index_cast %add3A_62 : i32 to index
        %get3A_336 = arith.constant 736 : index
        %get3A_337 = tpu.vector_load %arg7[%get3A_335, %get3A_336] {strides = array<i32>} : memref<20x768xf32, #tpu.memory_space<vmem>>, vector<1x16xf32>,
        %get3A_338 = vector.shape_cast %get3A_337 : vector<1x16xf32> to vector<16xf32>
        %get3A_339 = arith.index_cast %add3A_62 : i32 to index
        %get3A_340 = arith.constant 752 : index
        %get3A_341 = tpu.vector_load %arg7[%get3A_339, %get3A_340] {strides = array<i32>} : memref<20x768xf32, #tpu.memory_space<vmem>>, vector<1x16xf32>,
        %get3A_342 = vector.shape_cast %get3A_341 : vector<1x16xf32> to vector<16xf32>
        %scan3A_343 = arith.constant 0 : i32
        %scan3A_344 = arith.constant 0 : i32
        %scan3A_345 = arith.constant 32 : i32
        %scan3A_346 = arith.addi %scan3A_344, %scan3A_345 : i32
        %scan3A_347 = arith.constant 1 : i32
        scf.for %scan3A_393 = %scan3A_344 to %scan3A_346 step %scan3A_347  : i32 {
          %swap3A = arith.index_cast %scan3A_393 : i32 to index
          %swap3A_394 = arith.constant 512 : index
          %swap3A_395 = tpu.vector_load %arg9[%swap3A, %swap3A_394] {strides = array<i32>} : memref<32x768xf32, #tpu.memory_space<vmem>>, vector<1x16xf32>,
          %swap3A_396 = vector.shape_cast %swap3A_395 : vector<1x16xf32> to vector<16xf32>
          %swap3A_397 = vector.shape_cast %get3A_282 : vector<16xf32> to vector<1x16xf32>
          tpu.vector_store %arg9[%swap3A, %swap3A_394], %swap3A_397 {add = true, strides = array<i32>} : memref<32x768xf32, #tpu.memory_space<vmem>>, vector<1x16xf32>,
          %swap3A_398 = arith.index_cast %scan3A_393 : i32 to index
          %swap3A_399 = arith.constant 528 : index
          %swap3A_400 = tpu.vector_load %arg9[%swap3A_398, %swap3A_399] {strides = array<i32>} : memref<32x768xf32, #tpu.memory_space<vmem>>, vector<1x16xf32>,
          %swap3A_401 = vector.shape_cast %swap3A_400 : vector<1x16xf32> to vector<16xf32>
          %swap3A_402 = vector.shape_cast %get3A_286 : vector<16xf32> to vector<1x16xf32>
          tpu.vector_store %arg9[%swap3A_398, %swap3A_399], %swap3A_402 {add = true, strides = array<i32>} : memref<32x768xf32, #tpu.memory_space<vmem>>, vector<1x16xf32>,
          %swap3A_403 = arith.index_cast %scan3A_393 : i32 to index
          %swap3A_404 = arith.constant 544 : index
          %swap3A_405 = tpu.vector_load %arg9[%swap3A_403, %swap3A_404] {strides = array<i32>} : memref<32x768xf32, #tpu.memory_space<vmem>>, vector<1x16xf32>,
          %swap3A_406 = vector.shape_cast %swap3A_405 : vector<1x16xf32> to vector<16xf32>
          %swap3A_407 = vector.shape_cast %get3A_290 : vector<16xf32> to vector<1x16xf32>
          tpu.vector_store %arg9[%swap3A_403, %swap3A_404], %swap3A_407 {add = true, strides = array<i32>} : memref<32x768xf32, #tpu.memory_space<vmem>>, vector<1x16xf32>,
          %swap3A_408 = arith.index_cast %scan3A_393 : i32 to index
          %swap3A_409 = arith.constant 560 : index
          %swap3A_410 = tpu.vector_load %arg9[%swap3A_408, %swap3A_409] {strides = array<i32>} : memref<32x768xf32, #tpu.memory_space<vmem>>, vector<1x16xf32>,
          %swap3A_411 = vector.shape_cast %swap3A_410 : vector<1x16xf32> to vector<16xf32>
          %swap3A_412 = vector.shape_cast %get3A_294 : vector<16xf32> to vector<1x16xf32>
          tpu.vector_store %arg9[%swap3A_408, %swap3A_409], %swap3A_412 {add = true, strides = array<i32>} : memref<32x768xf32, #tpu.memory_space<vmem>>, vector<1x16xf32>,
          %swap3A_413 = arith.index_cast %scan3A_393 : i32 to index
          %swap3A_414 = arith.constant 576 : index
          %swap3A_415 = tpu.vector_load %arg9[%swap3A_413, %swap3A_414] {strides = array<i32>} : memref<32x768xf32, #tpu.memory_space<vmem>>, vector<1x16xf32>,
          %swap3A_416 = vector.shape_cast %swap3A_415 : vector<1x16xf32> to vector<16xf32>
          %swap3A_417 = vector.shape_cast %get3A_298 : vector<16xf32> to vector<1x16xf32>
          tpu.vector_store %arg9[%swap3A_413, %swap3A_414], %swap3A_417 {add = true, strides = array<i32>} : memref<32x768xf32, #tpu.memory_space<vmem>>, vector<1x16xf32>,
          %swap3A_418 = arith.index_cast %scan3A_393 : i32 to index
          %swap3A_419 = arith.constant 592 : index
          %swap3A_420 = tpu.vector_load %arg9[%swap3A_418, %swap3A_419] {strides = array<i32>} : memref<32x768xf32, #tpu.memory_space<vmem>>, vector<1x16xf32>,
          %swap3A_421 = vector.shape_cast %swap3A_420 : vector<1x16xf32> to vector<16xf32>
          %swap3A_422 = vector.shape_cast %get3A_302 : vector<16xf32> to vector<1x16xf32>
          tpu.vector_store %arg9[%swap3A_418, %swap3A_419], %swap3A_422 {add = true, strides = array<i32>} : memref<32x768xf32, #tpu.memory_space<vmem>>, vector<1x16xf32>,
          %swap3A_423 = arith.index_cast %scan3A_393 : i32 to index
          %swap3A_424 = arith.constant 608 : index
          %swap3A_425 = tpu.vector_load %arg9[%swap3A_423, %swap3A_424] {strides = array<i32>} : memref<32x768xf32, #tpu.memory_space<vmem>>, vector<1x16xf32>,
          %swap3A_426 = vector.shape_cast %swap3A_425 : vector<1x16xf32> to vector<16xf32>
          %swap3A_427 = vector.shape_cast %get3A_306 : vector<16xf32> to vector<1x16xf32>
          tpu.vector_store %arg9[%swap3A_423, %swap3A_424], %swap3A_427 {add = true, strides = array<i32>} : memref<32x768xf32, #tpu.memory_space<vmem>>, vector<1x16xf32>,
          %swap3A_428 = arith.index_cast %scan3A_393 : i32 to index
          %swap3A_429 = arith.constant 624 : index
          %swap3A_430 = tpu.vector_load %arg9[%swap3A_428, %swap3A_429] {strides = array<i32>} : memref<32x768xf32, #tpu.memory_space<vmem>>, vector<1x16xf32>,
          %swap3A_431 = vector.shape_cast %swap3A_430 : vector<1x16xf32> to vector<16xf32>
          %swap3A_432 = vector.shape_cast %get3A_310 : vector<16xf32> to vector<1x16xf32>
          tpu.vector_store %arg9[%swap3A_428, %swap3A_429], %swap3A_432 {add = true, strides = array<i32>} : memref<32x768xf32, #tpu.memory_space<vmem>>, vector<1x16xf32>,
          %swap3A_433 = arith.index_cast %scan3A_393 : i32 to index
          %swap3A_434 = arith.constant 640 : index
          %swap3A_435 = tpu.vector_load %arg9[%swap3A_433, %swap3A_434] {strides = array<i32>} : memref<32x768xf32, #tpu.memory_space<vmem>>, vector<1x16xf32>,
          %swap3A_436 = vector.shape_cast %swap3A_435 : vector<1x16xf32> to vector<16xf32>
          %swap3A_437 = vector.shape_cast %get3A_314 : vector<16xf32> to vector<1x16xf32>
          tpu.vector_store %arg9[%swap3A_433, %swap3A_434], %swap3A_437 {add = true, strides = array<i32>} : memref<32x768xf32, #tpu.memory_space<vmem>>, vector<1x16xf32>,
          %swap3A_438 = arith.index_cast %scan3A_393 : i32 to index
          %swap3A_439 = arith.constant 656 : index
          %swap3A_440 = tpu.vector_load %arg9[%swap3A_438, %swap3A_439] {strides = array<i32>} : memref<32x768xf32, #tpu.memory_space<vmem>>, vector<1x16xf32>,
          %swap3A_441 = vector.shape_cast %swap3A_440 : vector<1x16xf32> to vector<16xf32>
          %swap3A_442 = vector.shape_cast %get3A_318 : vector<16xf32> to vector<1x16xf32>
          tpu.vector_store %arg9[%swap3A_438, %swap3A_439], %swap3A_442 {add = true, strides = array<i32>} : memref<32x768xf32, #tpu.memory_space<vmem>>, vector<1x16xf32>,
          %swap3A_443 = arith.index_cast %scan3A_393 : i32 to index
          %swap3A_444 = arith.constant 672 : index
          %swap3A_445 = tpu.vector_load %arg9[%swap3A_443, %swap3A_444] {strides = array<i32>} : memref<32x768xf32, #tpu.memory_space<vmem>>, vector<1x16xf32>,
          %swap3A_446 = vector.shape_cast %swap3A_445 : vector<1x16xf32> to vector<16xf32>
          %swap3A_447 = vector.shape_cast %get3A_322 : vector<16xf32> to vector<1x16xf32>
          tpu.vector_store %arg9[%swap3A_443, %swap3A_444], %swap3A_447 {add = true, strides = array<i32>} : memref<32x768xf32, #tpu.memory_space<vmem>>, vector<1x16xf32>,
          %swap3A_448 = arith.index_cast %scan3A_393 : i32 to index
          %swap3A_449 = arith.constant 688 : index
          %swap3A_450 = tpu.vector_load %arg9[%swap3A_448, %swap3A_449] {strides = array<i32>} : memref<32x768xf32, #tpu.memory_space<vmem>>, vector<1x16xf32>,
          %swap3A_451 = vector.shape_cast %swap3A_450 : vector<1x16xf32> to vector<16xf32>
          %swap3A_452 = vector.shape_cast %get3A_326 : vector<16xf32> to vector<1x16xf32>
          tpu.vector_store %arg9[%swap3A_448, %swap3A_449], %swap3A_452 {add = true, strides = array<i32>} : memref<32x768xf32, #tpu.memory_space<vmem>>, vector<1x16xf32>,
          %swap3A_453 = arith.index_cast %scan3A_393 : i32 to index
          %swap3A_454 = arith.constant 704 : index
          %swap3A_455 = tpu.vector_load %arg9[%swap3A_453, %swap3A_454] {strides = array<i32>} : memref<32x768xf32, #tpu.memory_space<vmem>>, vector<1x16xf32>,
          %swap3A_456 = vector.shape_cast %swap3A_455 : vector<1x16xf32> to vector<16xf32>
          %swap3A_457 = vector.shape_cast %get3A_330 : vector<16xf32> to vector<1x16xf32>
          tpu.vector_store %arg9[%swap3A_453, %swap3A_454], %swap3A_457 {add = true, strides = array<i32>} : memref<32x768xf32, #tpu.memory_space<vmem>>, vector<1x16xf32>,
          %swap3A_458 = arith.index_cast %scan3A_393 : i32 to index
          %swap3A_459 = arith.constant 720 : index
          %swap3A_460 = tpu.vector_load %arg9[%swap3A_458, %swap3A_459] {strides = array<i32>} : memref<32x768xf32, #tpu.memory_space<vmem>>, vector<1x16xf32>,
          %swap3A_461 = vector.shape_cast %swap3A_460 : vector<1x16xf32> to vector<16xf32>
          %swap3A_462 = vector.shape_cast %get3A_334 : vector<16xf32> to vector<1x16xf32>
          tpu.vector_store %arg9[%swap3A_458, %swap3A_459], %swap3A_462 {add = true, strides = array<i32>} : memref<32x768xf32, #tpu.memory_space<vmem>>, vector<1x16xf32>,
          %swap3A_463 = arith.index_cast %scan3A_393 : i32 to index
          %swap3A_464 = arith.constant 736 : index
          %swap3A_465 = tpu.vector_load %arg9[%swap3A_463, %swap3A_464] {strides = array<i32>} : memref<32x768xf32, #tpu.memory_space<vmem>>, vector<1x16xf32>,
          %swap3A_466 = vector.shape_cast %swap3A_465 : vector<1x16xf32> to vector<16xf32>
          %swap3A_467 = vector.shape_cast %get3A_338 : vector<16xf32> to vector<1x16xf32>
          tpu.vector_store %arg9[%swap3A_463, %swap3A_464], %swap3A_467 {add = true, strides = array<i32>} : memref<32x768xf32, #tpu.memory_space<vmem>>, vector<1x16xf32>,
          %swap3A_468 = arith.index_cast %scan3A_393 : i32 to index
          %swap3A_469 = arith.constant 752 : index
          %swap3A_470 = tpu.vector_load %arg9[%swap3A_468, %swap3A_469] {strides = array<i32>} : memref<32x768xf32, #tpu.memory_space<vmem>>, vector<1x16xf32>,
          %swap3A_471 = vector.shape_cast %swap3A_470 : vector<1x16xf32> to vector<16xf32>
          %swap3A_472 = vector.shape_cast %get3A_342 : vector<16xf32> to vector<1x16xf32>
          tpu.vector_store %arg9[%swap3A_468, %swap3A_469], %swap3A_472 {add = true, strides = array<i32>} : memref<32x768xf32, #tpu.memory_space<vmem>>, vector<1x16xf32>,
        }
        %scan3A_348 = arith.constant 32 : i32
        %mul3A_349 = arith.constant 32 : i32
        %mul3A_350 = arith.muli %mul3A_349, %add3A_62 : i32
        %add3A_351 = arith.addi %add3A, %mul3A_350 : i32
        %jit3A = arith.constant 8 : i32
        %div3A = arith.divsi %add3A_351, %jit3A : i32
        %sign3A = arith.constant 0 : i32
        %sign3A_352 = arith.cmpi sgt, %add3A_351, %sign3A : i32
        %sign3A_353 = arith.extui %sign3A_352 : i1 to i32
        %sign3A_354 = arith.constant 0 : i32
        %sign3A_355 = arith.cmpi slt, %add3A_351, %sign3A_354 : i32
        %sign3A_356 = arith.extui %sign3A_355 : i1 to i32
        %sign3A_357 = arith.subi %sign3A_353, %sign3A_356 : i32
        %sign3A_358 = arith.constant 0 : i32
        %sign3A_359 = arith.cmpi sgt, %jit3A, %sign3A_358 : i32
        %sign3A_360 = arith.extui %sign3A_359 : i1 to i32
        %sign3A_361 = arith.constant 0 : i32
        %sign3A_362 = arith.cmpi slt, %jit3A, %sign3A_361 : i32
        %sign3A_363 = arith.extui %sign3A_362 : i1 to i32
        %sign3A_364 = arith.subi %sign3A_360, %sign3A_363 : i32
        %ne3A = arith.cmpi ne, %sign3A_357, %sign3A_364 : i32
        %rem3A = arith.remsi %add3A_351, %jit3A : i32
        %ne3A_365 = arith.constant 0 : i32
        %ne3A_366 = arith.cmpi ne, %rem3A, %ne3A_365 : i32
        %and3A_367 = arith.andi %ne3A, %ne3A_366 : i1
        %sub3A_368 = arith.constant 1 : i32
        %sub3A_369 = arith.subi %div3A, %sub3A_368 : i32
        %select_n3A = arith.select %and3A_367, %sub3A_369, %div3A : i32
        %jit3A_370 = arith.constant 8 : i32
        %eq3A = arith.constant 0 : i32
        %eq3A_371 = arith.cmpi eq, %jit3A_370, %eq3A : i32
        %jit3A_372 = arith.constant 1 : i32
        %select_n3A_373 = arith.select %eq3A_371, %jit3A_372, %jit3A_370 : i32
        %rem3A_374 = arith.remsi %add3A_351, %select_n3A_373 : i32
        %ne3A_375 = arith.constant 0 : i32
        %ne3A_376 = arith.cmpi ne, %rem3A_374, %ne3A_375 : i32
        %lt3A_377 = arith.constant 0 : i32
        %lt3A_378 = arith.cmpi slt, %rem3A_374, %lt3A_377 : i32
        %lt3A_379 = arith.constant 0 : i32
        %lt3A_380 = arith.cmpi slt, %select_n3A_373, %lt3A_379 : i32
        %ne3A_381 = arith.xori %lt3A_378, %lt3A_380 : i1
        %and3A_382 = arith.andi %ne3A_381, %ne3A_376 : i1
        %add3A_383 = arith.addi %rem3A_374, %select_n3A_373 : i32
        %select_n3A_384 = arith.select %and3A_382, %add3A_383, %rem3A_374 : i32
        %mul3A_385 = arith.constant 32 : i32
        %mul3A_386 = arith.muli %select_n3A_384, %mul3A_385 : i32
        %multiple_of3A = tpu.assume_multiple %mul3A_386, 32 : i32
        %dma_start3A_387 = arith.constant 0 : i32
        %dma_start3A_388 = tpu.memref_slice %arg5[%select_n3A, %multiple_of3A, %dma_start3A_387] : memref<77x256x768xf32, #tpu.memory_space<hbm>> -> memref<1x32x768xf32, #tpu.memory_space<hbm>>
        %dma_start3A_389 = tpu.memref_squeeze %dma_start3A_388 : memref<1x32x768xf32, #tpu.memory_space<hbm>> -> memref<32x768xf32, #tpu.memory_space<hbm>>
        %dma_start3A_390 = arith.constant 0 : i32
        %dma_start3A_391 = tpu.memref_slice %arg5[%select_n3A, %multiple_of3A, %dma_start3A_390] : memref<77x256x768xf32, #tpu.memory_space<hbm>> -> memref<1x32x768xf32, #tpu.memory_space<hbm>>
        %dma_start3A_392 = tpu.memref_squeeze %dma_start3A_391 : memref<1x32x768xf32, #tpu.memory_space<hbm>> -> memref<32x768xf32, #tpu.memory_space<hbm>>
        tpu.enqueue_dma source(%arg9 : memref<32x768xf32, #tpu.memory_space<vmem>>) target(%dma_start3A_392 : memref<32x768xf32, #tpu.memory_space<hbm>>) target_semaphore(%arg15 : memref<!tpu.dma_semaphore, #tpu.memory_space<semaphore_mem>>)
      } else {
      }
      %mul3A_99 = arith.constant 3 : i32
      %mul3A_100 = arith.muli %scan3A_20, %mul3A_99 : i32
      %add3A_101 = arith.constant 2 : i32
      %add3A_102 = arith.addi %mul3A_100, %add3A_101 : i32
      %mul3A_103 = arith.constant 32 : i32
      %mul3A_104 = arith.muli %mul3A_103, %add3A_102 : i32
      %add3A_105 = arith.addi %add3A, %mul3A_104 : i32
      %lt3A_106 = arith.constant 616 : i32
      %lt3A_107 = arith.cmpi slt, %add3A_105, %lt3A_106 : i32
      %convert_element_type3A_108 = arith.extui %lt3A_107 : i1 to i32
      %cond3A_109 = arith.constant 0 : i32
      %cond3A_110 = arith.cmpi ne, %convert_element_type3A_108, %cond3A_109 : i32
      scf.if %cond3A_110 {
        %dma_wait3A = arith.constant 0 : i32
        %dma_wait3A_140 = tpu.memref_slice %arg6[%add3A_102, %dma_wait3A] : memref<20x32xi32, #tpu.memory_space<vmem>> -> memref<1x32xi32, #tpu.memory_space<vmem>>
        %dma_wait3A_141 = tpu.memref_squeeze %dma_wait3A_140 : memref<1x32xi32, #tpu.memory_space<vmem>> -> memref<32xi32, #tpu.memory_space<vmem>>
        %dma_wait3A_142 = arith.constant 0 : i32
        %dma_wait3A_143 = arith.constant 0 : i32
        %dma_wait3A_144 = tpu.memref_slice %arg3[%dma_wait3A_142, %dma_wait3A_143] : memref<49408x768xf32, #tpu.memory_space<hbm>> -> memref<49408x768xf32, #tpu.memory_space<hbm>>
        tpu.wait_indirect_dma semaphore(%arg13 : memref<!tpu.dma_semaphore, #tpu.memory_space<semaphore_mem>>) src(%dma_wait3A_144 : memref<49408x768xf32, #tpu.memory_space<hbm>>) dst(%arg10 : memref<32x768xf32, #tpu.memory_space<vmem>>)
      } else {
      }
      %sub3A_111 = arith.constant 1 : i32
      %sub3A_112 = arith.subi %add3A_102, %sub3A_111 : i32
      %mul3A_113 = arith.constant 32 : i32
      %mul3A_114 = arith.muli %mul3A_113, %sub3A_112 : i32
      %add3A_115 = arith.addi %add3A, %mul3A_114 : i32
      %lt3A_116 = arith.constant 616 : i32
      %lt3A_117 = arith.cmpi slt, %add3A_115, %lt3A_116 : i32
      %convert_element_type3A_118 = arith.extui %lt3A_117 : i1 to i32
      %cond3A_119 = arith.constant 0 : i32
      %cond3A_120 = arith.cmpi ne, %convert_element_type3A_118, %cond3A_119 : i32
      scf.if %cond3A_120 {
        %sub3A_140 = arith.constant 1 : i32
        %sub3A_141 = arith.subi %add3A_102, %sub3A_140 : i32
        %mul3A_142 = arith.constant 32 : i32
        %mul3A_143 = arith.muli %mul3A_142, %sub3A_141 : i32
        %add3A_144 = arith.addi %add3A, %mul3A_143 : i32
        %jit3A = arith.constant 8 : i32
        %div3A = arith.divsi %add3A_144, %jit3A : i32
        %sign3A = arith.constant 0 : i32
        %sign3A_145 = arith.cmpi sgt, %add3A_144, %sign3A : i32
        %sign3A_146 = arith.extui %sign3A_145 : i1 to i32
        %sign3A_147 = arith.constant 0 : i32
        %sign3A_148 = arith.cmpi slt, %add3A_144, %sign3A_147 : i32
        %sign3A_149 = arith.extui %sign3A_148 : i1 to i32
        %sign3A_150 = arith.subi %sign3A_146, %sign3A_149 : i32
        %sign3A_151 = arith.constant 0 : i32
        %sign3A_152 = arith.cmpi sgt, %jit3A, %sign3A_151 : i32
        %sign3A_153 = arith.extui %sign3A_152 : i1 to i32
        %sign3A_154 = arith.constant 0 : i32
        %sign3A_155 = arith.cmpi slt, %jit3A, %sign3A_154 : i32
        %sign3A_156 = arith.extui %sign3A_155 : i1 to i32
        %sign3A_157 = arith.subi %sign3A_153, %sign3A_156 : i32
        %ne3A = arith.cmpi ne, %sign3A_150, %sign3A_157 : i32
        %rem3A = arith.remsi %add3A_144, %jit3A : i32
        %ne3A_158 = arith.constant 0 : i32
        %ne3A_159 = arith.cmpi ne, %rem3A, %ne3A_158 : i32
        %and3A_160 = arith.andi %ne3A, %ne3A_159 : i1
        %sub3A_161 = arith.constant 1 : i32
        %sub3A_162 = arith.subi %div3A, %sub3A_161 : i32
        %select_n3A = arith.select %and3A_160, %sub3A_162, %div3A : i32
        %jit3A_163 = arith.constant 8 : i32
        %eq3A = arith.constant 0 : i32
        %eq3A_164 = arith.cmpi eq, %jit3A_163, %eq3A : i32
        %jit3A_165 = arith.constant 1 : i32
        %select_n3A_166 = arith.select %eq3A_164, %jit3A_165, %jit3A_163 : i32
        %rem3A_167 = arith.remsi %add3A_144, %select_n3A_166 : i32
        %ne3A_168 = arith.constant 0 : i32
        %ne3A_169 = arith.cmpi ne, %rem3A_167, %ne3A_168 : i32
        %lt3A_170 = arith.constant 0 : i32
        %lt3A_171 = arith.cmpi slt, %rem3A_167, %lt3A_170 : i32
        %lt3A_172 = arith.constant 0 : i32
        %lt3A_173 = arith.cmpi slt, %select_n3A_166, %lt3A_172 : i32
        %ne3A_174 = arith.xori %lt3A_171, %lt3A_173 : i1
        %and3A_175 = arith.andi %ne3A_174, %ne3A_169 : i1
        %add3A_176 = arith.addi %rem3A_167, %select_n3A_166 : i32
        %select_n3A_177 = arith.select %and3A_175, %add3A_176, %rem3A_167 : i32
        %mul3A_178 = arith.constant 32 : i32
        %mul3A_179 = arith.muli %select_n3A_177, %mul3A_178 : i32
        %multiple_of3A = tpu.assume_multiple %mul3A_179, 32 : i32
        %dma_wait3A = arith.constant 0 : i32
        %dma_wait3A_180 = tpu.memref_slice %arg5[%select_n3A, %multiple_of3A, %dma_wait3A] : memref<77x256x768xf32, #tpu.memory_space<hbm>> -> memref<1x32x768xf32, #tpu.memory_space<hbm>>
        %dma_wait3A_181 = tpu.memref_squeeze %dma_wait3A_180 : memref<1x32x768xf32, #tpu.memory_space<hbm>> -> memref<32x768xf32, #tpu.memory_space<hbm>>
        %dma_wait3A_182 = arith.constant 0 : i32
        %dma_wait3A_183 = tpu.memref_slice %arg5[%select_n3A, %multiple_of3A, %dma_wait3A_182] : memref<77x256x768xf32, #tpu.memory_space<hbm>> -> memref<1x32x768xf32, #tpu.memory_space<hbm>>
        %dma_wait3A_184 = tpu.memref_squeeze %dma_wait3A_183 : memref<1x32x768xf32, #tpu.memory_space<hbm>> -> memref<32x768xf32, #tpu.memory_space<hbm>>
        tpu.wait_dma2 semaphore(%arg15 : memref<!tpu.dma_semaphore, #tpu.memory_space<semaphore_mem>>) src(%arg9 : memref<32x768xf32, #tpu.memory_space<vmem>>) dst(%dma_wait3A_184 : memref<32x768xf32, #tpu.memory_space<hbm>>)
      } else {
      }
      %add3A_121 = arith.constant 2 : i32
      %add3A_122 = arith.addi %add3A_102, %add3A_121 : i32
      %mul3A_123 = arith.constant 32 : i32
      %mul3A_124 = arith.muli %mul3A_123, %add3A_122 : i32
      %add3A_125 = arith.addi %add3A, %mul3A_124 : i32
      %lt3A_126 = arith.constant 616 : i32
      %lt3A_127 = arith.cmpi slt, %add3A_125, %lt3A_126 : i32
      %convert_element_type3A_128 = arith.extui %lt3A_127 : i1 to i32
      %cond3A_129 = arith.constant 0 : i32
      %cond3A_130 = arith.cmpi ne, %convert_element_type3A_128, %cond3A_129 : i32
      scf.if %cond3A_130 {
        %add3A_140 = arith.constant 2 : i32
        %add3A_141 = arith.addi %add3A_102, %add3A_140 : i32
        %dma_start3A_142 = arith.constant 0 : i32
        %dma_start3A_143 = tpu.memref_slice %arg6[%add3A_141, %dma_start3A_142] : memref<20x32xi32, #tpu.memory_space<vmem>> -> memref<1x32xi32, #tpu.memory_space<vmem>>
        %dma_start3A_144 = tpu.memref_squeeze %dma_start3A_143 : memref<1x32xi32, #tpu.memory_space<vmem>> -> memref<32xi32, #tpu.memory_space<vmem>>
        %dma_start3A_145 = arith.constant 0 : i32
        %dma_start3A_146 = arith.constant 0 : i32
        %dma_start3A_147 = tpu.memref_slice %arg3[%dma_start3A_145, %dma_start3A_146] : memref<49408x768xf32, #tpu.memory_space<hbm>> -> memref<49408x768xf32, #tpu.memory_space<hbm>>
        tpu.enqueue_indirect_dma source(%dma_start3A_147 : memref<49408x768xf32, #tpu.memory_space<hbm>>) target(%arg9 : memref<32x768xf32, #tpu.memory_space<vmem>>) offsets(%dma_start3A_144 : memref<32xi32, #tpu.memory_space<vmem>>) semaphore(%arg12 : memref<!tpu.dma_semaphore, #tpu.memory_space<semaphore_mem>>)
      } else {
      }
      %mul3A_131 = arith.constant 32 : i32
      %mul3A_132 = arith.muli %mul3A_131, %add3A_102 : i32
      %add3A_133 = arith.addi %add3A, %mul3A_132 : i32
      %lt3A_134 = arith.constant 616 : i32
      %lt3A_135 = arith.cmpi slt, %add3A_133, %lt3A_134 : i32
      %convert_element_type3A_136 = arith.extui %lt3A_135 : i1 to i32
      %cond3A_137 = arith.constant 0 : i32
      %cond3A_138 = arith.cmpi ne, %convert_element_type3A_136, %cond3A_137 : i32
      scf.if %cond3A_138 {
        %get3A = arith.index_cast %add3A_102 : i32 to index
        %get3A_140 = arith.constant 0 : index
        %get3A_141 = tpu.vector_load %arg7[%get3A, %get3A_140] {strides = array<i32>} : memref<20x768xf32, #tpu.memory_space<vmem>>, vector<1x16xf32>,
        %get3A_142 = vector.shape_cast %get3A_141 : vector<1x16xf32> to vector<16xf32>
        %get3A_143 = arith.index_cast %add3A_102 : i32 to index
        %get3A_144 = arith.constant 16 : index
        %get3A_145 = tpu.vector_load %arg7[%get3A_143, %get3A_144] {strides = array<i32>} : memref<20x768xf32, #tpu.memory_space<vmem>>, vector<1x16xf32>,
        %get3A_146 = vector.shape_cast %get3A_145 : vector<1x16xf32> to vector<16xf32>
        %get3A_147 = arith.index_cast %add3A_102 : i32 to index
        %get3A_148 = arith.constant 32 : index
        %get3A_149 = tpu.vector_load %arg7[%get3A_147, %get3A_148] {strides = array<i32>} : memref<20x768xf32, #tpu.memory_space<vmem>>, vector<1x16xf32>,
        %get3A_150 = vector.shape_cast %get3A_149 : vector<1x16xf32> to vector<16xf32>
        %get3A_151 = arith.index_cast %add3A_102 : i32 to index
        %get3A_152 = arith.constant 48 : index
        %get3A_153 = tpu.vector_load %arg7[%get3A_151, %get3A_152] {strides = array<i32>} : memref<20x768xf32, #tpu.memory_space<vmem>>, vector<1x16xf32>,
        %get3A_154 = vector.shape_cast %get3A_153 : vector<1x16xf32> to vector<16xf32>
        %get3A_155 = arith.index_cast %add3A_102 : i32 to index
        %get3A_156 = arith.constant 64 : index
        %get3A_157 = tpu.vector_load %arg7[%get3A_155, %get3A_156] {strides = array<i32>} : memref<20x768xf32, #tpu.memory_space<vmem>>, vector<1x16xf32>,
        %get3A_158 = vector.shape_cast %get3A_157 : vector<1x16xf32> to vector<16xf32>
        %get3A_159 = arith.index_cast %add3A_102 : i32 to index
        %get3A_160 = arith.constant 80 : index
        %get3A_161 = tpu.vector_load %arg7[%get3A_159, %get3A_160] {strides = array<i32>} : memref<20x768xf32, #tpu.memory_space<vmem>>, vector<1x16xf32>,
        %get3A_162 = vector.shape_cast %get3A_161 : vector<1x16xf32> to vector<16xf32>
        %get3A_163 = arith.index_cast %add3A_102 : i32 to index
        %get3A_164 = arith.constant 96 : index
        %get3A_165 = tpu.vector_load %arg7[%get3A_163, %get3A_164] {strides = array<i32>} : memref<20x768xf32, #tpu.memory_space<vmem>>, vector<1x16xf32>,
        %get3A_166 = vector.shape_cast %get3A_165 : vector<1x16xf32> to vector<16xf32>
        %get3A_167 = arith.index_cast %add3A_102 : i32 to index
        %get3A_168 = arith.constant 112 : index
        %get3A_169 = tpu.vector_load %arg7[%get3A_167, %get3A_168] {strides = array<i32>} : memref<20x768xf32, #tpu.memory_space<vmem>>, vector<1x16xf32>,
        %get3A_170 = vector.shape_cast %get3A_169 : vector<1x16xf32> to vector<16xf32>
        %get3A_171 = arith.index_cast %add3A_102 : i32 to index
        %get3A_172 = arith.constant 128 : index
        %get3A_173 = tpu.vector_load %arg7[%get3A_171, %get3A_172] {strides = array<i32>} : memref<20x768xf32, #tpu.memory_space<vmem>>, vector<1x16xf32>,
        %get3A_174 = vector.shape_cast %get3A_173 : vector<1x16xf32> to vector<16xf32>
        %get3A_175 = arith.index_cast %add3A_102 : i32 to index
        %get3A_176 = arith.constant 144 : index
        %get3A_177 = tpu.vector_load %arg7[%get3A_175, %get3A_176] {strides = array<i32>} : memref<20x768xf32, #tpu.memory_space<vmem>>, vector<1x16xf32>,
        %get3A_178 = vector.shape_cast %get3A_177 : vector<1x16xf32> to vector<16xf32>
        %get3A_179 = arith.index_cast %add3A_102 : i32 to index
        %get3A_180 = arith.constant 160 : index
        %get3A_181 = tpu.vector_load %arg7[%get3A_179, %get3A_180] {strides = array<i32>} : memref<20x768xf32, #tpu.memory_space<vmem>>, vector<1x16xf32>,
        %get3A_182 = vector.shape_cast %get3A_181 : vector<1x16xf32> to vector<16xf32>
        %get3A_183 = arith.index_cast %add3A_102 : i32 to index
        %get3A_184 = arith.constant 176 : index
        %get3A_185 = tpu.vector_load %arg7[%get3A_183, %get3A_184] {strides = array<i32>} : memref<20x768xf32, #tpu.memory_space<vmem>>, vector<1x16xf32>,
        %get3A_186 = vector.shape_cast %get3A_185 : vector<1x16xf32> to vector<16xf32>
        %get3A_187 = arith.index_cast %add3A_102 : i32 to index
        %get3A_188 = arith.constant 192 : index
        %get3A_189 = tpu.vector_load %arg7[%get3A_187, %get3A_188] {strides = array<i32>} : memref<20x768xf32, #tpu.memory_space<vmem>>, vector<1x16xf32>,
        %get3A_190 = vector.shape_cast %get3A_189 : vector<1x16xf32> to vector<16xf32>
        %get3A_191 = arith.index_cast %add3A_102 : i32 to index
        %get3A_192 = arith.constant 208 : index
        %get3A_193 = tpu.vector_load %arg7[%get3A_191, %get3A_192] {strides = array<i32>} : memref<20x768xf32, #tpu.memory_space<vmem>>, vector<1x16xf32>,
        %get3A_194 = vector.shape_cast %get3A_193 : vector<1x16xf32> to vector<16xf32>
        %get3A_195 = arith.index_cast %add3A_102 : i32 to index
        %get3A_196 = arith.constant 224 : index
        %get3A_197 = tpu.vector_load %arg7[%get3A_195, %get3A_196] {strides = array<i32>} : memref<20x768xf32, #tpu.memory_space<vmem>>, vector<1x16xf32>,
        %get3A_198 = vector.shape_cast %get3A_197 : vector<1x16xf32> to vector<16xf32>
        %get3A_199 = arith.index_cast %add3A_102 : i32 to index
        %get3A_200 = arith.constant 240 : index
        %get3A_201 = tpu.vector_load %arg7[%get3A_199, %get3A_200] {strides = array<i32>} : memref<20x768xf32, #tpu.memory_space<vmem>>, vector<1x16xf32>,
        %get3A_202 = vector.shape_cast %get3A_201 : vector<1x16xf32> to vector<16xf32>
        %scan3A_203 = arith.constant 0 : i32
        %scan3A_204 = arith.constant 0 : i32
        %scan3A_205 = arith.constant 32 : i32
        %scan3A_206 = arith.addi %scan3A_204, %scan3A_205 : i32
        %scan3A_207 = arith.constant 1 : i32
        scf.for %scan3A_393 = %scan3A_204 to %scan3A_206 step %scan3A_207  : i32 {
          %swap3A = arith.index_cast %scan3A_393 : i32 to index
          %swap3A_394 = arith.constant 0 : index
          %swap3A_395 = tpu.vector_load %arg10[%swap3A, %swap3A_394] {strides = array<i32>} : memref<32x768xf32, #tpu.memory_space<vmem>>, vector<1x16xf32>,
          %swap3A_396 = vector.shape_cast %swap3A_395 : vector<1x16xf32> to vector<16xf32>
          %swap3A_397 = vector.shape_cast %get3A_142 : vector<16xf32> to vector<1x16xf32>
          tpu.vector_store %arg10[%swap3A, %swap3A_394], %swap3A_397 {add = true, strides = array<i32>} : memref<32x768xf32, #tpu.memory_space<vmem>>, vector<1x16xf32>,
          %swap3A_398 = arith.index_cast %scan3A_393 : i32 to index
          %swap3A_399 = arith.constant 16 : index
          %swap3A_400 = tpu.vector_load %arg10[%swap3A_398, %swap3A_399] {strides = array<i32>} : memref<32x768xf32, #tpu.memory_space<vmem>>, vector<1x16xf32>,
          %swap3A_401 = vector.shape_cast %swap3A_400 : vector<1x16xf32> to vector<16xf32>
          %swap3A_402 = vector.shape_cast %get3A_146 : vector<16xf32> to vector<1x16xf32>
          tpu.vector_store %arg10[%swap3A_398, %swap3A_399], %swap3A_402 {add = true, strides = array<i32>} : memref<32x768xf32, #tpu.memory_space<vmem>>, vector<1x16xf32>,
          %swap3A_403 = arith.index_cast %scan3A_393 : i32 to index
          %swap3A_404 = arith.constant 32 : index
          %swap3A_405 = tpu.vector_load %arg10[%swap3A_403, %swap3A_404] {strides = array<i32>} : memref<32x768xf32, #tpu.memory_space<vmem>>, vector<1x16xf32>,
          %swap3A_406 = vector.shape_cast %swap3A_405 : vector<1x16xf32> to vector<16xf32>
          %swap3A_407 = vector.shape_cast %get3A_150 : vector<16xf32> to vector<1x16xf32>
          tpu.vector_store %arg10[%swap3A_403, %swap3A_404], %swap3A_407 {add = true, strides = array<i32>} : memref<32x768xf32, #tpu.memory_space<vmem>>, vector<1x16xf32>,
          %swap3A_408 = arith.index_cast %scan3A_393 : i32 to index
          %swap3A_409 = arith.constant 48 : index
          %swap3A_410 = tpu.vector_load %arg10[%swap3A_408, %swap3A_409] {strides = array<i32>} : memref<32x768xf32, #tpu.memory_space<vmem>>, vector<1x16xf32>,
          %swap3A_411 = vector.shape_cast %swap3A_410 : vector<1x16xf32> to vector<16xf32>
          %swap3A_412 = vector.shape_cast %get3A_154 : vector<16xf32> to vector<1x16xf32>
          tpu.vector_store %arg10[%swap3A_408, %swap3A_409], %swap3A_412 {add = true, strides = array<i32>} : memref<32x768xf32, #tpu.memory_space<vmem>>, vector<1x16xf32>,
          %swap3A_413 = arith.index_cast %scan3A_393 : i32 to index
          %swap3A_414 = arith.constant 64 : index
          %swap3A_415 = tpu.vector_load %arg10[%swap3A_413, %swap3A_414] {strides = array<i32>} : memref<32x768xf32, #tpu.memory_space<vmem>>, vector<1x16xf32>,
          %swap3A_416 = vector.shape_cast %swap3A_415 : vector<1x16xf32> to vector<16xf32>
          %swap3A_417 = vector.shape_cast %get3A_158 : vector<16xf32> to vector<1x16xf32>
          tpu.vector_store %arg10[%swap3A_413, %swap3A_414], %swap3A_417 {add = true, strides = array<i32>} : memref<32x768xf32, #tpu.memory_space<vmem>>, vector<1x16xf32>,
          %swap3A_418 = arith.index_cast %scan3A_393 : i32 to index
          %swap3A_419 = arith.constant 80 : index
          %swap3A_420 = tpu.vector_load %arg10[%swap3A_418, %swap3A_419] {strides = array<i32>} : memref<32x768xf32, #tpu.memory_space<vmem>>, vector<1x16xf32>,
          %swap3A_421 = vector.shape_cast %swap3A_420 : vector<1x16xf32> to vector<16xf32>
          %swap3A_422 = vector.shape_cast %get3A_162 : vector<16xf32> to vector<1x16xf32>
          tpu.vector_store %arg10[%swap3A_418, %swap3A_419], %swap3A_422 {add = true, strides = array<i32>} : memref<32x768xf32, #tpu.memory_space<vmem>>, vector<1x16xf32>,
          %swap3A_423 = arith.index_cast %scan3A_393 : i32 to index
          %swap3A_424 = arith.constant 96 : index
          %swap3A_425 = tpu.vector_load %arg10[%swap3A_423, %swap3A_424] {strides = array<i32>} : memref<32x768xf32, #tpu.memory_space<vmem>>, vector<1x16xf32>,
          %swap3A_426 = vector.shape_cast %swap3A_425 : vector<1x16xf32> to vector<16xf32>
          %swap3A_427 = vector.shape_cast %get3A_166 : vector<16xf32> to vector<1x16xf32>
          tpu.vector_store %arg10[%swap3A_423, %swap3A_424], %swap3A_427 {add = true, strides = array<i32>} : memref<32x768xf32, #tpu.memory_space<vmem>>, vector<1x16xf32>,
          %swap3A_428 = arith.index_cast %scan3A_393 : i32 to index
          %swap3A_429 = arith.constant 112 : index
          %swap3A_430 = tpu.vector_load %arg10[%swap3A_428, %swap3A_429] {strides = array<i32>} : memref<32x768xf32, #tpu.memory_space<vmem>>, vector<1x16xf32>,
          %swap3A_431 = vector.shape_cast %swap3A_430 : vector<1x16xf32> to vector<16xf32>
          %swap3A_432 = vector.shape_cast %get3A_170 : vector<16xf32> to vector<1x16xf32>
          tpu.vector_store %arg10[%swap3A_428, %swap3A_429], %swap3A_432 {add = true, strides = array<i32>} : memref<32x768xf32, #tpu.memory_space<vmem>>, vector<1x16xf32>,
          %swap3A_433 = arith.index_cast %scan3A_393 : i32 to index
          %swap3A_434 = arith.constant 128 : index
          %swap3A_435 = tpu.vector_load %arg10[%swap3A_433, %swap3A_434] {strides = array<i32>} : memref<32x768xf32, #tpu.memory_space<vmem>>, vector<1x16xf32>,
          %swap3A_436 = vector.shape_cast %swap3A_435 : vector<1x16xf32> to vector<16xf32>
          %swap3A_437 = vector.shape_cast %get3A_174 : vector<16xf32> to vector<1x16xf32>
          tpu.vector_store %arg10[%swap3A_433, %swap3A_434], %swap3A_437 {add = true, strides = array<i32>} : memref<32x768xf32, #tpu.memory_space<vmem>>, vector<1x16xf32>,
          %swap3A_438 = arith.index_cast %scan3A_393 : i32 to index
          %swap3A_439 = arith.constant 144 : index
          %swap3A_440 = tpu.vector_load %arg10[%swap3A_438, %swap3A_439] {strides = array<i32>} : memref<32x768xf32, #tpu.memory_space<vmem>>, vector<1x16xf32>,
          %swap3A_441 = vector.shape_cast %swap3A_440 : vector<1x16xf32> to vector<16xf32>
          %swap3A_442 = vector.shape_cast %get3A_178 : vector<16xf32> to vector<1x16xf32>
          tpu.vector_store %arg10[%swap3A_438, %swap3A_439], %swap3A_442 {add = true, strides = array<i32>} : memref<32x768xf32, #tpu.memory_space<vmem>>, vector<1x16xf32>,
          %swap3A_443 = arith.index_cast %scan3A_393 : i32 to index
          %swap3A_444 = arith.constant 160 : index
          %swap3A_445 = tpu.vector_load %arg10[%swap3A_443, %swap3A_444] {strides = array<i32>} : memref<32x768xf32, #tpu.memory_space<vmem>>, vector<1x16xf32>,
          %swap3A_446 = vector.shape_cast %swap3A_445 : vector<1x16xf32> to vector<16xf32>
          %swap3A_447 = vector.shape_cast %get3A_182 : vector<16xf32> to vector<1x16xf32>
          tpu.vector_store %arg10[%swap3A_443, %swap3A_444], %swap3A_447 {add = true, strides = array<i32>} : memref<32x768xf32, #tpu.memory_space<vmem>>, vector<1x16xf32>,
          %swap3A_448 = arith.index_cast %scan3A_393 : i32 to index
          %swap3A_449 = arith.constant 176 : index
          %swap3A_450 = tpu.vector_load %arg10[%swap3A_448, %swap3A_449] {strides = array<i32>} : memref<32x768xf32, #tpu.memory_space<vmem>>, vector<1x16xf32>,
          %swap3A_451 = vector.shape_cast %swap3A_450 : vector<1x16xf32> to vector<16xf32>
          %swap3A_452 = vector.shape_cast %get3A_186 : vector<16xf32> to vector<1x16xf32>
          tpu.vector_store %arg10[%swap3A_448, %swap3A_449], %swap3A_452 {add = true, strides = array<i32>} : memref<32x768xf32, #tpu.memory_space<vmem>>, vector<1x16xf32>,
          %swap3A_453 = arith.index_cast %scan3A_393 : i32 to index
          %swap3A_454 = arith.constant 192 : index
          %swap3A_455 = tpu.vector_load %arg10[%swap3A_453, %swap3A_454] {strides = array<i32>} : memref<32x768xf32, #tpu.memory_space<vmem>>, vector<1x16xf32>,
          %swap3A_456 = vector.shape_cast %swap3A_455 : vector<1x16xf32> to vector<16xf32>
          %swap3A_457 = vector.shape_cast %get3A_190 : vector<16xf32> to vector<1x16xf32>
          tpu.vector_store %arg10[%swap3A_453, %swap3A_454], %swap3A_457 {add = true, strides = array<i32>} : memref<32x768xf32, #tpu.memory_space<vmem>>, vector<1x16xf32>,
          %swap3A_458 = arith.index_cast %scan3A_393 : i32 to index
          %swap3A_459 = arith.constant 208 : index
          %swap3A_460 = tpu.vector_load %arg10[%swap3A_458, %swap3A_459] {strides = array<i32>} : memref<32x768xf32, #tpu.memory_space<vmem>>, vector<1x16xf32>,
          %swap3A_461 = vector.shape_cast %swap3A_460 : vector<1x16xf32> to vector<16xf32>
          %swap3A_462 = vector.shape_cast %get3A_194 : vector<16xf32> to vector<1x16xf32>
          tpu.vector_store %arg10[%swap3A_458, %swap3A_459], %swap3A_462 {add = true, strides = array<i32>} : memref<32x768xf32, #tpu.memory_space<vmem>>, vector<1x16xf32>,
          %swap3A_463 = arith.index_cast %scan3A_393 : i32 to index
          %swap3A_464 = arith.constant 224 : index
          %swap3A_465 = tpu.vector_load %arg10[%swap3A_463, %swap3A_464] {strides = array<i32>} : memref<32x768xf32, #tpu.memory_space<vmem>>, vector<1x16xf32>,
          %swap3A_466 = vector.shape_cast %swap3A_465 : vector<1x16xf32> to vector<16xf32>
          %swap3A_467 = vector.shape_cast %get3A_198 : vector<16xf32> to vector<1x16xf32>
          tpu.vector_store %arg10[%swap3A_463, %swap3A_464], %swap3A_467 {add = true, strides = array<i32>} : memref<32x768xf32, #tpu.memory_space<vmem>>, vector<1x16xf32>,
          %swap3A_468 = arith.index_cast %scan3A_393 : i32 to index
          %swap3A_469 = arith.constant 240 : index
          %swap3A_470 = tpu.vector_load %arg10[%swap3A_468, %swap3A_469] {strides = array<i32>} : memref<32x768xf32, #tpu.memory_space<vmem>>, vector<1x16xf32>,
          %swap3A_471 = vector.shape_cast %swap3A_470 : vector<1x16xf32> to vector<16xf32>
          %swap3A_472 = vector.shape_cast %get3A_202 : vector<16xf32> to vector<1x16xf32>
          tpu.vector_store %arg10[%swap3A_468, %swap3A_469], %swap3A_472 {add = true, strides = array<i32>} : memref<32x768xf32, #tpu.memory_space<vmem>>, vector<1x16xf32>,
        }
        %scan3A_208 = arith.constant 32 : i32
        %get3A_209 = arith.index_cast %add3A_102 : i32 to index
        %get3A_210 = arith.constant 256 : index
        %get3A_211 = tpu.vector_load %arg7[%get3A_209, %get3A_210] {strides = array<i32>} : memref<20x768xf32, #tpu.memory_space<vmem>>, vector<1x16xf32>,
        %get3A_212 = vector.shape_cast %get3A_211 : vector<1x16xf32> to vector<16xf32>
        %get3A_213 = arith.index_cast %add3A_102 : i32 to index
        %get3A_214 = arith.constant 272 : index
        %get3A_215 = tpu.vector_load %arg7[%get3A_213, %get3A_214] {strides = array<i32>} : memref<20x768xf32, #tpu.memory_space<vmem>>, vector<1x16xf32>,
        %get3A_216 = vector.shape_cast %get3A_215 : vector<1x16xf32> to vector<16xf32>
        %get3A_217 = arith.index_cast %add3A_102 : i32 to index
        %get3A_218 = arith.constant 288 : index
        %get3A_219 = tpu.vector_load %arg7[%get3A_217, %get3A_218] {strides = array<i32>} : memref<20x768xf32, #tpu.memory_space<vmem>>, vector<1x16xf32>,
        %get3A_220 = vector.shape_cast %get3A_219 : vector<1x16xf32> to vector<16xf32>
        %get3A_221 = arith.index_cast %add3A_102 : i32 to index
        %get3A_222 = arith.constant 304 : index
        %get3A_223 = tpu.vector_load %arg7[%get3A_221, %get3A_222] {strides = array<i32>} : memref<20x768xf32, #tpu.memory_space<vmem>>, vector<1x16xf32>,
        %get3A_224 = vector.shape_cast %get3A_223 : vector<1x16xf32> to vector<16xf32>
        %get3A_225 = arith.index_cast %add3A_102 : i32 to index
        %get3A_226 = arith.constant 320 : index
        %get3A_227 = tpu.vector_load %arg7[%get3A_225, %get3A_226] {strides = array<i32>} : memref<20x768xf32, #tpu.memory_space<vmem>>, vector<1x16xf32>,
        %get3A_228 = vector.shape_cast %get3A_227 : vector<1x16xf32> to vector<16xf32>
        %get3A_229 = arith.index_cast %add3A_102 : i32 to index
        %get3A_230 = arith.constant 336 : index
        %get3A_231 = tpu.vector_load %arg7[%get3A_229, %get3A_230] {strides = array<i32>} : memref<20x768xf32, #tpu.memory_space<vmem>>, vector<1x16xf32>,
        %get3A_232 = vector.shape_cast %get3A_231 : vector<1x16xf32> to vector<16xf32>
        %get3A_233 = arith.index_cast %add3A_102 : i32 to index
        %get3A_234 = arith.constant 352 : index
        %get3A_235 = tpu.vector_load %arg7[%get3A_233, %get3A_234] {strides = array<i32>} : memref<20x768xf32, #tpu.memory_space<vmem>>, vector<1x16xf32>,
        %get3A_236 = vector.shape_cast %get3A_235 : vector<1x16xf32> to vector<16xf32>
        %get3A_237 = arith.index_cast %add3A_102 : i32 to index
        %get3A_238 = arith.constant 368 : index
        %get3A_239 = tpu.vector_load %arg7[%get3A_237, %get3A_238] {strides = array<i32>} : memref<20x768xf32, #tpu.memory_space<vmem>>, vector<1x16xf32>,
        %get3A_240 = vector.shape_cast %get3A_239 : vector<1x16xf32> to vector<16xf32>
        %get3A_241 = arith.index_cast %add3A_102 : i32 to index
        %get3A_242 = arith.constant 384 : index
        %get3A_243 = tpu.vector_load %arg7[%get3A_241, %get3A_242] {strides = array<i32>} : memref<20x768xf32, #tpu.memory_space<vmem>>, vector<1x16xf32>,
        %get3A_244 = vector.shape_cast %get3A_243 : vector<1x16xf32> to vector<16xf32>
        %get3A_245 = arith.index_cast %add3A_102 : i32 to index
        %get3A_246 = arith.constant 400 : index
        %get3A_247 = tpu.vector_load %arg7[%get3A_245, %get3A_246] {strides = array<i32>} : memref<20x768xf32, #tpu.memory_space<vmem>>, vector<1x16xf32>,
        %get3A_248 = vector.shape_cast %get3A_247 : vector<1x16xf32> to vector<16xf32>
        %get3A_249 = arith.index_cast %add3A_102 : i32 to index
        %get3A_250 = arith.constant 416 : index
        %get3A_251 = tpu.vector_load %arg7[%get3A_249, %get3A_250] {strides = array<i32>} : memref<20x768xf32, #tpu.memory_space<vmem>>, vector<1x16xf32>,
        %get3A_252 = vector.shape_cast %get3A_251 : vector<1x16xf32> to vector<16xf32>
        %get3A_253 = arith.index_cast %add3A_102 : i32 to index
        %get3A_254 = arith.constant 432 : index
        %get3A_255 = tpu.vector_load %arg7[%get3A_253, %get3A_254] {strides = array<i32>} : memref<20x768xf32, #tpu.memory_space<vmem>>, vector<1x16xf32>,
        %get3A_256 = vector.shape_cast %get3A_255 : vector<1x16xf32> to vector<16xf32>
        %get3A_257 = arith.index_cast %add3A_102 : i32 to index
        %get3A_258 = arith.constant 448 : index
        %get3A_259 = tpu.vector_load %arg7[%get3A_257, %get3A_258] {strides = array<i32>} : memref<20x768xf32, #tpu.memory_space<vmem>>, vector<1x16xf32>,
        %get3A_260 = vector.shape_cast %get3A_259 : vector<1x16xf32> to vector<16xf32>
        %get3A_261 = arith.index_cast %add3A_102 : i32 to index
        %get3A_262 = arith.constant 464 : index
        %get3A_263 = tpu.vector_load %arg7[%get3A_261, %get3A_262] {strides = array<i32>} : memref<20x768xf32, #tpu.memory_space<vmem>>, vector<1x16xf32>,
        %get3A_264 = vector.shape_cast %get3A_263 : vector<1x16xf32> to vector<16xf32>
        %get3A_265 = arith.index_cast %add3A_102 : i32 to index
        %get3A_266 = arith.constant 480 : index
        %get3A_267 = tpu.vector_load %arg7[%get3A_265, %get3A_266] {strides = array<i32>} : memref<20x768xf32, #tpu.memory_space<vmem>>, vector<1x16xf32>,
        %get3A_268 = vector.shape_cast %get3A_267 : vector<1x16xf32> to vector<16xf32>
        %get3A_269 = arith.index_cast %add3A_102 : i32 to index
        %get3A_270 = arith.constant 496 : index
        %get3A_271 = tpu.vector_load %arg7[%get3A_269, %get3A_270] {strides = array<i32>} : memref<20x768xf32, #tpu.memory_space<vmem>>, vector<1x16xf32>,
        %get3A_272 = vector.shape_cast %get3A_271 : vector<1x16xf32> to vector<16xf32>
        %scan3A_273 = arith.constant 0 : i32
        %scan3A_274 = arith.constant 0 : i32
        %scan3A_275 = arith.constant 32 : i32
        %scan3A_276 = arith.addi %scan3A_274, %scan3A_275 : i32
        %scan3A_277 = arith.constant 1 : i32
        scf.for %scan3A_393 = %scan3A_274 to %scan3A_276 step %scan3A_277  : i32 {
          %swap3A = arith.index_cast %scan3A_393 : i32 to index
          %swap3A_394 = arith.constant 256 : index
          %swap3A_395 = tpu.vector_load %arg10[%swap3A, %swap3A_394] {strides = array<i32>} : memref<32x768xf32, #tpu.memory_space<vmem>>, vector<1x16xf32>,
          %swap3A_396 = vector.shape_cast %swap3A_395 : vector<1x16xf32> to vector<16xf32>
          %swap3A_397 = vector.shape_cast %get3A_212 : vector<16xf32> to vector<1x16xf32>
          tpu.vector_store %arg10[%swap3A, %swap3A_394], %swap3A_397 {add = true, strides = array<i32>} : memref<32x768xf32, #tpu.memory_space<vmem>>, vector<1x16xf32>,
          %swap3A_398 = arith.index_cast %scan3A_393 : i32 to index
          %swap3A_399 = arith.constant 272 : index
          %swap3A_400 = tpu.vector_load %arg10[%swap3A_398, %swap3A_399] {strides = array<i32>} : memref<32x768xf32, #tpu.memory_space<vmem>>, vector<1x16xf32>,
          %swap3A_401 = vector.shape_cast %swap3A_400 : vector<1x16xf32> to vector<16xf32>
          %swap3A_402 = vector.shape_cast %get3A_216 : vector<16xf32> to vector<1x16xf32>
          tpu.vector_store %arg10[%swap3A_398, %swap3A_399], %swap3A_402 {add = true, strides = array<i32>} : memref<32x768xf32, #tpu.memory_space<vmem>>, vector<1x16xf32>,
          %swap3A_403 = arith.index_cast %scan3A_393 : i32 to index
          %swap3A_404 = arith.constant 288 : index
          %swap3A_405 = tpu.vector_load %arg10[%swap3A_403, %swap3A_404] {strides = array<i32>} : memref<32x768xf32, #tpu.memory_space<vmem>>, vector<1x16xf32>,
          %swap3A_406 = vector.shape_cast %swap3A_405 : vector<1x16xf32> to vector<16xf32>
          %swap3A_407 = vector.shape_cast %get3A_220 : vector<16xf32> to vector<1x16xf32>
          tpu.vector_store %arg10[%swap3A_403, %swap3A_404], %swap3A_407 {add = true, strides = array<i32>} : memref<32x768xf32, #tpu.memory_space<vmem>>, vector<1x16xf32>,
          %swap3A_408 = arith.index_cast %scan3A_393 : i32 to index
          %swap3A_409 = arith.constant 304 : index
          %swap3A_410 = tpu.vector_load %arg10[%swap3A_408, %swap3A_409] {strides = array<i32>} : memref<32x768xf32, #tpu.memory_space<vmem>>, vector<1x16xf32>,
          %swap3A_411 = vector.shape_cast %swap3A_410 : vector<1x16xf32> to vector<16xf32>
          %swap3A_412 = vector.shape_cast %get3A_224 : vector<16xf32> to vector<1x16xf32>
          tpu.vector_store %arg10[%swap3A_408, %swap3A_409], %swap3A_412 {add = true, strides = array<i32>} : memref<32x768xf32, #tpu.memory_space<vmem>>, vector<1x16xf32>,
          %swap3A_413 = arith.index_cast %scan3A_393 : i32 to index
          %swap3A_414 = arith.constant 320 : index
          %swap3A_415 = tpu.vector_load %arg10[%swap3A_413, %swap3A_414] {strides = array<i32>} : memref<32x768xf32, #tpu.memory_space<vmem>>, vector<1x16xf32>,
          %swap3A_416 = vector.shape_cast %swap3A_415 : vector<1x16xf32> to vector<16xf32>
          %swap3A_417 = vector.shape_cast %get3A_228 : vector<16xf32> to vector<1x16xf32>
          tpu.vector_store %arg10[%swap3A_413, %swap3A_414], %swap3A_417 {add = true, strides = array<i32>} : memref<32x768xf32, #tpu.memory_space<vmem>>, vector<1x16xf32>,
          %swap3A_418 = arith.index_cast %scan3A_393 : i32 to index
          %swap3A_419 = arith.constant 336 : index
          %swap3A_420 = tpu.vector_load %arg10[%swap3A_418, %swap3A_419] {strides = array<i32>} : memref<32x768xf32, #tpu.memory_space<vmem>>, vector<1x16xf32>,
          %swap3A_421 = vector.shape_cast %swap3A_420 : vector<1x16xf32> to vector<16xf32>
          %swap3A_422 = vector.shape_cast %get3A_232 : vector<16xf32> to vector<1x16xf32>
          tpu.vector_store %arg10[%swap3A_418, %swap3A_419], %swap3A_422 {add = true, strides = array<i32>} : memref<32x768xf32, #tpu.memory_space<vmem>>, vector<1x16xf32>,
          %swap3A_423 = arith.index_cast %scan3A_393 : i32 to index
          %swap3A_424 = arith.constant 352 : index
          %swap3A_425 = tpu.vector_load %arg10[%swap3A_423, %swap3A_424] {strides = array<i32>} : memref<32x768xf32, #tpu.memory_space<vmem>>, vector<1x16xf32>,
          %swap3A_426 = vector.shape_cast %swap3A_425 : vector<1x16xf32> to vector<16xf32>
          %swap3A_427 = vector.shape_cast %get3A_236 : vector<16xf32> to vector<1x16xf32>
          tpu.vector_store %arg10[%swap3A_423, %swap3A_424], %swap3A_427 {add = true, strides = array<i32>} : memref<32x768xf32, #tpu.memory_space<vmem>>, vector<1x16xf32>,
          %swap3A_428 = arith.index_cast %scan3A_393 : i32 to index
          %swap3A_429 = arith.constant 368 : index
          %swap3A_430 = tpu.vector_load %arg10[%swap3A_428, %swap3A_429] {strides = array<i32>} : memref<32x768xf32, #tpu.memory_space<vmem>>, vector<1x16xf32>,
          %swap3A_431 = vector.shape_cast %swap3A_430 : vector<1x16xf32> to vector<16xf32>
          %swap3A_432 = vector.shape_cast %get3A_240 : vector<16xf32> to vector<1x16xf32>
          tpu.vector_store %arg10[%swap3A_428, %swap3A_429], %swap3A_432 {add = true, strides = array<i32>} : memref<32x768xf32, #tpu.memory_space<vmem>>, vector<1x16xf32>,
          %swap3A_433 = arith.index_cast %scan3A_393 : i32 to index
          %swap3A_434 = arith.constant 384 : index
          %swap3A_435 = tpu.vector_load %arg10[%swap3A_433, %swap3A_434] {strides = array<i32>} : memref<32x768xf32, #tpu.memory_space<vmem>>, vector<1x16xf32>,
          %swap3A_436 = vector.shape_cast %swap3A_435 : vector<1x16xf32> to vector<16xf32>
          %swap3A_437 = vector.shape_cast %get3A_244 : vector<16xf32> to vector<1x16xf32>
          tpu.vector_store %arg10[%swap3A_433, %swap3A_434], %swap3A_437 {add = true, strides = array<i32>} : memref<32x768xf32, #tpu.memory_space<vmem>>, vector<1x16xf32>,
          %swap3A_438 = arith.index_cast %scan3A_393 : i32 to index
          %swap3A_439 = arith.constant 400 : index
          %swap3A_440 = tpu.vector_load %arg10[%swap3A_438, %swap3A_439] {strides = array<i32>} : memref<32x768xf32, #tpu.memory_space<vmem>>, vector<1x16xf32>,
          %swap3A_441 = vector.shape_cast %swap3A_440 : vector<1x16xf32> to vector<16xf32>
          %swap3A_442 = vector.shape_cast %get3A_248 : vector<16xf32> to vector<1x16xf32>
          tpu.vector_store %arg10[%swap3A_438, %swap3A_439], %swap3A_442 {add = true, strides = array<i32>} : memref<32x768xf32, #tpu.memory_space<vmem>>, vector<1x16xf32>,
          %swap3A_443 = arith.index_cast %scan3A_393 : i32 to index
          %swap3A_444 = arith.constant 416 : index
          %swap3A_445 = tpu.vector_load %arg10[%swap3A_443, %swap3A_444] {strides = array<i32>} : memref<32x768xf32, #tpu.memory_space<vmem>>, vector<1x16xf32>,
          %swap3A_446 = vector.shape_cast %swap3A_445 : vector<1x16xf32> to vector<16xf32>
          %swap3A_447 = vector.shape_cast %get3A_252 : vector<16xf32> to vector<1x16xf32>
          tpu.vector_store %arg10[%swap3A_443, %swap3A_444], %swap3A_447 {add = true, strides = array<i32>} : memref<32x768xf32, #tpu.memory_space<vmem>>, vector<1x16xf32>,
          %swap3A_448 = arith.index_cast %scan3A_393 : i32 to index
          %swap3A_449 = arith.constant 432 : index
          %swap3A_450 = tpu.vector_load %arg10[%swap3A_448, %swap3A_449] {strides = array<i32>} : memref<32x768xf32, #tpu.memory_space<vmem>>, vector<1x16xf32>,
          %swap3A_451 = vector.shape_cast %swap3A_450 : vector<1x16xf32> to vector<16xf32>
          %swap3A_452 = vector.shape_cast %get3A_256 : vector<16xf32> to vector<1x16xf32>
          tpu.vector_store %arg10[%swap3A_448, %swap3A_449], %swap3A_452 {add = true, strides = array<i32>} : memref<32x768xf32, #tpu.memory_space<vmem>>, vector<1x16xf32>,
          %swap3A_453 = arith.index_cast %scan3A_393 : i32 to index
          %swap3A_454 = arith.constant 448 : index
          %swap3A_455 = tpu.vector_load %arg10[%swap3A_453, %swap3A_454] {strides = array<i32>} : memref<32x768xf32, #tpu.memory_space<vmem>>, vector<1x16xf32>,
          %swap3A_456 = vector.shape_cast %swap3A_455 : vector<1x16xf32> to vector<16xf32>
          %swap3A_457 = vector.shape_cast %get3A_260 : vector<16xf32> to vector<1x16xf32>
          tpu.vector_store %arg10[%swap3A_453, %swap3A_454], %swap3A_457 {add = true, strides = array<i32>} : memref<32x768xf32, #tpu.memory_space<vmem>>, vector<1x16xf32>,
          %swap3A_458 = arith.index_cast %scan3A_393 : i32 to index
          %swap3A_459 = arith.constant 464 : index
          %swap3A_460 = tpu.vector_load %arg10[%swap3A_458, %swap3A_459] {strides = array<i32>} : memref<32x768xf32, #tpu.memory_space<vmem>>, vector<1x16xf32>,
          %swap3A_461 = vector.shape_cast %swap3A_460 : vector<1x16xf32> to vector<16xf32>
          %swap3A_462 = vector.shape_cast %get3A_264 : vector<16xf32> to vector<1x16xf32>
          tpu.vector_store %arg10[%swap3A_458, %swap3A_459], %swap3A_462 {add = true, strides = array<i32>} : memref<32x768xf32, #tpu.memory_space<vmem>>, vector<1x16xf32>,
          %swap3A_463 = arith.index_cast %scan3A_393 : i32 to index
          %swap3A_464 = arith.constant 480 : index
          %swap3A_465 = tpu.vector_load %arg10[%swap3A_463, %swap3A_464] {strides = array<i32>} : memref<32x768xf32, #tpu.memory_space<vmem>>, vector<1x16xf32>,
          %swap3A_466 = vector.shape_cast %swap3A_465 : vector<1x16xf32> to vector<16xf32>
          %swap3A_467 = vector.shape_cast %get3A_268 : vector<16xf32> to vector<1x16xf32>
          tpu.vector_store %arg10[%swap3A_463, %swap3A_464], %swap3A_467 {add = true, strides = array<i32>} : memref<32x768xf32, #tpu.memory_space<vmem>>, vector<1x16xf32>,
          %swap3A_468 = arith.index_cast %scan3A_393 : i32 to index
          %swap3A_469 = arith.constant 496 : index
          %swap3A_470 = tpu.vector_load %arg10[%swap3A_468, %swap3A_469] {strides = array<i32>} : memref<32x768xf32, #tpu.memory_space<vmem>>, vector<1x16xf32>,
          %swap3A_471 = vector.shape_cast %swap3A_470 : vector<1x16xf32> to vector<16xf32>
          %swap3A_472 = vector.shape_cast %get3A_272 : vector<16xf32> to vector<1x16xf32>
          tpu.vector_store %arg10[%swap3A_468, %swap3A_469], %swap3A_472 {add = true, strides = array<i32>} : memref<32x768xf32, #tpu.memory_space<vmem>>, vector<1x16xf32>,
        }
        %scan3A_278 = arith.constant 32 : i32
        %get3A_279 = arith.index_cast %add3A_102 : i32 to index
        %get3A_280 = arith.constant 512 : index
        %get3A_281 = tpu.vector_load %arg7[%get3A_279, %get3A_280] {strides = array<i32>} : memref<20x768xf32, #tpu.memory_space<vmem>>, vector<1x16xf32>,
        %get3A_282 = vector.shape_cast %get3A_281 : vector<1x16xf32> to vector<16xf32>
        %get3A_283 = arith.index_cast %add3A_102 : i32 to index
        %get3A_284 = arith.constant 528 : index
        %get3A_285 = tpu.vector_load %arg7[%get3A_283, %get3A_284] {strides = array<i32>} : memref<20x768xf32, #tpu.memory_space<vmem>>, vector<1x16xf32>,
        %get3A_286 = vector.shape_cast %get3A_285 : vector<1x16xf32> to vector<16xf32>
        %get3A_287 = arith.index_cast %add3A_102 : i32 to index
        %get3A_288 = arith.constant 544 : index
        %get3A_289 = tpu.vector_load %arg7[%get3A_287, %get3A_288] {strides = array<i32>} : memref<20x768xf32, #tpu.memory_space<vmem>>, vector<1x16xf32>,
        %get3A_290 = vector.shape_cast %get3A_289 : vector<1x16xf32> to vector<16xf32>
        %get3A_291 = arith.index_cast %add3A_102 : i32 to index
        %get3A_292 = arith.constant 560 : index
        %get3A_293 = tpu.vector_load %arg7[%get3A_291, %get3A_292] {strides = array<i32>} : memref<20x768xf32, #tpu.memory_space<vmem>>, vector<1x16xf32>,
        %get3A_294 = vector.shape_cast %get3A_293 : vector<1x16xf32> to vector<16xf32>
        %get3A_295 = arith.index_cast %add3A_102 : i32 to index
        %get3A_296 = arith.constant 576 : index
        %get3A_297 = tpu.vector_load %arg7[%get3A_295, %get3A_296] {strides = array<i32>} : memref<20x768xf32, #tpu.memory_space<vmem>>, vector<1x16xf32>,
        %get3A_298 = vector.shape_cast %get3A_297 : vector<1x16xf32> to vector<16xf32>
        %get3A_299 = arith.index_cast %add3A_102 : i32 to index
        %get3A_300 = arith.constant 592 : index
        %get3A_301 = tpu.vector_load %arg7[%get3A_299, %get3A_300] {strides = array<i32>} : memref<20x768xf32, #tpu.memory_space<vmem>>, vector<1x16xf32>,
        %get3A_302 = vector.shape_cast %get3A_301 : vector<1x16xf32> to vector<16xf32>
        %get3A_303 = arith.index_cast %add3A_102 : i32 to index
        %get3A_304 = arith.constant 608 : index
        %get3A_305 = tpu.vector_load %arg7[%get3A_303, %get3A_304] {strides = array<i32>} : memref<20x768xf32, #tpu.memory_space<vmem>>, vector<1x16xf32>,
        %get3A_306 = vector.shape_cast %get3A_305 : vector<1x16xf32> to vector<16xf32>
        %get3A_307 = arith.index_cast %add3A_102 : i32 to index
        %get3A_308 = arith.constant 624 : index
        %get3A_309 = tpu.vector_load %arg7[%get3A_307, %get3A_308] {strides = array<i32>} : memref<20x768xf32, #tpu.memory_space<vmem>>, vector<1x16xf32>,
        %get3A_310 = vector.shape_cast %get3A_309 : vector<1x16xf32> to vector<16xf32>
        %get3A_311 = arith.index_cast %add3A_102 : i32 to index
        %get3A_312 = arith.constant 640 : index
        %get3A_313 = tpu.vector_load %arg7[%get3A_311, %get3A_312] {strides = array<i32>} : memref<20x768xf32, #tpu.memory_space<vmem>>, vector<1x16xf32>,
        %get3A_314 = vector.shape_cast %get3A_313 : vector<1x16xf32> to vector<16xf32>
        %get3A_315 = arith.index_cast %add3A_102 : i32 to index
        %get3A_316 = arith.constant 656 : index
        %get3A_317 = tpu.vector_load %arg7[%get3A_315, %get3A_316] {strides = array<i32>} : memref<20x768xf32, #tpu.memory_space<vmem>>, vector<1x16xf32>,
        %get3A_318 = vector.shape_cast %get3A_317 : vector<1x16xf32> to vector<16xf32>
        %get3A_319 = arith.index_cast %add3A_102 : i32 to index
        %get3A_320 = arith.constant 672 : index
        %get3A_321 = tpu.vector_load %arg7[%get3A_319, %get3A_320] {strides = array<i32>} : memref<20x768xf32, #tpu.memory_space<vmem>>, vector<1x16xf32>,
        %get3A_322 = vector.shape_cast %get3A_321 : vector<1x16xf32> to vector<16xf32>
        %get3A_323 = arith.index_cast %add3A_102 : i32 to index
        %get3A_324 = arith.constant 688 : index
        %get3A_325 = tpu.vector_load %arg7[%get3A_323, %get3A_324] {strides = array<i32>} : memref<20x768xf32, #tpu.memory_space<vmem>>, vector<1x16xf32>,
        %get3A_326 = vector.shape_cast %get3A_325 : vector<1x16xf32> to vector<16xf32>
        %get3A_327 = arith.index_cast %add3A_102 : i32 to index
        %get3A_328 = arith.constant 704 : index
        %get3A_329 = tpu.vector_load %arg7[%get3A_327, %get3A_328] {strides = array<i32>} : memref<20x768xf32, #tpu.memory_space<vmem>>, vector<1x16xf32>,
        %get3A_330 = vector.shape_cast %get3A_329 : vector<1x16xf32> to vector<16xf32>
        %get3A_331 = arith.index_cast %add3A_102 : i32 to index
        %get3A_332 = arith.constant 720 : index
        %get3A_333 = tpu.vector_load %arg7[%get3A_331, %get3A_332] {strides = array<i32>} : memref<20x768xf32, #tpu.memory_space<vmem>>, vector<1x16xf32>,
        %get3A_334 = vector.shape_cast %get3A_333 : vector<1x16xf32> to vector<16xf32>
        %get3A_335 = arith.index_cast %add3A_102 : i32 to index
        %get3A_336 = arith.constant 736 : index
        %get3A_337 = tpu.vector_load %arg7[%get3A_335, %get3A_336] {strides = array<i32>} : memref<20x768xf32, #tpu.memory_space<vmem>>, vector<1x16xf32>,
        %get3A_338 = vector.shape_cast %get3A_337 : vector<1x16xf32> to vector<16xf32>
        %get3A_339 = arith.index_cast %add3A_102 : i32 to index
        %get3A_340 = arith.constant 752 : index
        %get3A_341 = tpu.vector_load %arg7[%get3A_339, %get3A_340] {strides = array<i32>} : memref<20x768xf32, #tpu.memory_space<vmem>>, vector<1x16xf32>,
        %get3A_342 = vector.shape_cast %get3A_341 : vector<1x16xf32> to vector<16xf32>
        %scan3A_343 = arith.constant 0 : i32
        %scan3A_344 = arith.constant 0 : i32
        %scan3A_345 = arith.constant 32 : i32
        %scan3A_346 = arith.addi %scan3A_344, %scan3A_345 : i32
        %scan3A_347 = arith.constant 1 : i32
        scf.for %scan3A_393 = %scan3A_344 to %scan3A_346 step %scan3A_347  : i32 {
          %swap3A = arith.index_cast %scan3A_393 : i32 to index
          %swap3A_394 = arith.constant 512 : index
          %swap3A_395 = tpu.vector_load %arg10[%swap3A, %swap3A_394] {strides = array<i32>} : memref<32x768xf32, #tpu.memory_space<vmem>>, vector<1x16xf32>,
          %swap3A_396 = vector.shape_cast %swap3A_395 : vector<1x16xf32> to vector<16xf32>
          %swap3A_397 = vector.shape_cast %get3A_282 : vector<16xf32> to vector<1x16xf32>
          tpu.vector_store %arg10[%swap3A, %swap3A_394], %swap3A_397 {add = true, strides = array<i32>} : memref<32x768xf32, #tpu.memory_space<vmem>>, vector<1x16xf32>,
          %swap3A_398 = arith.index_cast %scan3A_393 : i32 to index
          %swap3A_399 = arith.constant 528 : index
          %swap3A_400 = tpu.vector_load %arg10[%swap3A_398, %swap3A_399] {strides = array<i32>} : memref<32x768xf32, #tpu.memory_space<vmem>>, vector<1x16xf32>,
          %swap3A_401 = vector.shape_cast %swap3A_400 : vector<1x16xf32> to vector<16xf32>
          %swap3A_402 = vector.shape_cast %get3A_286 : vector<16xf32> to vector<1x16xf32>
          tpu.vector_store %arg10[%swap3A_398, %swap3A_399], %swap3A_402 {add = true, strides = array<i32>} : memref<32x768xf32, #tpu.memory_space<vmem>>, vector<1x16xf32>,
          %swap3A_403 = arith.index_cast %scan3A_393 : i32 to index
          %swap3A_404 = arith.constant 544 : index
          %swap3A_405 = tpu.vector_load %arg10[%swap3A_403, %swap3A_404] {strides = array<i32>} : memref<32x768xf32, #tpu.memory_space<vmem>>, vector<1x16xf32>,
          %swap3A_406 = vector.shape_cast %swap3A_405 : vector<1x16xf32> to vector<16xf32>
          %swap3A_407 = vector.shape_cast %get3A_290 : vector<16xf32> to vector<1x16xf32>
          tpu.vector_store %arg10[%swap3A_403, %swap3A_404], %swap3A_407 {add = true, strides = array<i32>} : memref<32x768xf32, #tpu.memory_space<vmem>>, vector<1x16xf32>,
          %swap3A_408 = arith.index_cast %scan3A_393 : i32 to index
          %swap3A_409 = arith.constant 560 : index
          %swap3A_410 = tpu.vector_load %arg10[%swap3A_408, %swap3A_409] {strides = array<i32>} : memref<32x768xf32, #tpu.memory_space<vmem>>, vector<1x16xf32>,
          %swap3A_411 = vector.shape_cast %swap3A_410 : vector<1x16xf32> to vector<16xf32>
          %swap3A_412 = vector.shape_cast %get3A_294 : vector<16xf32> to vector<1x16xf32>
          tpu.vector_store %arg10[%swap3A_408, %swap3A_409], %swap3A_412 {add = true, strides = array<i32>} : memref<32x768xf32, #tpu.memory_space<vmem>>, vector<1x16xf32>,
          %swap3A_413 = arith.index_cast %scan3A_393 : i32 to index
          %swap3A_414 = arith.constant 576 : index
          %swap3A_415 = tpu.vector_load %arg10[%swap3A_413, %swap3A_414] {strides = array<i32>} : memref<32x768xf32, #tpu.memory_space<vmem>>, vector<1x16xf32>,
          %swap3A_416 = vector.shape_cast %swap3A_415 : vector<1x16xf32> to vector<16xf32>
          %swap3A_417 = vector.shape_cast %get3A_298 : vector<16xf32> to vector<1x16xf32>
          tpu.vector_store %arg10[%swap3A_413, %swap3A_414], %swap3A_417 {add = true, strides = array<i32>} : memref<32x768xf32, #tpu.memory_space<vmem>>, vector<1x16xf32>,
          %swap3A_418 = arith.index_cast %scan3A_393 : i32 to index
          %swap3A_419 = arith.constant 592 : index
          %swap3A_420 = tpu.vector_load %arg10[%swap3A_418, %swap3A_419] {strides = array<i32>} : memref<32x768xf32, #tpu.memory_space<vmem>>, vector<1x16xf32>,
          %swap3A_421 = vector.shape_cast %swap3A_420 : vector<1x16xf32> to vector<16xf32>
          %swap3A_422 = vector.shape_cast %get3A_302 : vector<16xf32> to vector<1x16xf32>
          tpu.vector_store %arg10[%swap3A_418, %swap3A_419], %swap3A_422 {add = true, strides = array<i32>} : memref<32x768xf32, #tpu.memory_space<vmem>>, vector<1x16xf32>,
          %swap3A_423 = arith.index_cast %scan3A_393 : i32 to index
          %swap3A_424 = arith.constant 608 : index
          %swap3A_425 = tpu.vector_load %arg10[%swap3A_423, %swap3A_424] {strides = array<i32>} : memref<32x768xf32, #tpu.memory_space<vmem>>, vector<1x16xf32>,
          %swap3A_426 = vector.shape_cast %swap3A_425 : vector<1x16xf32> to vector<16xf32>
          %swap3A_427 = vector.shape_cast %get3A_306 : vector<16xf32> to vector<1x16xf32>
          tpu.vector_store %arg10[%swap3A_423, %swap3A_424], %swap3A_427 {add = true, strides = array<i32>} : memref<32x768xf32, #tpu.memory_space<vmem>>, vector<1x16xf32>,
          %swap3A_428 = arith.index_cast %scan3A_393 : i32 to index
          %swap3A_429 = arith.constant 624 : index
          %swap3A_430 = tpu.vector_load %arg10[%swap3A_428, %swap3A_429] {strides = array<i32>} : memref<32x768xf32, #tpu.memory_space<vmem>>, vector<1x16xf32>,
          %swap3A_431 = vector.shape_cast %swap3A_430 : vector<1x16xf32> to vector<16xf32>
          %swap3A_432 = vector.shape_cast %get3A_310 : vector<16xf32> to vector<1x16xf32>
          tpu.vector_store %arg10[%swap3A_428, %swap3A_429], %swap3A_432 {add = true, strides = array<i32>} : memref<32x768xf32, #tpu.memory_space<vmem>>, vector<1x16xf32>,
          %swap3A_433 = arith.index_cast %scan3A_393 : i32 to index
          %swap3A_434 = arith.constant 640 : index
          %swap3A_435 = tpu.vector_load %arg10[%swap3A_433, %swap3A_434] {strides = array<i32>} : memref<32x768xf32, #tpu.memory_space<vmem>>, vector<1x16xf32>,
          %swap3A_436 = vector.shape_cast %swap3A_435 : vector<1x16xf32> to vector<16xf32>
          %swap3A_437 = vector.shape_cast %get3A_314 : vector<16xf32> to vector<1x16xf32>
          tpu.vector_store %arg10[%swap3A_433, %swap3A_434], %swap3A_437 {add = true, strides = array<i32>} : memref<32x768xf32, #tpu.memory_space<vmem>>, vector<1x16xf32>,
          %swap3A_438 = arith.index_cast %scan3A_393 : i32 to index
          %swap3A_439 = arith.constant 656 : index
          %swap3A_440 = tpu.vector_load %arg10[%swap3A_438, %swap3A_439] {strides = array<i32>} : memref<32x768xf32, #tpu.memory_space<vmem>>, vector<1x16xf32>,
          %swap3A_441 = vector.shape_cast %swap3A_440 : vector<1x16xf32> to vector<16xf32>
          %swap3A_442 = vector.shape_cast %get3A_318 : vector<16xf32> to vector<1x16xf32>
          tpu.vector_store %arg10[%swap3A_438, %swap3A_439], %swap3A_442 {add = true, strides = array<i32>} : memref<32x768xf32, #tpu.memory_space<vmem>>, vector<1x16xf32>,
          %swap3A_443 = arith.index_cast %scan3A_393 : i32 to index
          %swap3A_444 = arith.constant 672 : index
          %swap3A_445 = tpu.vector_load %arg10[%swap3A_443, %swap3A_444] {strides = array<i32>} : memref<32x768xf32, #tpu.memory_space<vmem>>, vector<1x16xf32>,
          %swap3A_446 = vector.shape_cast %swap3A_445 : vector<1x16xf32> to vector<16xf32>
          %swap3A_447 = vector.shape_cast %get3A_322 : vector<16xf32> to vector<1x16xf32>
          tpu.vector_store %arg10[%swap3A_443, %swap3A_444], %swap3A_447 {add = true, strides = array<i32>} : memref<32x768xf32, #tpu.memory_space<vmem>>, vector<1x16xf32>,
          %swap3A_448 = arith.index_cast %scan3A_393 : i32 to index
          %swap3A_449 = arith.constant 688 : index
          %swap3A_450 = tpu.vector_load %arg10[%swap3A_448, %swap3A_449] {strides = array<i32>} : memref<32x768xf32, #tpu.memory_space<vmem>>, vector<1x16xf32>,
          %swap3A_451 = vector.shape_cast %swap3A_450 : vector<1x16xf32> to vector<16xf32>
          %swap3A_452 = vector.shape_cast %get3A_326 : vector<16xf32> to vector<1x16xf32>
          tpu.vector_store %arg10[%swap3A_448, %swap3A_449], %swap3A_452 {add = true, strides = array<i32>} : memref<32x768xf32, #tpu.memory_space<vmem>>, vector<1x16xf32>,
          %swap3A_453 = arith.index_cast %scan3A_393 : i32 to index
          %swap3A_454 = arith.constant 704 : index
          %swap3A_455 = tpu.vector_load %arg10[%swap3A_453, %swap3A_454] {strides = array<i32>} : memref<32x768xf32, #tpu.memory_space<vmem>>, vector<1x16xf32>,
          %swap3A_456 = vector.shape_cast %swap3A_455 : vector<1x16xf32> to vector<16xf32>
          %swap3A_457 = vector.shape_cast %get3A_330 : vector<16xf32> to vector<1x16xf32>
          tpu.vector_store %arg10[%swap3A_453, %swap3A_454], %swap3A_457 {add = true, strides = array<i32>} : memref<32x768xf32, #tpu.memory_space<vmem>>, vector<1x16xf32>,
          %swap3A_458 = arith.index_cast %scan3A_393 : i32 to index
          %swap3A_459 = arith.constant 720 : index
          %swap3A_460 = tpu.vector_load %arg10[%swap3A_458, %swap3A_459] {strides = array<i32>} : memref<32x768xf32, #tpu.memory_space<vmem>>, vector<1x16xf32>,
          %swap3A_461 = vector.shape_cast %swap3A_460 : vector<1x16xf32> to vector<16xf32>
          %swap3A_462 = vector.shape_cast %get3A_334 : vector<16xf32> to vector<1x16xf32>
          tpu.vector_store %arg10[%swap3A_458, %swap3A_459], %swap3A_462 {add = true, strides = array<i32>} : memref<32x768xf32, #tpu.memory_space<vmem>>, vector<1x16xf32>,
          %swap3A_463 = arith.index_cast %scan3A_393 : i32 to index
          %swap3A_464 = arith.constant 736 : index
          %swap3A_465 = tpu.vector_load %arg10[%swap3A_463, %swap3A_464] {strides = array<i32>} : memref<32x768xf32, #tpu.memory_space<vmem>>, vector<1x16xf32>,
          %swap3A_466 = vector.shape_cast %swap3A_465 : vector<1x16xf32> to vector<16xf32>
          %swap3A_467 = vector.shape_cast %get3A_338 : vector<16xf32> to vector<1x16xf32>
          tpu.vector_store %arg10[%swap3A_463, %swap3A_464], %swap3A_467 {add = true, strides = array<i32>} : memref<32x768xf32, #tpu.memory_space<vmem>>, vector<1x16xf32>,
          %swap3A_468 = arith.index_cast %scan3A_393 : i32 to index
          %swap3A_469 = arith.constant 752 : index
          %swap3A_470 = tpu.vector_load %arg10[%swap3A_468, %swap3A_469] {strides = array<i32>} : memref<32x768xf32, #tpu.memory_space<vmem>>, vector<1x16xf32>,
          %swap3A_471 = vector.shape_cast %swap3A_470 : vector<1x16xf32> to vector<16xf32>
          %swap3A_472 = vector.shape_cast %get3A_342 : vector<16xf32> to vector<1x16xf32>
          tpu.vector_store %arg10[%swap3A_468, %swap3A_469], %swap3A_472 {add = true, strides = array<i32>} : memref<32x768xf32, #tpu.memory_space<vmem>>, vector<1x16xf32>,
        }
        %scan3A_348 = arith.constant 32 : i32
        %mul3A_349 = arith.constant 32 : i32
        %mul3A_350 = arith.muli %mul3A_349, %add3A_102 : i32
        %add3A_351 = arith.addi %add3A, %mul3A_350 : i32
        %jit3A = arith.constant 8 : i32
        %div3A = arith.divsi %add3A_351, %jit3A : i32
        %sign3A = arith.constant 0 : i32
        %sign3A_352 = arith.cmpi sgt, %add3A_351, %sign3A : i32
        %sign3A_353 = arith.extui %sign3A_352 : i1 to i32
        %sign3A_354 = arith.constant 0 : i32
        %sign3A_355 = arith.cmpi slt, %add3A_351, %sign3A_354 : i32
        %sign3A_356 = arith.extui %sign3A_355 : i1 to i32
        %sign3A_357 = arith.subi %sign3A_353, %sign3A_356 : i32
        %sign3A_358 = arith.constant 0 : i32
        %sign3A_359 = arith.cmpi sgt, %jit3A, %sign3A_358 : i32
        %sign3A_360 = arith.extui %sign3A_359 : i1 to i32
        %sign3A_361 = arith.constant 0 : i32
        %sign3A_362 = arith.cmpi slt, %jit3A, %sign3A_361 : i32
        %sign3A_363 = arith.extui %sign3A_362 : i1 to i32
        %sign3A_364 = arith.subi %sign3A_360, %sign3A_363 : i32
        %ne3A = arith.cmpi ne, %sign3A_357, %sign3A_364 : i32
        %rem3A = arith.remsi %add3A_351, %jit3A : i32
        %ne3A_365 = arith.constant 0 : i32
        %ne3A_366 = arith.cmpi ne, %rem3A, %ne3A_365 : i32
        %and3A_367 = arith.andi %ne3A, %ne3A_366 : i1
        %sub3A_368 = arith.constant 1 : i32
        %sub3A_369 = arith.subi %div3A, %sub3A_368 : i32
        %select_n3A = arith.select %and3A_367, %sub3A_369, %div3A : i32
        %jit3A_370 = arith.constant 8 : i32
        %eq3A = arith.constant 0 : i32
        %eq3A_371 = arith.cmpi eq, %jit3A_370, %eq3A : i32
        %jit3A_372 = arith.constant 1 : i32
        %select_n3A_373 = arith.select %eq3A_371, %jit3A_372, %jit3A_370 : i32
        %rem3A_374 = arith.remsi %add3A_351, %select_n3A_373 : i32
        %ne3A_375 = arith.constant 0 : i32
        %ne3A_376 = arith.cmpi ne, %rem3A_374, %ne3A_375 : i32
        %lt3A_377 = arith.constant 0 : i32
        %lt3A_378 = arith.cmpi slt, %rem3A_374, %lt3A_377 : i32
        %lt3A_379 = arith.constant 0 : i32
        %lt3A_380 = arith.cmpi slt, %select_n3A_373, %lt3A_379 : i32
        %ne3A_381 = arith.xori %lt3A_378, %lt3A_380 : i1
        %and3A_382 = arith.andi %ne3A_381, %ne3A_376 : i1
        %add3A_383 = arith.addi %rem3A_374, %select_n3A_373 : i32
        %select_n3A_384 = arith.select %and3A_382, %add3A_383, %rem3A_374 : i32
        %mul3A_385 = arith.constant 32 : i32
        %mul3A_386 = arith.muli %select_n3A_384, %mul3A_385 : i32
        %multiple_of3A = tpu.assume_multiple %mul3A_386, 32 : i32
        %dma_start3A_387 = arith.constant 0 : i32
        %dma_start3A_388 = tpu.memref_slice %arg5[%select_n3A, %multiple_of3A, %dma_start3A_387] : memref<77x256x768xf32, #tpu.memory_space<hbm>> -> memref<1x32x768xf32, #tpu.memory_space<hbm>>
        %dma_start3A_389 = tpu.memref_squeeze %dma_start3A_388 : memref<1x32x768xf32, #tpu.memory_space<hbm>> -> memref<32x768xf32, #tpu.memory_space<hbm>>
        %dma_start3A_390 = arith.constant 0 : i32
        %dma_start3A_391 = tpu.memref_slice %arg5[%select_n3A, %multiple_of3A, %dma_start3A_390] : memref<77x256x768xf32, #tpu.memory_space<hbm>> -> memref<1x32x768xf32, #tpu.memory_space<hbm>>
        %dma_start3A_392 = tpu.memref_squeeze %dma_start3A_391 : memref<1x32x768xf32, #tpu.memory_space<hbm>> -> memref<32x768xf32, #tpu.memory_space<hbm>>
        tpu.enqueue_dma source(%arg10 : memref<32x768xf32, #tpu.memory_space<vmem>>) target(%dma_start3A_392 : memref<32x768xf32, #tpu.memory_space<hbm>>) target_semaphore(%arg16 : memref<!tpu.dma_semaphore, #tpu.memory_space<semaphore_mem>>)
      } else {
      }
      %scan3A_139 = arith.constant 0 : i32
      scf.yield %scan3A_139 : i32
    }
    %scan3A_19 = arith.constant 7 : i32
    return
  }
}

</mosaic_0001>

<sc_bundles>
// kernel: kernel.3.cloned.1.call-start
scs
__scs_entry_jumppad:
0x0: {  	(pc) =	sbr.rel $0x88, $3  }
0x1: {  	(tag) =	ssettag $0x0;
	lr =	simm.s32 $0x1  }
0x2: {  	[smem:$0x3F9E] =	sst lr;
	_ =	strace $0xD0000000  }
0x3: {  	_ = 	snop  }
0x4: {  	_ = 	snop  }
0x5: {  	_ = 	snop  }
0x6: {  	_ = 	snop  }
0x7: {  	_ = 	snop  }
__scs_overlays_trampoline_lowered:
0x8: {  	[smem:$0x3FAD] =	sst s0  }
0x9: {  	[smem:$0x3FAE] =	sst s1  }
0xa: {  	[smem:$0x3FAF] =	sst s2  }
0xb: {  	[smem:$0x3FB0] =	sst s3  }
0xc: {  	[smem:$0x3FB1] =	sst s4  }
0xd: {  	[smem:$0x3FB2] =	sst s5  }
0xe: {  	[smem:$0x3FB3] =	sst s6  }
0xf: {  	[smem:$0x3FB4] =	sst s7  }
0x10: {  	[smem:$0x3FB5] =	sst s8  }
0x11: {  	[smem:$0x3FB6] =	sst s9;
	s0 =	simm.s32 @!p0 $0x0  }
0x12: {  	s1 =	sld [smem:$0x3F9C];
	s0 =	simm.s32 @p0 $0x1  }
0x13: {  	[smem:$0x3FB7] =	sst s0;
	s0 =	simm.s32 @!p1 $0x0  }
0x14: {  	s2 =	sld [smem:$0x3F9B];
	s0 =	simm.s32 @p1 $0x1  }
0x15: {  	[smem:$0x3FB8] =	sst s0;
	s0 =	simm.s32 @!p2 $0x0  }
0x16: {  	s3 =	sld [smem:$0x3FDB];
	s0 =	simm.s32 @p2 $0x1  }
0x17: {  	s4 =	simm.s32 $0x1BF5;
	[smem:$0x3FBA] =	sst s0  }
0x18: {  	s0 =	sld [smem:$0x3F9D];
	_ =	swait.ge [sflag:s4], $0x0  }
0x19: {  	s7 =	sld [smem:$0x3F9E]  }
0x1a: {  	s8 =	sadd.s32 $0xFFFFE003, lr  }
0x1b: {  	s9 =	sadd.s32 $0xFFFFFEF7, lr;
	s5 =	simm.s32 $0xFFFFFFFF;
	p2 =	slt.u32 s8, $0xFFFFF086  }
0x1c: {  	p1 =	slt.u32 s9, $0xF7A;
	s5 =	simm.s32 @!p2 $0x0  }
0x1d: {  	s5 =	simm.s32 @p1 $0x1;
	p0 =	seq.s32 s7, s2  }
0x1e: {  	s7 =	smul.u32 @!p0 $0xF7A, s2;
	p2 =	seq.s32 @!p0 s5, $0x0  }
0x1f: {  	s9 =	smul.u32 $0xF7A, s1;
	s8 =	simm.s32 @!p0 $0x1BF5;
	p2 =	por !p2, p0  }
0x20: {  	[sflag:s8] =	ssyncset.s32 @!p0 $0xFFFFF086;
	s6 =	sadd.s32 @!p0 s3, s7;
	s7 =	simm.s32 @!p0 $0x108  }
0x21: {  	s3 =	sadd.s32 s3, s9;
	s6 =	sadd.s32 @!p0 $0x88, s6;
	s7 =	simm.s32 @p2 $0x1082  }
0x22: {  	[simem:s7], [sflag:s8] =	dma.local @!p0 [hbm:s6], $0xF7A  }
0x23: {  	s9 =	sor.u32 $0xD0000000, s2;
	s6 =	simm.s32 $0x108;
	_ =	swait.ge @!p0 [sflag:s8], $0x0  }
0x24: {  	s3 =	sadd.s32 $0x88, s3;
	s6 =	simm.s32 @!p1 $0x1082;
	[sflag:s4] =	ssyncset.s32 $0xFFFFF086  }
0x25: {  	[simem:s6], [sflag:s4] =	dma.local [hbm:s3], $0xF7A  }
0x26: {  	[smem:$0x3F9E] =	sst s1;
	(tag) =	ssettag s2;
	_ =	strace s9  }
0x27: {  	s1 =	sld [smem:$0x3FAE]  }
0x28: {  	s2 =	sld [smem:$0x3FAF]  }
0x29: {  	s4 =	sld [smem:$0x3FB1]  }
0x2a: {  	p0 =	seq.s32 s5, $0x0;
	s5 =	sld [smem:$0x3FB2]  }
0x2b: {  	s6 =	sld [smem:$0x3FB3]  }
0x2c: {  	s7 =	sld [smem:$0x3FB4]  }
0x2d: {  	s3 =	simm.s32 $0x108;
	s8 =	sld [smem:$0x3FB5]  }
0x2e: {  	s3 =	simm.s32 @!p0 $0x1082;
	s9 =	sld [smem:$0x3FB6]  }
0x2f: {  	lr =	sadd.s32 s0, s3;
	s0 =	sld [smem:$0x3FAD]  }
0x30: {  	s3 =	sld [smem:$0x3FB0]  }
0x31: {  	[smem:$0x3FB9] =	sst s10  }
0x32: {  	s10 =	sld [smem:$0x3FB7];
	_ =	sdelay $0x3  }
0x33: {  	p0 =	seq.s32 s10, $0x1;
	s10 =	sld [smem:$0x3FB9];
	_ =	sdelay $0x3  }
0x34: {  	[smem:$0x3FB9] =	sst s10  }
0x35: {  	s10 =	sld [smem:$0x3FB8];
	_ =	sdelay $0x3  }
0x36: {  	p1 =	seq.s32 s10, $0x1;
	s10 =	sld [smem:$0x3FB9];
	_ =	sdelay $0x3  }
0x37: {  	[smem:$0x3FB9] =	sst s10  }
0x38: {  	s10 =	sld [smem:$0x3FBA]  }
0x39: {  	_ = 	snop;
	(pc) =	sbr.ind lr, $3  }
0x3a: {  	_ = 	snop  }
0x3b: {  	_ = 	snop  }
0x3c: {  	p2 =	seq.s32 s10, $0x1;
	s10 =	sld [smem:$0x3FB9]  }
0x3d: {  	_ =	shalt  }
0x3e: {  	_ =	shalt  }
0x3f: {  	_ =	shalt  }
0x40: {  	_ =	shalt  }
0x41: {  	_ =	shalt  }
0x42: {  	_ =	shalt  }
0x43: {  	_ =	shalt  }
0x44: {  	_ =	shalt  }
0x45: {  	_ =	shalt  }
0x46: {  	_ =	shalt  }
0x47: {  	_ =	shalt  }
0x48: {  	_ =	shalt  }
0x49: {  	_ =	shalt  }
0x4a: {  	_ =	shalt  }
0x4b: {  	_ =	shalt  }
0x4c: {  	_ =	shalt  }
0x4d: {  	_ =	shalt  }
0x4e: {  	_ =	shalt  }
0x4f: {  	_ =	shalt  }
0x50: {  	_ =	shalt  }
0x51: {  	_ =	shalt  }
0x52: {  	_ =	shalt  }
0x53: {  	_ =	shalt  }
0x54: {  	_ =	shalt  }
0x55: {  	_ =	shalt  }
0x56: {  	_ =	shalt  }
0x57: {  	_ =	shalt  }
0x58: {  	_ =	shalt  }
0x59: {  	_ =	shalt  }
0x5a: {  	_ =	shalt  }
0x5b: {  	_ =	shalt  }
0x5c: {  	_ =	shalt  }
0x5d: {  	_ =	shalt  }
0x5e: {  	_ =	shalt  }
0x5f: {  	_ =	shalt  }
0x60: {  	_ =	shalt  }
0x61: {  	_ =	shalt  }
0x62: {  	_ =	shalt  }
0x63: {  	_ =	shalt  }
0x64: {  	_ =	shalt  }
0x65: {  	_ =	shalt  }
0x66: {  	_ =	shalt  }
0x67: {  	_ =	shalt  }
0x68: {  	_ =	shalt  }
0x69: {  	_ =	shalt  }
0x6a: {  	_ =	shalt  }
0x6b: {  	_ =	shalt  }
0x6c: {  	_ =	shalt  }
0x6d: {  	_ =	shalt  }
0x6e: {  	_ =	shalt  }
0x6f: {  	_ =	shalt  }
0x70: {  	_ =	shalt  }
0x71: {  	_ =	shalt  }
0x72: {  	_ =	shalt  }
0x73: {  	_ =	shalt  }
0x74: {  	_ =	shalt  }
0x75: {  	_ =	shalt  }
0x76: {  	_ =	shalt  }
0x77: {  	_ =	shalt  }
0x78: {  	_ =	shalt  }
0x79: {  	_ =	shalt  }
0x7a: {  	_ =	shalt  }
0x7b: {  	_ =	shalt  }
0x7c: {  	_ =	shalt  }
0x7d: {  	_ =	shalt  }
0x7e: {  	_ =	shalt  }
0x7f: {  	_ =	shalt  }
0x80: {  	_ =	shalt  }
0x81: {  	_ =	shalt  }
0x82: {  	_ =	shalt  }
0x83: {  	_ =	shalt  }
0x84: {  	_ =	shalt  }
0x85: {  	_ =	shalt  }
0x86: {  	_ =	shalt  }
0x87: {  	_ =	shalt  }
.Lfunc_end0:
.L_simem_size_0:
called_computation_lowered:
.L_overlay_start_0:
0x88: {  	s2 =	sld [smem:$0x3FD9]  }
0x89: {  	s3 =	sld [smem:$0x3FFE];
	_ =	sdelay $0x1  }
0x8a: {  	s1 =	srdreg.scid  }
0x8b: {  	s0 =	sand.u32 $0x1, s1  }
0x8c: {  	s17 =	sshll.u32 s0, $0xA;
	s2 =	sadd.s32 s3, s2  }
0x8d: {  	s2 =	sadd.s32 s2, s17  }
0x8e: {  	[smem:$0x3FC5] =	sst s2  }
0x8f: {  	_ = 	snop  }
0x90: {  	s2 =	sld [smem:$0x3FC8]  }
0x91: {  	s18 =	sld [smem:$0x3FD0];
	(tm) =	ssettm $0x1  }
0x92: {  	s4 =	sld [smem:$0x3FFB];
	_ =	sdelay $0x3  }
0x93: {  	_ =	strace s4  }
0x94: {  	s4 =	sld [smem:$0x3FFC];
	_ =	sdelay $0x3  }
0x95: {  	_ =	strace s4  }
0x96: {  	s4 =	sld [smem:$0x3FFD];
	_ =	sdelay $0x3  }
0x97: {  	_ =	strace s4  }
0x98: {  	_ =	strace $0x8FFFFFFF  }
0x99: {  	s19 =	sld [smem:$0x3FDB];
	_ =	sdelay $0x1  }
0x9a: {  	s5 =	simm.s32 $_scs_section_size  }
0x9b: {  	s6 =	simm.s32 $_size__tile_overlayer_lowered;
	s7 =	simm.s32 $_tile_overlayer_lowered  }
0x9c: {  	s22 =	simm.s32 $0x1BFF;
	s21 =	sshll.u32 s7, $0x1;
	s4 =	sadd.s32 s5, s19  }
0x9d: {  	s8 =	simm.s32 $0x0;
	s20 =	sshll.u32 s6, $0x1;
	s6 =	sadd.s32 s21, s4  }
0x9e: {  	[timem:s8], [sflag:s22] =	dma.local [hbm:s6], s20  }
0x9f: {  	_ =	swait.ge [sflag:s22], s20  }
0xa0: {  	s5 =	ssub.s32 $0x0, s20;
	[sflag:s22] =	ssyncset.done $0x0  }
0xa1: {  	[sflag:s22] =	ssyncadd.s32 s5;
	_ =	sdelay $0x1  }
0xa2: {  	s23 =	simm.s32 $0x1B8B  }
0xa3: {  	_ =	swait.ge [sflag:s23], $0x1  }
0xa4: {  	[sflag:s23] =	ssyncset.done $0x0  }
0xa5: {  	s25 =	simm.s32 $0x1B8E;
	s24 =	sld [smem:$0x3FFE];
	[sflag:s23] =	ssyncadd.s32 $0xFFFFFFFF  }
0xa6: {  	s26 =	simm.s32 $execute0_lowered;
	[smem:$0x3FD2] =	sst s25  }
0xa7: {  	s6 =	sshll.u32 s26, $0x1;
	_ =	strace $0x80000046;
	[dreg:$0x1] =	wrdreg $0xFFFFFFFF  }
0xa8: {  	s28 =	simm.s32 $_size_execute0_lowered;
	s4 =	sadd.s32 s4, s6;
	[dreg:$0x0] =	wrdreg $0x0  }
0xa9: {  	s6 =	sshll.u32 s28, $0x1;
	[dreg:$0x2] =	wrdreg s4  }
0xaa: {  	[dreg:$0x3] =	wrdreg s6  }
0xab: {  	[dreg:$0x4] =	wrdreg $0xC0  }
0xac: {  	_ =	task [dreg:s8], $0x5FFFF  }
0xad: {  	[dreg:$0x1] =	wrdreg $0xFFFFFFFF  }
0xae: {  	[dreg:$0x0] =	wrdreg $0x60  }
0xaf: {  	[dreg:$0x2] =	wrdreg s24  }
0xb0: {  	[dreg:$0x3] =	wrdreg s2  }
0xb1: {  	[dreg:$0x4] =	wrdreg s18  }
0xb2: {  	[dreg:$0x5] =	wrdreg $0x9  }
0xb3: {  	_ =	task.clear_ibuf [dreg:s8], $0x6FFFF;
	_ =	strace $0x90000046  }
0xb4: {  	s29 =	simm.s32 $0x9;
	_ =	strace $0x80000048  }
0xb5: {  	_ =	swait.ge [sflag:s29], $0x1  }
0xb6: {  	[sflag:s29] =	ssyncadd.s32 $0xFFFFFFFF  }
0xb7: {  	_ =	strace $0x90000048  }
0xb8: {  	_ =	sfence  }
0xb9: {  	s30 =	sld [smem:$0x0];
	_ =	sdelay $0x2  }
0xba: {  	s31 =	sshll.u32 s1, $0xD;
	s1 =	sshrl.u32 s1, $0x2  }
0xbb: {  	s3 =	sand.u32 $0x4000, s31;
	s1 =	sadd.s32 s1, s30  }
0xbc: {  	s0 =	sor.u32 s3, s0;
	s1 =	sshll.u32 s1, $0x11  }
0xbd: {  	s0 =	sor.u32 s1, s0  }
0xbe: {  	s0 =	sadd.s32 $0x8F2B, s0  }
0xbf: {  	[sflag:s0] =	ssyncadd.remote.s32 $0x1  }
0xc0: {  	_ =	sfence.sel $0xFFFF  }
0xc1: {  	[dreg:$0x0] =	wrdreg $0xFFFFFFFF;
	(pc) =	sbr.abs _section_cstart, $3  }
0xc2: {  	[dreg:$0x1] =	wrdreg $0xFFFFFFFF  }
0xc3: {  	_ =	task.clear_ibuf [dreg:s8], $0x2FFFF;
	_ =	strace $0x9FFFFFFF  }
0xc4: {  	(tm) =	ssettm $0x7FFFFFFF  }
0xc5: {  	_ =	shalt  }
tec
execute0_lowered:
.L_overlay_start_1:
0x0: {  	(tag) =	ssettag $0x1  }
0x1: {  	s0 =	rddreg [dreg:$0x0];
	s1 =	srdreg.scid  }
0x2: {  	s3 =	stileid.u32;
	s2 =	rddreg [dreg:$0x1];
	s5 =	simm.s32 $0x0  }
0x3: {  	s13 =	simm.s32 $0x7;
	s14 =	simm.s32 $0x5400;
	s26 =	simm.s32 $0xB400  }
0x4: {  	s20 =	simm.s32 $0xC00;
	s21 =	simm.s32 $0x1;
	s22 =	simm.s32 $0x4  }
0x5: {  	s23 =	simm.s32 $0x11400;
	s1 =	sand.u32 $0x1, s1;
	s10 =	sshll.u32 s3, $0x1  }
0x6: {  	s24 =	simm.s32 $0x0;
	s3 =	rddreg [dreg:$0x2];
	s4 =	sor.u32 s1, s10  }
0x7: {  	[smem:$0x7FF] =	sst s5;
	s8 =	sadd.s32 $0x200, s2;
	s6 =	smul.u32 $0x180, s4  }
0x8: {  	_ =	strace $0x80000047;
	s1 =	ssub.s32 $0x2, s1;
	s7 =	smul.u32 $0x900, s4  }
.Ltmp0:
0x9: {  	s10 =	ssub.s32 $0x268, s10;
	s30 =	sshrl.u32 s1, $0x1;
	(pc) =	sbr.rel .LBB2_1-.Ltmp0, $4  }
0xa: {  	s31 =	sshll.u32 s4, $0x2;
	s15 =	sand.u32 $0x7, s4;
	s1 =	ssub.s32 s1, s30  }
0xb: {  	v2 =	vlaneseq.u32;
	p0 =	sne.s32 s15, $0x0;
	s6 =	sadd.s32 s6, s0;
	s0 =	sadd.s32 s7, s0  }
0xc: {  	vm0 =	vmmov $0xffff;
	v1 =	vshrl.u32 v2, $0x3;
	s7 =	sadd.s32 $0x100, s2;
	s9 =	sadd.s32 $0x3800, s0;
	s0 =	sand.u32 $0x1C, s31  }
0xd: {  	v0 =	vand.u32 $0x7, v2;
	v2 =	vor.u32 $0x8, v2;
	v1 =	vmul.u32 $0x8, v1;
	s12 =	smax.u32 s1, $0x1;
	s6 =	sadd.s32 $0x800, s6;
	s11 =	smul.u32 $0x1800, s0  }
.LBB2_25:
0xe: {  	s24 =	sadd.s32 $0x1, s24  }
0xf: {  	p1 =	sne.s32 s24, s12  }
.Ltmp1:
0x10: {  	_ = 	snop;
	(pc) =	sbr.rel @!p1 .LBB2_26-.Ltmp1, $1  }
0x11: {  	_ =	sdelay $0x3  }
.LBB2_1:
0x12: {  	[tilespmem:s5], [sflag:$0x7] =	stream.linear.gather [hbm4b:s6+s5], $0xA00, $0x38;
	[tilespmem:$0x17400] =	vst v63  }
0x13: {  	_ =	swait.ge [sflag:s13], $0xA00  }
0x14: {  	[sflag:s13] =	ssyncset.done $0x0  }
0x15: {  	[sflag:s13] =	ssyncadd.s32 $0xFFFFF600  }
0x16: {  	v3 =	vld [tilespmem:$0x0];
	_ =	sdelay $0x4  }
0x17: {  	v4 =	vshrl.u32 v3, $0x3  }
0x18: {  	v4 =	vmul.u32 $0x30, v4  }
0x19: {  	v3 =	vand.u32 $0x7, v3  }
0x1a: {  	v3 =	vor.u32 v3, v4  }
0x1b: {  	v4 =	vperm.xlane v3, v0;
	_ =	sdelay $0x1  }
0x1c: {  	v4 =	vadd.s32 v1, v4;
	_ =	sdelay $0x3  }
0x1d: {  	v3 =	vperm.xlane v3, v2  }
0x1e: {  	[tilespmem:s14], [sflag:$0x1] =	stream.indirect_vreg.gather [hbm4b:s2+s5], $0x80, v4, vm0, $0xb8;
	[tilespmem:$0x17400] =	vst v63  }
0x1f: {  	s0 =	simm.s32 $0x5C00;
	v3 =	vadd.s32 v1, v3  }
0x20: {  	[tilespmem:s0], [sflag:$0x1] =	stream.indirect_vreg.gather [hbm4b:s7+s5], $0x80, v4, vm0, $0xb8;
	[tilespmem:$0x17400] =	vst v63  }
0x21: {  	s15 =	simm.s32 $0x6400  }
0x22: {  	[tilespmem:s15], [sflag:$0x1] =	stream.indirect_vreg.gather [hbm4b:s8+s5], $0x80, v4, vm0, $0xb8;
	[tilespmem:$0x17400] =	vst v63  }
0x23: {  	s16 =	simm.s32 $0x6C00  }
0x24: {  	[tilespmem:s16], [sflag:$0x1] =	stream.indirect_vreg.gather [hbm4b:s2+s5], $0x80, v3, vm0, $0xb8;
	[tilespmem:$0x17400] =	vst v63  }
0x25: {  	s17 =	simm.s32 $0x7400  }
0x26: {  	[tilespmem:s17], [sflag:$0x1] =	stream.indirect_vreg.gather [hbm4b:s7+s5], $0x80, v3, vm0, $0xb8;
	[tilespmem:$0x17400] =	vst v63  }
0x27: {  	s18 =	simm.s32 $0x7C00  }
0x28: {  	[tilespmem:s18], [sflag:$0x1] =	stream.indirect_vreg.gather [hbm4b:s8+s5], $0x80, v3, vm0, $0xb8;
	[tilespmem:$0x17400] =	vst v63  }
0x29: {  	v3 =	vld [tilespmem:$0x10];
	_ =	sdelay $0x4  }
0x2a: {  	v61 =	vshrl.u32 v3, $0x3  }
0x2b: {  	v4 =	vmul.u32 $0x30, v61  }
0x2c: {  	v3 =	vand.u32 $0x7, v3  }
0x2d: {  	v3 =	vor.u32 v3, v4  }
0x2e: {  	v4 =	vperm.xlane v3, v0;
	_ =	sdelay $0x1  }
0x2f: {  	v4 =	vadd.s32 v1, v4;
	_ =	sdelay $0x3  }
0x30: {  	s19 =	simm.s32 $0x8400;
	v3 =	vperm.xlane v3, v2  }
0x31: {  	[tilespmem:s19], [sflag:$0x1] =	stream.indirect_vreg.gather [hbm4b:s2+s5], $0x80, v4, vm0, $0xb8;
	[tilespmem:$0x17400] =	vst v63  }
0x32: {  	s25 =	simm.s32 $0x8C00;
	v3 =	vadd.s32 v1, v3  }
0x33: {  	[tilespmem:s25], [sflag:$0x1] =	stream.indirect_vreg.gather [hbm4b:s7+s5], $0x80, v4, vm0, $0xb8;
	[tilespmem:$0x17400] =	vst v63  }
0x34: {  	s28 =	simm.s32 $0x9400  }
0x35: {  	[tilespmem:s28], [sflag:$0x1] =	stream.indirect_vreg.gather [hbm4b:s8+s5], $0x80, v4, vm0, $0xb8;
	[tilespmem:$0x17400] =	vst v63  }
0x36: {  	s29 =	simm.s32 $0x9C00  }
0x37: {  	[tilespmem:s29], [sflag:$0x1] =	stream.indirect_vreg.gather [hbm4b:s2+s5], $0x80, v3, vm0, $0xb8;
	[tilespmem:$0x17400] =	vst v63  }
0x38: {  	s30 =	simm.s32 $0xA400  }
0x39: {  	[tilespmem:s30], [sflag:$0x1] =	stream.indirect_vreg.gather [hbm4b:s7+s5], $0x80, v3, vm0, $0xb8;
	[tilespmem:$0x17400] =	vst v63  }
0x3a: {  	s31 =	simm.s32 $0xAC00  }
0x3b: {  	[tilespmem:s31], [sflag:$0x1] =	stream.indirect_vreg.gather [hbm4b:s8+s5], $0x80, v3, vm0, $0xb8;
	[tilespmem:$0x17400] =	vst v63  }
0x3c: {  	v3 =	vld [tilespmem:$0x80];
	_ =	sdelay $0x4  }
0x3d: {  	v62 =	vshrl.u32 v3, $0x3  }
0x3e: {  	v4 =	vmul.u32 $0x30, v62  }
0x3f: {  	v3 =	vand.u32 $0x7, v3  }
0x40: {  	v3 =	vor.u32 v3, v4  }
0x41: {  	v4 =	vperm.xlane v3, v0;
	_ =	sdelay $0x1  }
0x42: {  	v4 =	vadd.s32 v1, v4;
	_ =	sdelay $0x3  }
0x43: {  	v3 =	vperm.xlane v3, v2  }
0x44: {  	[tilespmem:s26], [sflag:$0x2] =	stream.indirect_vreg.gather [hbm4b:s2+s5], $0x80, v4, vm0, $0xb8;
	[tilespmem:$0x17400] =	vst v63  }
0x45: {  	s1 =	simm.s32 $0xBC00;
	v3 =	vadd.s32 v1, v3  }
0x46: {  	[tilespmem:s1], [sflag:$0x2] =	stream.indirect_vreg.gather [hbm4b:s7+s5], $0x80, v4, vm0, $0xb8;
	[tilespmem:$0x17400] =	vst v63  }
0x47: {  	s15 =	simm.s32 $0xC400  }
0x48: {  	[tilespmem:s15], [sflag:$0x2] =	stream.indirect_vreg.gather [hbm4b:s8+s5], $0x80, v4, vm0, $0xb8;
	[tilespmem:$0x17400] =	vst v63  }
0x49: {  	s16 =	simm.s32 $0xCC00  }
0x4a: {  	[tilespmem:s16], [sflag:$0x2] =	stream.indirect_vreg.gather [hbm4b:s2+s5], $0x80, v3, vm0, $0xb8;
	[tilespmem:$0x17400] =	vst v63  }
0x4b: {  	s17 =	simm.s32 $0xD400  }
0x4c: {  	[tilespmem:s17], [sflag:$0x2] =	stream.indirect_vreg.gather [hbm4b:s7+s5], $0x80, v3, vm0, $0xb8;
	[tilespmem:$0x17400] =	vst v63  }
0x4d: {  	s18 =	simm.s32 $0xDC00  }
0x4e: {  	[tilespmem:s18], [sflag:$0x2] =	stream.indirect_vreg.gather [hbm4b:s8+s5], $0x80, v3, vm0, $0xb8;
	[tilespmem:$0x17400] =	vst v63  }
0x4f: {  	v3 =	vld [tilespmem:$0x90];
	_ =	sdelay $0x4  }
0x50: {  	v63 =	vshrl.u32 v3, $0x3  }
0x51: {  	v4 =	vmul.u32 $0x30, v63  }
0x52: {  	v3 =	vand.u32 $0x7, v3  }
0x53: {  	v3 =	vor.u32 v3, v4  }
0x54: {  	v4 =	vperm.xlane v3, v0;
	_ =	sdelay $0x1  }
0x55: {  	v4 =	vadd.s32 v1, v4;
	_ =	sdelay $0x3  }
0x56: {  	s19 =	simm.s32 $0xE400;
	v3 =	vperm.xlane v3, v2  }
0x57: {  	[tilespmem:s19], [sflag:$0x2] =	stream.indirect_vreg.gather [hbm4b:s2+s5], $0x80, v4, vm0, $0xb8;
	[tilespmem:$0x17400] =	vst v63  }
0x58: {  	s25 =	simm.s32 $0xEC00;
	v3 =	vadd.s32 v1, v3  }
0x59: {  	[tilespmem:s25], [sflag:$0x2] =	stream.indirect_vreg.gather [hbm4b:s7+s5], $0x80, v4, vm0, $0xb8;
	[tilespmem:$0x17400] =	vst v63  }
0x5a: {  	s28 =	simm.s32 $0xF400  }
0x5b: {  	[tilespmem:s28], [sflag:$0x2] =	stream.indirect_vreg.gather [hbm4b:s8+s5], $0x80, v4, vm0, $0xb8;
	[tilespmem:$0x17400] =	vst v63  }
0x5c: {  	s29 =	simm.s32 $0xFC00  }
0x5d: {  	[tilespmem:s29], [sflag:$0x2] =	stream.indirect_vreg.gather [hbm4b:s2+s5], $0x80, v3, vm0, $0xb8;
	[tilespmem:$0x17400] =	vst v63  }
0x5e: {  	s30 =	simm.s32 $0x10400  }
0x5f: {  	[tilespmem:s30], [sflag:$0x2] =	stream.indirect_vreg.gather [hbm4b:s7+s5], $0x80, v3, vm0, $0xb8;
	[tilespmem:$0x17400] =	vst v63  }
0x60: {  	s31 =	simm.s32 $0x10C00  }
0x61: {  	[tilespmem:s31], [sflag:$0x2] =	stream.indirect_vreg.gather [hbm4b:s8+s5], $0x80, v3, vm0, $0xb8;
	[tilespmem:$0x17400] =	vst v63  }
.Ltmp2:
0x62: {  	_ = 	snop;
	(pc) =	sbr.rel .LBB2_2-.Ltmp2, $4  }
0x63: {  	[tilespmem:s20], [sflag:$0x7] =	stream.linear.gather [hbm4b:s9+s5], $0x4800, $0x38;
	[tilespmem:$0x17400] =	vst v63  }
0x64: {  	_ =	swait.ge [sflag:s13], $0x4800  }
0x65: {  	[sflag:s13] =	ssyncset.done $0x0  }
0x66: {  	s25 =	simm.s32 $0x0;
	[sflag:s13] =	ssyncadd.s32 $0xFFFFB800  }
.LBB2_24:
0x67: {  	s25 =	sadd.s32 $0x1, s25  }
0x68: {  	p1 =	sne.s32 s25, $0x7  }
.Ltmp3:
0x69: {  	_ = 	snop;
	(pc) =	sbr.rel @!p1 .LBB2_25-.Ltmp3, $1  }
0x6a: {  	_ =	sdelay $0x3  }
.LBB2_2:
0x6b: {  	s30 =	smul.u32 $0x3, s25;
	_ =	sdelay $0x1  }
0x6c: {  	_ =	swait.ge [sflag:s21], $0x6000;
	s29 =	sadd.s32 $0x2, s30  }
0x6d: {  	p2 =	seq.s32 s25, $0x0;
	[sflag:s21] =	ssyncset.done $0x0;
	s0 =	sshll.u32 s29, $0x5  }
0x6e: {  	s1 =	simm.s32 @!p2 $0x6;
	[sflag:s21] =	ssyncadd.s32 $0xFFFFA000;
	s28 =	sor.u32 s4, s0  }
0x6f: {  	_ =	swait.ge @!p2 [sflag:s1], $0x6000;
	p1 =	sgt.u32 s28, $0x267  }
0x70: {  	[sflag:s1] =	ssyncset.done @!p2 $0x0;
	s0 =	sshll.u32 @!p1 s29, $0x7  }
0x71: {  	[sflag:s1] =	ssyncadd.s32 @!p2 $0xFFFFA000;
	s0 =	sand.u32 @!p1 $0x3FFFFF80, s0  }
0x72: {  	v3 =	vld @!p1 [tilespmem:s0+$0x0];
	_ =	sdelay $0x4  }
0x73: {  	v4 =	vshrl.u32 @!p1 v3, $0x3  }
0x74: {  	v4 =	vmul.u32 @!p1 $0x30, v4  }
0x75: {  	v5 =	vlaneseq.u32 @!p1;
	v3 =	vand.u32 @!p1 $0x7, v3  }
0x76: {  	v6 =	vshrl.u32 @!p1 v5, $0x3;
	v3 =	vor.u32 @!p1 v3, v4;
	v4 =	vand.u32 @!p1 $0x7, v5  }
0x77: {  	v6 =	vmul.u32 @!p1 $0x8, v6;
	v7 =	vperm.xlane @!p1 v3, v4;
	_ =	sdelay $0x1  }
0x78: {  	v7 =	vadd.s32 @!p1 v6, v7;
	_ =	sdelay $0x2  }
0x79: {  	v5 =	vor.u32 @!p1 $0x8, v5  }
0x7a: {  	vm1 =	vmmov @!p1 $0xffff;
	s1 =	simm.s32 @!p1 $0x0;
	s15 =	simm.s32 @!p1 $0x11400;
	v3 =	vperm.xlane @!p1 v3, v5  }
0x7b: {  	[tilespmem:s15], [sflag:$0x3] =	stream.indirect_vreg.gather @!p1 [hbm4b:s2+s1], $0x80, v7, vm1, $0xb8;
	[tilespmem:$0x17400] =	vst v63  }
0x7c: {  	v3 =	vadd.s32 @!p1 v6, v3;
	s15 =	simm.s32 @!p1 $0x11C00  }
0x7d: {  	[tilespmem:s15], [sflag:$0x3] =	stream.indirect_vreg.gather @!p1 [hbm4b:s7+s1], $0x80, v7, vm1, $0xb8;
	[tilespmem:$0x17400] =	vst v63  }
0x7e: {  	s15 =	simm.s32 @!p1 $0x12400  }
0x7f: {  	[tilespmem:s15], [sflag:$0x3] =	stream.indirect_vreg.gather @!p1 [hbm4b:s8+s1], $0x80, v7, vm1, $0xb8;
	[tilespmem:$0x17400] =	vst v63  }
0x80: {  	s15 =	simm.s32 @!p1 $0x12C00  }
0x81: {  	[tilespmem:s15], [sflag:$0x3] =	stream.indirect_vreg.gather @!p1 [hbm4b:s2+s1], $0x80, v3, vm1, $0xb8;
	[tilespmem:$0x17400] =	vst v63  }
0x82: {  	s15 =	simm.s32 @!p1 $0x13400  }
0x83: {  	[tilespmem:s15], [sflag:$0x3] =	stream.indirect_vreg.gather @!p1 [hbm4b:s7+s1], $0x80, v3, vm1, $0xb8;
	[tilespmem:$0x17400] =	vst v63  }
0x84: {  	s15 =	simm.s32 @!p1 $0x13C00  }
0x85: {  	[tilespmem:s15], [sflag:$0x3] =	stream.indirect_vreg.gather @!p1 [hbm4b:s8+s1], $0x80, v3, vm1, $0xb8;
	[tilespmem:$0x17400] =	vst v63  }
0x86: {  	v3 =	vld @!p1 [tilespmem:s0+$0x10];
	_ =	sdelay $0x4  }
0x87: {  	v7 =	vshrl.u32 @!p1 v3, $0x3  }
0x88: {  	v7 =	vmul.u32 @!p1 $0x30, v7  }
0x89: {  	v3 =	vand.u32 @!p1 $0x7, v3  }
0x8a: {  	v3 =	vor.u32 @!p1 v3, v7  }
0x8b: {  	v4 =	vperm.xlane @!p1 v3, v4;
	_ =	sdelay $0x1  }
0x8c: {  	v4 =	vadd.s32 @!p1 v6, v4;
	_ =	sdelay $0x3  }
0x8d: {  	s0 =	simm.s32 @!p1 $0x14400;
	v3 =	vperm.xlane @!p1 v3, v5  }
0x8e: {  	[tilespmem:s0], [sflag:$0x3] =	stream.indirect_vreg.gather @!p1 [hbm4b:s2+s1], $0x80, v4, vm1, $0xb8;
	[tilespmem:$0x17400] =	vst v63  }
0x8f: {  	v3 =	vadd.s32 @!p1 v6, v3;
	s0 =	simm.s32 @!p1 $0x14C00  }
0x90: {  	[tilespmem:s0], [sflag:$0x3] =	stream.indirect_vreg.gather @!p1 [hbm4b:s7+s1], $0x80, v4, vm1, $0xb8;
	[tilespmem:$0x17400] =	vst v63  }
0x91: {  	s0 =	simm.s32 @!p1 $0x15400  }
0x92: {  	[tilespmem:s0], [sflag:$0x3] =	stream.indirect_vreg.gather @!p1 [hbm4b:s8+s1], $0x80, v4, vm1, $0xb8;
	[tilespmem:$0x17400] =	vst v63  }
0x93: {  	s0 =	simm.s32 @!p1 $0x15C00  }
0x94: {  	[tilespmem:s0], [sflag:$0x3] =	stream.indirect_vreg.gather @!p1 [hbm4b:s2+s1], $0x80, v3, vm1, $0xb8;
	[tilespmem:$0x17400] =	vst v63  }
0x95: {  	s18 =	smul.u32 $0x180, s25;
	s17 =	sshrl.u32 s30, $0x3;
	s0 =	simm.s32 @!p1 $0x16400  }
0x96: {  	[tilespmem:s0], [sflag:$0x3] =	stream.indirect_vreg.gather @!p1 [hbm4b:s7+s1], $0x80, v3, vm1, $0xb8;
	[tilespmem:$0x17400] =	vst v63  }
0x97: {  	s16 =	simm.s32 @!p1 $0x16C00;
	s0 =	smul.u32 $0x6000, s17  }
0x98: {  	[tilespmem:s16], [sflag:$0x3] =	stream.indirect_vreg.gather @!p1 [hbm4b:s8+s1], $0x80, v3, vm1, $0xb8;
	[tilespmem:$0x17400] =	vst v63  }
0x99: {  	s1 =	sand.u32 $0x380, s18;
	s0 =	sshra.s32 s0, $0x2  }
0x9a: {  	s19 =	sor.u32 s1, s0  }
0x9b: {  	v3 =	vld [tilespmem:s19+$0xC00]  }
0x9c: {  	v4 =	vld [tilespmem:s19+$0xC10]  }
0x9d: {  	v5 =	vld [tilespmem:s19+$0xC20]  }
0x9e: {  	v6 =	vld [tilespmem:s19+$0xC30]  }
0x9f: {  	v7 =	vld [tilespmem:s19+$0xC40]  }
0xa0: {  	v8 =	vld [tilespmem:s19+$0xC50]  }
0xa1: {  	v9 =	vld [tilespmem:s19+$0xC60]  }
0xa2: {  	v10 =	vld [tilespmem:s19+$0xC70]  }
0xa3: {  	v11 =	vld [tilespmem:s19+$0x1000]  }
0xa4: {  	v12 =	vld [tilespmem:s19+$0x1010]  }
0xa5: {  	v13 =	vld [tilespmem:s19+$0x1020]  }
0xa6: {  	s18 =	simm.s32 $0x0;
	v18 =	vld [tilespmem:s19+$0x1070]  }
0xa7: {  	s17 =	smul.u32 $0x6000, s18;
	v14 =	vld [tilespmem:s19+$0x1030]  }
0xa8: {  	s15 =	simm.s32 $0x0;
	v15 =	vld [tilespmem:s19+$0x1040]  }
0xa9: {  	s18 =	sand.u32 $0x380, s15;
	v16 =	vld [tilespmem:s19+$0x1050];
	s17 =	sshra.s32 s17, $0x2  }
0xaa: {  	v17 =	vld [tilespmem:s19+$0x1060];
	s16 =	sor.u32 s18, s17  }
0xab: {  	[tilespmem:s16+$0x5870] =	vst.add.f32.msk $0xffff, v18  }
0xac: {  	[tilespmem:s16+$0x5400] =	vst.add.f32.msk $0xffff, v3  }
0xad: {  	[tilespmem:s16+$0x5410] =	vst.add.f32.msk $0xffff, v4  }
0xae: {  	[tilespmem:s16+$0x5420] =	vst.add.f32.msk $0xffff, v5  }
0xaf: {  	[tilespmem:s16+$0x5430] =	vst.add.f32.msk $0xffff, v6  }
0xb0: {  	[tilespmem:s16+$0x5440] =	vst.add.f32.msk $0xffff, v7  }
0xb1: {  	[tilespmem:s16+$0x5450] =	vst.add.f32.msk $0xffff, v8  }
0xb2: {  	[tilespmem:s16+$0x5460] =	vst.add.f32.msk $0xffff, v9  }
0xb3: {  	[tilespmem:s16+$0x5470] =	vst.add.f32.msk $0xffff, v10  }
0xb4: {  	s19 =	smul.u32 $0x60, s25;
	[tilespmem:s16+$0x5800] =	vst.add.f32.msk $0xffff, v11  }
0xb5: {  	[tilespmem:s16+$0x5810] =	vst.add.f32.msk $0xffff, v12  }
0xb6: {  	s31 =	sor.u32 s4, s19;
	s18 =	simm.s32 $0x0;
	s17 =	simm.s32 $0x2;
	[tilespmem:s16+$0x5820] =	vst.add.f32.msk $0xffff, v13  }
.LBB2_3:
0xb7: {  	p2 =	sne.s32 s17, $0x1F;
	s18 =	smul.u32 $0x6000, s18;
	[tilespmem:s16+$0x5830] =	vst.add.f32.msk $0xffff, v14  }
0xb8: {  	s15 =	sadd.s32 $0x80, s15;
	[tilespmem:s16+$0x5840] =	vst.add.f32.msk $0xffff, v15  }
0xb9: {  	s19 =	sand.u32 $0x380, s15;
	s18 =	sshra.s32 s18, $0x2;
	[tilespmem:s16+$0x5850] =	vst.add.f32.msk $0xffff, v16  }
0xba: {  	[tilespmem:s16+$0x5860] =	vst.add.f32.msk $0xffff, v17;
	s16 =	sor.u32 s19, s18  }
0xbb: {  	[tilespmem:s16+$0x5870] =	vst.add.f32.msk $0xffff, v18  }
0xbc: {  	[tilespmem:s16+$0x5400] =	vst.add.f32.msk $0xffff, v3  }
0xbd: {  	[tilespmem:s16+$0x5410] =	vst.add.f32.msk $0xffff, v4  }
0xbe: {  	[tilespmem:s16+$0x5420] =	vst.add.f32.msk $0xffff, v5  }
0xbf: {  	[tilespmem:s16+$0x5430] =	vst.add.f32.msk $0xffff, v6  }
0xc0: {  	[tilespmem:s16+$0x5440] =	vst.add.f32.msk $0xffff, v7  }
0xc1: {  	[tilespmem:s16+$0x5450] =	vst.add.f32.msk $0xffff, v8  }
.Ltmp4:
0xc2: {  	[tilespmem:s16+$0x5460] =	vst.add.f32.msk $0xffff, v9;
	(pc) =	sbr.rel @p2 .LBB2_3-.Ltmp4, $4  }
0xc3: {  	[tilespmem:s16+$0x5470] =	vst.add.f32.msk $0xffff, v10  }
0xc4: {  	[tilespmem:s16+$0x5800] =	vst.add.f32.msk $0xffff, v11  }
0xc5: {  	[tilespmem:s16+$0x5810] =	vst.add.f32.msk $0xffff, v12  }
0xc6: {  	s18 =	sshrl.u32 s17, $0x3;
	s17 =	sadd.s32 $0x1, s17;
	[tilespmem:s16+$0x5820] =	vst.add.f32.msk $0xffff, v13  }
0xc7: {  	s17 =	smul.u32 $0x6000, s18;
	[tilespmem:s16+$0x5830] =	vst.add.f32.msk $0xffff, v14  }
0xc8: {  	[tilespmem:s16+$0x5840] =	vst.add.f32.msk $0xffff, v15;
	s15 =	sadd.s32 $0x80, s15  }
0xc9: {  	[tilespmem:s16+$0x5850] =	vst.add.f32.msk $0xffff, v16;
	s15 =	sand.u32 $0x380, s15;
	s17 =	sshra.s32 s17, $0x2  }
0xca: {  	[tilespmem:s16+$0x5860] =	vst.add.f32.msk $0xffff, v17;
	s15 =	sor.u32 s15, s17  }
0xcb: {  	[tilespmem:s15+$0x5870] =	vst.add.f32.msk $0xffff, v18  }
0xcc: {  	[tilespmem:s15+$0x5400] =	vst.add.f32.msk $0xffff, v3  }
0xcd: {  	[tilespmem:s15+$0x5410] =	vst.add.f32.msk $0xffff, v4  }
0xce: {  	[tilespmem:s15+$0x5420] =	vst.add.f32.msk $0xffff, v5  }
0xcf: {  	[tilespmem:s15+$0x5430] =	vst.add.f32.msk $0xffff, v6  }
0xd0: {  	[tilespmem:s15+$0x5440] =	vst.add.f32.msk $0xffff, v7  }
0xd1: {  	[tilespmem:s15+$0x5450] =	vst.add.f32.msk $0xffff, v8  }
0xd2: {  	[tilespmem:s15+$0x5460] =	vst.add.f32.msk $0xffff, v9  }
0xd3: {  	[tilespmem:s15+$0x5470] =	vst.add.f32.msk $0xffff, v10  }
0xd4: {  	[tilespmem:s15+$0x5800] =	vst.add.f32.msk $0xffff, v11  }
0xd5: {  	[tilespmem:s15+$0x5810] =	vst.add.f32.msk $0xffff, v12  }
0xd6: {  	[tilespmem:s15+$0x5820] =	vst.add.f32.msk $0xffff, v13  }
0xd7: {  	[tilespmem:s15+$0x5830] =	vst.add.f32.msk $0xffff, v14  }
0xd8: {  	[tilespmem:s15+$0x5840] =	vst.add.f32.msk $0xffff, v15  }
0xd9: {  	[tilespmem:s15+$0x5850] =	vst.add.f32.msk $0xffff, v16  }
0xda: {  	s1 =	sadd.s32 s1, s0;
	[tilespmem:s15+$0x5860] =	vst.add.f32.msk $0xffff, v17  }
0xdb: {  	v3 =	vld [tilespmem:s1+$0x1400]  }
0xdc: {  	v4 =	vld [tilespmem:s1+$0x1410]  }
0xdd: {  	v5 =	vld [tilespmem:s1+$0x1420]  }
0xde: {  	v6 =	vld [tilespmem:s1+$0x1430]  }
0xdf: {  	v7 =	vld [tilespmem:s1+$0x1440]  }
0xe0: {  	v8 =	vld [tilespmem:s1+$0x1450]  }
0xe1: {  	v9 =	vld [tilespmem:s1+$0x1460]  }
0xe2: {  	v10 =	vld [tilespmem:s1+$0x1470]  }
0xe3: {  	v11 =	vld [tilespmem:s1+$0x1800]  }
0xe4: {  	v12 =	vld [tilespmem:s1+$0x1810]  }
0xe5: {  	v13 =	vld [tilespmem:s1+$0x1820]  }
0xe6: {  	s17 =	simm.s32 $0x0;
	v18 =	vld [tilespmem:s1+$0x1870]  }
0xe7: {  	s18 =	smul.u32 $0x6000, s17;
	v14 =	vld [tilespmem:s1+$0x1830]  }
0xe8: {  	s0 =	simm.s32 $0x0;
	v15 =	vld [tilespmem:s1+$0x1840]  }
0xe9: {  	s19 =	sand.u32 $0x380, s0;
	v16 =	vld [tilespmem:s1+$0x1850];
	s15 =	sshra.s32 s18, $0x2  }
0xea: {  	v17 =	vld [tilespmem:s1+$0x1860];
	s15 =	sor.u32 s19, s15  }
0xeb: {  	[tilespmem:s15+$0x6070] =	vst.add.f32.msk $0xffff, v18  }
0xec: {  	[tilespmem:s15+$0x5C00] =	vst.add.f32.msk $0xffff, v3  }
0xed: {  	[tilespmem:s15+$0x5C10] =	vst.add.f32.msk $0xffff, v4  }
0xee: {  	[tilespmem:s15+$0x5C20] =	vst.add.f32.msk $0xffff, v5  }
0xef: {  	[tilespmem:s15+$0x5C30] =	vst.add.f32.msk $0xffff, v6  }
0xf0: {  	[tilespmem:s15+$0x5C40] =	vst.add.f32.msk $0xffff, v7  }
0xf1: {  	[tilespmem:s15+$0x5C50] =	vst.add.f32.msk $0xffff, v8  }
0xf2: {  	[tilespmem:s15+$0x5C60] =	vst.add.f32.msk $0xffff, v9  }
0xf3: {  	[tilespmem:s15+$0x5C70] =	vst.add.f32.msk $0xffff, v10  }
0xf4: {  	[tilespmem:s15+$0x6000] =	vst.add.f32.msk $0xffff, v11  }
0xf5: {  	[tilespmem:s15+$0x6010] =	vst.add.f32.msk $0xffff, v12  }
0xf6: {  	s16 =	simm.s32 $0x2;
	s17 =	simm.s32 $0x0;
	[tilespmem:s15+$0x6020] =	vst.add.f32.msk $0xffff, v13  }
.LBB2_5:
0xf7: {  	p2 =	sne.s32 s16, $0x1F;
	s17 =	smul.u32 $0x6000, s17;
	[tilespmem:s15+$0x6030] =	vst.add.f32.msk $0xffff, v14  }
0xf8: {  	s0 =	sadd.s32 $0x80, s0;
	[tilespmem:s15+$0x6040] =	vst.add.f32.msk $0xffff, v15  }
0xf9: {  	s18 =	sand.u32 $0x380, s0;
	s17 =	sshra.s32 s17, $0x2;
	[tilespmem:s15+$0x6050] =	vst.add.f32.msk $0xffff, v16  }
0xfa: {  	[tilespmem:s15+$0x6060] =	vst.add.f32.msk $0xffff, v17;
	s15 =	sor.u32 s18, s17  }
0xfb: {  	[tilespmem:s15+$0x6070] =	vst.add.f32.msk $0xffff, v18  }
0xfc: {  	[tilespmem:s15+$0x5C00] =	vst.add.f32.msk $0xffff, v3  }
0xfd: {  	[tilespmem:s15+$0x5C10] =	vst.add.f32.msk $0xffff, v4  }
0xfe: {  	[tilespmem:s15+$0x5C20] =	vst.add.f32.msk $0xffff, v5  }
0xff: {  	[tilespmem:s15+$0x5C30] =	vst.add.f32.msk $0xffff, v6  }
0x100: {  	[tilespmem:s15+$0x5C40] =	vst.add.f32.msk $0xffff, v7  }
0x101: {  	[tilespmem:s15+$0x5C50] =	vst.add.f32.msk $0xffff, v8  }
.Ltmp5:
0x102: {  	[tilespmem:s15+$0x5C60] =	vst.add.f32.msk $0xffff, v9;
	(pc) =	sbr.rel @p2 .LBB2_5-.Ltmp5, $4  }
0x103: {  	[tilespmem:s15+$0x5C70] =	vst.add.f32.msk $0xffff, v10  }
0x104: {  	[tilespmem:s15+$0x6000] =	vst.add.f32.msk $0xffff, v11  }
0x105: {  	[tilespmem:s15+$0x6010] =	vst.add.f32.msk $0xffff, v12  }
0x106: {  	s17 =	sshrl.u32 s16, $0x3;
	s16 =	sadd.s32 $0x1, s16;
	[tilespmem:s15+$0x6020] =	vst.add.f32.msk $0xffff, v13  }
0x107: {  	s16 =	smul.u32 $0x6000, s17;
	[tilespmem:s15+$0x6030] =	vst.add.f32.msk $0xffff, v14  }
0x108: {  	[tilespmem:s15+$0x6040] =	vst.add.f32.msk $0xffff, v15;
	s0 =	sadd.s32 $0x80, s0  }
0x109: {  	[tilespmem:s15+$0x6050] =	vst.add.f32.msk $0xffff, v16;
	s0 =	sand.u32 $0x380, s0;
	s16 =	sshra.s32 s16, $0x2  }
0x10a: {  	[tilespmem:s15+$0x6060] =	vst.add.f32.msk $0xffff, v17;
	s0 =	sor.u32 s0, s16  }
0x10b: {  	[tilespmem:s0+$0x6070] =	vst.add.f32.msk $0xffff, v18  }
0x10c: {  	[tilespmem:s0+$0x5C00] =	vst.add.f32.msk $0xffff, v3  }
0x10d: {  	[tilespmem:s0+$0x5C10] =	vst.add.f32.msk $0xffff, v4  }
0x10e: {  	[tilespmem:s0+$0x5C20] =	vst.add.f32.msk $0xffff, v5  }
0x10f: {  	[tilespmem:s0+$0x5C30] =	vst.add.f32.msk $0xffff, v6  }
0x110: {  	[tilespmem:s0+$0x5C40] =	vst.add.f32.msk $0xffff, v7  }
0x111: {  	[tilespmem:s0+$0x5C50] =	vst.add.f32.msk $0xffff, v8  }
0x112: {  	[tilespmem:s0+$0x5C60] =	vst.add.f32.msk $0xffff, v9  }
0x113: {  	[tilespmem:s0+$0x5C70] =	vst.add.f32.msk $0xffff, v10  }
0x114: {  	[tilespmem:s0+$0x6000] =	vst.add.f32.msk $0xffff, v11  }
0x115: {  	[tilespmem:s0+$0x6010] =	vst.add.f32.msk $0xffff, v12  }
0x116: {  	[tilespmem:s0+$0x6020] =	vst.add.f32.msk $0xffff, v13  }
0x117: {  	[tilespmem:s0+$0x6030] =	vst.add.f32.msk $0xffff, v14  }
0x118: {  	[tilespmem:s0+$0x6040] =	vst.add.f32.msk $0xffff, v15  }
0x119: {  	[tilespmem:s0+$0x6050] =	vst.add.f32.msk $0xffff, v16  }
0x11a: {  	[tilespmem:s0+$0x6060] =	vst.add.f32.msk $0xffff, v17  }
0x11b: {  	v12 =	vld [tilespmem:s1+$0x1C00]  }
0x11c: {  	v13 =	vld [tilespmem:s1+$0x1C10]  }
0x11d: {  	v14 =	vld [tilespmem:s1+$0x1C20]  }
0x11e: {  	v15 =	vld [tilespmem:s1+$0x1C30]  }
0x11f: {  	v16 =	vld [tilespmem:s1+$0x1C40]  }
0x120: {  	v17 =	vld [tilespmem:s1+$0x1C50]  }
0x121: {  	v11 =	vld [tilespmem:s1+$0x1C60]  }
0x122: {  	v10 =	vld [tilespmem:s1+$0x1C70]  }
0x123: {  	v8 =	vld [tilespmem:s1+$0x2000]  }
0x124: {  	v4 =	vld [tilespmem:s1+$0x2010]  }
0x125: {  	v3 =	vld [tilespmem:s1+$0x2020]  }
0x126: {  	s17 =	simm.s32 $0x0;
	v18 =	vld [tilespmem:s1+$0x2070]  }
0x127: {  	s18 =	smul.u32 $0x6000, s17;
	v5 =	vld [tilespmem:s1+$0x2030]  }
0x128: {  	s0 =	simm.s32 $0x0;
	v6 =	vld [tilespmem:s1+$0x2040]  }
0x129: {  	s15 =	sshra.s32 s18, $0x2;
	v7 =	vld [tilespmem:s1+$0x2050];
	s19 =	sand.u32 $0x380, s0  }
0x12a: {  	v9 =	vld [tilespmem:s1+$0x2060];
	s1 =	sor.u32 s19, s15  }
0x12b: {  	[tilespmem:s1+$0x6870] =	vst.add.f32.msk $0xffff, v18  }
0x12c: {  	[tilespmem:s1+$0x6400] =	vst.add.f32.msk $0xffff, v12  }
0x12d: {  	[tilespmem:s1+$0x6410] =	vst.add.f32.msk $0xffff, v13  }
0x12e: {  	[tilespmem:s1+$0x6420] =	vst.add.f32.msk $0xffff, v14  }
0x12f: {  	[tilespmem:s1+$0x6430] =	vst.add.f32.msk $0xffff, v15  }
0x130: {  	[tilespmem:s1+$0x6440] =	vst.add.f32.msk $0xffff, v16  }
0x131: {  	[tilespmem:s1+$0x6450] =	vst.add.f32.msk $0xffff, v17  }
0x132: {  	[tilespmem:s1+$0x6460] =	vst.add.f32.msk $0xffff, v11  }
0x133: {  	[tilespmem:s1+$0x6470] =	vst.add.f32.msk $0xffff, v10  }
0x134: {  	[tilespmem:s1+$0x6800] =	vst.add.f32.msk $0xffff, v8  }
0x135: {  	[tilespmem:s1+$0x6810] =	vst.add.f32.msk $0xffff, v4  }
0x136: {  	s16 =	simm.s32 $0x0;
	s15 =	simm.s32 $0x2;
	[tilespmem:s1+$0x6820] =	vst.add.f32.msk $0xffff, v3  }
.LBB2_7:
0x137: {  	p2 =	sne.s32 s15, $0x1F;
	s16 =	smul.u32 $0x6000, s16;
	[tilespmem:s1+$0x6830] =	vst.add.f32.msk $0xffff, v5  }
0x138: {  	s0 =	sadd.s32 $0x80, s0;
	[tilespmem:s1+$0x6840] =	vst.add.f32.msk $0xffff, v6  }
0x139: {  	s17 =	sand.u32 $0x380, s0;
	s16 =	sshra.s32 s16, $0x2;
	[tilespmem:s1+$0x6850] =	vst.add.f32.msk $0xffff, v7  }
0x13a: {  	[tilespmem:s1+$0x6860] =	vst.add.f32.msk $0xffff, v9;
	s1 =	sor.u32 s17, s16  }
0x13b: {  	[tilespmem:s1+$0x6870] =	vst.add.f32.msk $0xffff, v18  }
0x13c: {  	[tilespmem:s1+$0x6400] =	vst.add.f32.msk $0xffff, v12  }
0x13d: {  	[tilespmem:s1+$0x6410] =	vst.add.f32.msk $0xffff, v13  }
0x13e: {  	[tilespmem:s1+$0x6420] =	vst.add.f32.msk $0xffff, v14  }
0x13f: {  	[tilespmem:s1+$0x6430] =	vst.add.f32.msk $0xffff, v15  }
0x140: {  	[tilespmem:s1+$0x6440] =	vst.add.f32.msk $0xffff, v16  }
0x141: {  	[tilespmem:s1+$0x6450] =	vst.add.f32.msk $0xffff, v17  }
.Ltmp6:
0x142: {  	[tilespmem:s1+$0x6460] =	vst.add.f32.msk $0xffff, v11;
	(pc) =	sbr.rel @p2 .LBB2_7-.Ltmp6, $4  }
0x143: {  	[tilespmem:s1+$0x6470] =	vst.add.f32.msk $0xffff, v10  }
0x144: {  	[tilespmem:s1+$0x6800] =	vst.add.f32.msk $0xffff, v8  }
0x145: {  	[tilespmem:s1+$0x6810] =	vst.add.f32.msk $0xffff, v4  }
0x146: {  	s16 =	sshrl.u32 s15, $0x3;
	s15 =	sadd.s32 $0x1, s15;
	[tilespmem:s1+$0x6820] =	vst.add.f32.msk $0xffff, v3  }
0x147: {  	s15 =	smul.u32 $0x6000, s16;
	[tilespmem:s1+$0x6830] =	vst.add.f32.msk $0xffff, v5  }
0x148: {  	[tilespmem:s1+$0x6840] =	vst.add.f32.msk $0xffff, v6;
	s0 =	sadd.s32 $0x80, s0  }
0x149: {  	[tilespmem:s1+$0x6850] =	vst.add.f32.msk $0xffff, v7;
	s0 =	sand.u32 $0x380, s0;
	s15 =	sshra.s32 s15, $0x2  }
0x14a: {  	[tilespmem:s1+$0x6860] =	vst.add.f32.msk $0xffff, v9;
	s0 =	sor.u32 s0, s15  }
0x14b: {  	[tilespmem:s0+$0x6870] =	vst.add.f32.msk $0xffff, v18  }
0x14c: {  	[tilespmem:s0+$0x6400] =	vst.add.f32.msk $0xffff, v12  }
0x14d: {  	[tilespmem:s0+$0x6410] =	vst.add.f32.msk $0xffff, v13  }
0x14e: {  	[tilespmem:s0+$0x6420] =	vst.add.f32.msk $0xffff, v14  }
0x14f: {  	[tilespmem:s0+$0x6430] =	vst.add.f32.msk $0xffff, v15  }
0x150: {  	[tilespmem:s0+$0x6440] =	vst.add.f32.msk $0xffff, v16  }
0x151: {  	[tilespmem:s0+$0x6450] =	vst.add.f32.msk $0xffff, v17  }
0x152: {  	[tilespmem:s0+$0x6460] =	vst.add.f32.msk $0xffff, v11  }
0x153: {  	[tilespmem:s0+$0x6470] =	vst.add.f32.msk $0xffff, v10  }
0x154: {  	[tilespmem:s0+$0x6800] =	vst.add.f32.msk $0xffff, v8  }
0x155: {  	p2 =	seq.s32 s31, $0x0;
	[tilespmem:s0+$0x6810] =	vst.add.f32.msk $0xffff, v4  }
0x156: {  	p2 =	por !p0, !p2;
	[tilespmem:s0+$0x6820] =	vst.add.f32.msk $0xffff, v3  }
0x157: {  	s1 =	simm.s32 $0x1;
	p2 =	por !p2, !p2;
	[tilespmem:s0+$0x6830] =	vst.add.f32.msk $0xffff, v5  }
0x158: {  	s16 =	sshrl.u32 s31, $0x3;
	s1 =	simm.s32 @!p2 $0x0;
	[tilespmem:s0+$0x6840] =	vst.add.f32.msk $0xffff, v6  }
0x159: {  	s1 =	ssub.s32 s16, s1;
	[tilespmem:s0+$0x6850] =	vst.add.f32.msk $0xffff, v7  }
0x15a: {  	[tilespmem:s0+$0x6860] =	vst.add.f32.msk $0xffff, v9;
	s0 =	sadd.s32 $0x1, s30;
	s1 =	smul.u32 $0x30000, s1  }
0x15b: {  	s18 =	sshll.u32 s0, $0x5  }
0x15c: {  	s31 =	sor.u32 s4, s18;
	s1 =	sadd.s32 s11, s1  }
0x15d: {  	p2 =	sgt.u32 s31, $0x267;
	s1 =	sshrl.u32 s1, $0x3  }
0x15e: {  	s17 =	sadd.s32 s3, s1;
	s1 =	simm.s32 @!p2 $0x2  }
0x15f: {  	[hbm4b:s17+s5] =	stream.linear.scatter [tilespmem:s14], [sflag:$0x4], $0x6000, $0x38;
	[tilespmem:$0x17400] =	vst v63  }
0x160: {  	_ =	swait.ge @!p2 [sflag:s1], $0x6000  }
0x161: {  	s15 =	sadd.s32 $0x3, s30;
	[sflag:s1] =	ssyncset.done @!p2 $0x0  }
0x162: {  	s19 =	sshll.u32 s15, $0x5;
	[sflag:s1] =	ssyncadd.s32 @!p2 $0xFFFFA000  }
0x163: {  	p3 =	sge.u32 s19, s10;
	_ =	swait.ge [sflag:s22], $0x6000  }
0x164: {  	s1 =	sshll.u32 @!p3 s15, $0x7;
	[sflag:s22] =	ssyncset.done $0x0  }
0x165: {  	s1 =	sand.u32 @!p3 $0x3FFFFF80, s1;
	[sflag:s22] =	ssyncadd.s32 $0xFFFFA000  }
0x166: {  	v3 =	vld @!p3 [tilespmem:s1+$0x0];
	_ =	sdelay $0x4  }
0x167: {  	v4 =	vshrl.u32 @!p3 v3, $0x3  }
0x168: {  	v4 =	vmul.u32 @!p3 $0x30, v4  }
0x169: {  	v5 =	vlaneseq.u32 @!p3;
	v3 =	vand.u32 @!p3 $0x7, v3  }
0x16a: {  	v6 =	vshrl.u32 @!p3 v5, $0x3;
	v3 =	vor.u32 @!p3 v3, v4;
	v4 =	vand.u32 @!p3 $0x7, v5  }
0x16b: {  	v6 =	vmul.u32 @!p3 $0x8, v6;
	v7 =	vperm.xlane @!p3 v3, v4;
	_ =	sdelay $0x1  }
0x16c: {  	v7 =	vadd.s32 @!p3 v6, v7;
	_ =	sdelay $0x2  }
0x16d: {  	v5 =	vor.u32 @!p3 $0x8, v5  }
0x16e: {  	vm1 =	vmmov @!p3 $0xffff;
	s16 =	simm.s32 @!p3 $0x5400;
	s15 =	simm.s32 @!p3 $0x0;
	v3 =	vperm.xlane @!p3 v3, v5  }
0x16f: {  	[tilespmem:s16], [sflag:$0x1] =	stream.indirect_vreg.gather @!p3 [hbm4b:s2+s15], $0x80, v7, vm1, $0xb8;
	[tilespmem:$0x17400] =	vst v63  }
0x170: {  	v3 =	vadd.s32 @!p3 v6, v3;
	s16 =	simm.s32 @!p3 $0x5C00  }
0x171: {  	[tilespmem:s16], [sflag:$0x1] =	stream.indirect_vreg.gather @!p3 [hbm4b:s7+s15], $0x80, v7, vm1, $0xb8;
	[tilespmem:$0x17400] =	vst v63  }
0x172: {  	s16 =	simm.s32 @!p3 $0x6400  }
0x173: {  	[tilespmem:s16], [sflag:$0x1] =	stream.indirect_vreg.gather @!p3 [hbm4b:s8+s15], $0x80, v7, vm1, $0xb8;
	[tilespmem:$0x17400] =	vst v63  }
0x174: {  	s16 =	simm.s32 @!p3 $0x6C00  }
0x175: {  	[tilespmem:s16], [sflag:$0x1] =	stream.indirect_vreg.gather @!p3 [hbm4b:s2+s15], $0x80, v3, vm1, $0xb8;
	[tilespmem:$0x17400] =	vst v63  }
0x176: {  	s16 =	simm.s32 @!p3 $0x7400  }
0x177: {  	[tilespmem:s16], [sflag:$0x1] =	stream.indirect_vreg.gather @!p3 [hbm4b:s7+s15], $0x80, v3, vm1, $0xb8;
	[tilespmem:$0x17400] =	vst v63  }
0x178: {  	s16 =	simm.s32 @!p3 $0x7C00  }
0x179: {  	[tilespmem:s16], [sflag:$0x1] =	stream.indirect_vreg.gather @!p3 [hbm4b:s8+s15], $0x80, v3, vm1, $0xb8;
	[tilespmem:$0x17400] =	vst v63  }
0x17a: {  	v3 =	vld @!p3 [tilespmem:s1+$0x10];
	_ =	sdelay $0x4  }
0x17b: {  	v7 =	vshrl.u32 @!p3 v3, $0x3  }
0x17c: {  	v7 =	vmul.u32 @!p3 $0x30, v7  }
0x17d: {  	v3 =	vand.u32 @!p3 $0x7, v3  }
0x17e: {  	v3 =	vor.u32 @!p3 v3, v7  }
0x17f: {  	v4 =	vperm.xlane @!p3 v3, v4;
	_ =	sdelay $0x1  }
0x180: {  	v4 =	vadd.s32 @!p3 v6, v4;
	_ =	sdelay $0x3  }
0x181: {  	s1 =	simm.s32 @!p3 $0x8400;
	v3 =	vperm.xlane @!p3 v3, v5  }
0x182: {  	[tilespmem:s1], [sflag:$0x1] =	stream.indirect_vreg.gather @!p3 [hbm4b:s2+s15], $0x80, v4, vm1, $0xb8;
	[tilespmem:$0x17400] =	vst v63  }
0x183: {  	v3 =	vadd.s32 @!p3 v6, v3;
	s1 =	simm.s32 @!p3 $0x8C00  }
0x184: {  	[tilespmem:s1], [sflag:$0x1] =	stream.indirect_vreg.gather @!p3 [hbm4b:s7+s15], $0x80, v4, vm1, $0xb8;
	[tilespmem:$0x17400] =	vst v63  }
0x185: {  	s1 =	simm.s32 @!p3 $0x9400  }
0x186: {  	[tilespmem:s1], [sflag:$0x1] =	stream.indirect_vreg.gather @!p3 [hbm4b:s8+s15], $0x80, v4, vm1, $0xb8;
	[tilespmem:$0x17400] =	vst v63  }
0x187: {  	s1 =	simm.s32 @!p3 $0x9C00  }
0x188: {  	[tilespmem:s1], [sflag:$0x1] =	stream.indirect_vreg.gather @!p3 [hbm4b:s2+s15], $0x80, v3, vm1, $0xb8;
	[tilespmem:$0x17400] =	vst v63  }
.Ltmp7:
0x189: {  	_ = 	snop;
	(pc) =	sbr.rel @p2 .LBB2_16-.Ltmp7, $4  }
0x18a: {  	s1 =	simm.s32 @!p3 $0xA400  }
0x18b: {  	[tilespmem:s1], [sflag:$0x1] =	stream.indirect_vreg.gather @!p3 [hbm4b:s7+s15], $0x80, v3, vm1, $0xb8;
	[tilespmem:$0x17400] =	vst v63  }
0x18c: {  	s1 =	simm.s32 @!p3 $0xAC00  }
0x18d: {  	[tilespmem:s1], [sflag:$0x1] =	stream.indirect_vreg.gather @!p3 [hbm4b:s8+s15], $0x80, v3, vm1, $0xb8;
	[tilespmem:$0x17400] =	vst v63  }
0x18e: {  	s1 =	sshrl.u32 s0, $0x3  }
0x18f: {  	s1 =	smul.u32 $0x6000, s1  }
0x190: {  	s19 =	sshll.u32 s0, $0x7  }
0x191: {  	s0 =	sand.u32 $0x380, s19;
	s1 =	sshra.s32 s1, $0x2  }
0x192: {  	s16 =	sor.u32 s0, s1  }
0x193: {  	v3 =	vld [tilespmem:s16+$0xC00]  }
0x194: {  	v4 =	vld [tilespmem:s16+$0xC10]  }
0x195: {  	v5 =	vld [tilespmem:s16+$0xC20]  }
0x196: {  	v6 =	vld [tilespmem:s16+$0xC30]  }
0x197: {  	v7 =	vld [tilespmem:s16+$0xC40]  }
0x198: {  	v8 =	vld [tilespmem:s16+$0xC50]  }
0x199: {  	v9 =	vld [tilespmem:s16+$0xC60]  }
0x19a: {  	v10 =	vld [tilespmem:s16+$0xC70]  }
0x19b: {  	v11 =	vld [tilespmem:s16+$0x1000]  }
0x19c: {  	v12 =	vld [tilespmem:s16+$0x1010]  }
0x19d: {  	v13 =	vld [tilespmem:s16+$0x1020]  }
0x19e: {  	s15 =	simm.s32 $0x0;
	v18 =	vld [tilespmem:s16+$0x1070]  }
0x19f: {  	s17 =	smul.u32 $0x6000, s15;
	v14 =	vld [tilespmem:s16+$0x1030]  }
0x1a0: {  	s15 =	simm.s32 $0x0;
	v15 =	vld [tilespmem:s16+$0x1040]  }
0x1a1: {  	s18 =	sand.u32 $0x380, s15;
	s17 =	sshra.s32 s17, $0x2;
	v16 =	vld [tilespmem:s16+$0x1050]  }
0x1a2: {  	v17 =	vld [tilespmem:s16+$0x1060];
	s16 =	sor.u32 s18, s17  }
0x1a3: {  	[tilespmem:s16+$0xB870] =	vst.add.f32.msk $0xffff, v18  }
0x1a4: {  	[tilespmem:s16+$0xB400] =	vst.add.f32.msk $0xffff, v3  }
0x1a5: {  	[tilespmem:s16+$0xB410] =	vst.add.f32.msk $0xffff, v4  }
0x1a6: {  	[tilespmem:s16+$0xB420] =	vst.add.f32.msk $0xffff, v5  }
0x1a7: {  	[tilespmem:s16+$0xB430] =	vst.add.f32.msk $0xffff, v6  }
0x1a8: {  	[tilespmem:s16+$0xB440] =	vst.add.f32.msk $0xffff, v7  }
0x1a9: {  	[tilespmem:s16+$0xB450] =	vst.add.f32.msk $0xffff, v8  }
0x1aa: {  	[tilespmem:s16+$0xB460] =	vst.add.f32.msk $0xffff, v9  }
0x1ab: {  	[tilespmem:s16+$0xB470] =	vst.add.f32.msk $0xffff, v10  }
0x1ac: {  	[tilespmem:s16+$0xB800] =	vst.add.f32.msk $0xffff, v11  }
0x1ad: {  	[tilespmem:s16+$0xB810] =	vst.add.f32.msk $0xffff, v12  }
0x1ae: {  	s18 =	simm.s32 $0x0;
	s17 =	simm.s32 $0x2;
	[tilespmem:s16+$0xB820] =	vst.add.f32.msk $0xffff, v13  }
.LBB2_10:
0x1af: {  	p3 =	sne.s32 s17, $0x1F;
	s18 =	smul.u32 $0x6000, s18;
	[tilespmem:s16+$0xB830] =	vst.add.f32.msk $0xffff, v14  }
0x1b0: {  	s15 =	sadd.s32 $0x80, s15;
	[tilespmem:s16+$0xB840] =	vst.add.f32.msk $0xffff, v15  }
0x1b1: {  	s19 =	sand.u32 $0x380, s15;
	s18 =	sshra.s32 s18, $0x2;
	[tilespmem:s16+$0xB850] =	vst.add.f32.msk $0xffff, v16  }
0x1b2: {  	[tilespmem:s16+$0xB860] =	vst.add.f32.msk $0xffff, v17;
	s16 =	sor.u32 s19, s18  }
0x1b3: {  	[tilespmem:s16+$0xB870] =	vst.add.f32.msk $0xffff, v18  }
0x1b4: {  	[tilespmem:s16+$0xB400] =	vst.add.f32.msk $0xffff, v3  }
0x1b5: {  	[tilespmem:s16+$0xB410] =	vst.add.f32.msk $0xffff, v4  }
0x1b6: {  	[tilespmem:s16+$0xB420] =	vst.add.f32.msk $0xffff, v5  }
0x1b7: {  	[tilespmem:s16+$0xB430] =	vst.add.f32.msk $0xffff, v6  }
0x1b8: {  	[tilespmem:s16+$0xB440] =	vst.add.f32.msk $0xffff, v7  }
0x1b9: {  	[tilespmem:s16+$0xB450] =	vst.add.f32.msk $0xffff, v8  }
.Ltmp8:
0x1ba: {  	[tilespmem:s16+$0xB460] =	vst.add.f32.msk $0xffff, v9;
	(pc) =	sbr.rel @p3 .LBB2_10-.Ltmp8, $4  }
0x1bb: {  	[tilespmem:s16+$0xB470] =	vst.add.f32.msk $0xffff, v10  }
0x1bc: {  	[tilespmem:s16+$0xB800] =	vst.add.f32.msk $0xffff, v11  }
0x1bd: {  	[tilespmem:s16+$0xB810] =	vst.add.f32.msk $0xffff, v12  }
0x1be: {  	s18 =	sshrl.u32 s17, $0x3;
	s17 =	sadd.s32 $0x1, s17;
	[tilespmem:s16+$0xB820] =	vst.add.f32.msk $0xffff, v13  }
0x1bf: {  	s17 =	smul.u32 $0x6000, s18;
	[tilespmem:s16+$0xB830] =	vst.add.f32.msk $0xffff, v14  }
0x1c0: {  	[tilespmem:s16+$0xB840] =	vst.add.f32.msk $0xffff, v15;
	s15 =	sadd.s32 $0x80, s15  }
0x1c1: {  	[tilespmem:s16+$0xB850] =	vst.add.f32.msk $0xffff, v16;
	s15 =	sand.u32 $0x380, s15;
	s17 =	sshra.s32 s17, $0x2  }
0x1c2: {  	[tilespmem:s16+$0xB860] =	vst.add.f32.msk $0xffff, v17;
	s15 =	sor.u32 s15, s17  }
0x1c3: {  	[tilespmem:s15+$0xB870] =	vst.add.f32.msk $0xffff, v18  }
0x1c4: {  	[tilespmem:s15+$0xB400] =	vst.add.f32.msk $0xffff, v3  }
0x1c5: {  	[tilespmem:s15+$0xB410] =	vst.add.f32.msk $0xffff, v4  }
0x1c6: {  	[tilespmem:s15+$0xB420] =	vst.add.f32.msk $0xffff, v5  }
0x1c7: {  	[tilespmem:s15+$0xB430] =	vst.add.f32.msk $0xffff, v6  }
0x1c8: {  	[tilespmem:s15+$0xB440] =	vst.add.f32.msk $0xffff, v7  }
0x1c9: {  	[tilespmem:s15+$0xB450] =	vst.add.f32.msk $0xffff, v8  }
0x1ca: {  	[tilespmem:s15+$0xB460] =	vst.add.f32.msk $0xffff, v9  }
0x1cb: {  	[tilespmem:s15+$0xB470] =	vst.add.f32.msk $0xffff, v10  }
0x1cc: {  	[tilespmem:s15+$0xB800] =	vst.add.f32.msk $0xffff, v11  }
0x1cd: {  	[tilespmem:s15+$0xB810] =	vst.add.f32.msk $0xffff, v12  }
0x1ce: {  	[tilespmem:s15+$0xB820] =	vst.add.f32.msk $0xffff, v13  }
0x1cf: {  	[tilespmem:s15+$0xB830] =	vst.add.f32.msk $0xffff, v14  }
0x1d0: {  	[tilespmem:s15+$0xB840] =	vst.add.f32.msk $0xffff, v15  }
0x1d1: {  	[tilespmem:s15+$0xB850] =	vst.add.f32.msk $0xffff, v16  }
0x1d2: {  	s1 =	sadd.s32 s0, s1;
	[tilespmem:s15+$0xB860] =	vst.add.f32.msk $0xffff, v17  }
0x1d3: {  	v3 =	vld [tilespmem:s1+$0x1400]  }
0x1d4: {  	v4 =	vld [tilespmem:s1+$0x1410]  }
0x1d5: {  	v5 =	vld [tilespmem:s1+$0x1420]  }
0x1d6: {  	v6 =	vld [tilespmem:s1+$0x1430]  }
0x1d7: {  	v7 =	vld [tilespmem:s1+$0x1440]  }
0x1d8: {  	v8 =	vld [tilespmem:s1+$0x1450]  }
0x1d9: {  	v9 =	vld [tilespmem:s1+$0x1460]  }
0x1da: {  	v10 =	vld [tilespmem:s1+$0x1470]  }
0x1db: {  	v11 =	vld [tilespmem:s1+$0x1800]  }
0x1dc: {  	v12 =	vld [tilespmem:s1+$0x1810]  }
0x1dd: {  	v13 =	vld [tilespmem:s1+$0x1820]  }
0x1de: {  	s17 =	simm.s32 $0x0;
	v18 =	vld [tilespmem:s1+$0x1870]  }
0x1df: {  	s18 =	smul.u32 $0x6000, s17;
	v14 =	vld [tilespmem:s1+$0x1830]  }
0x1e0: {  	s0 =	simm.s32 $0x0;
	v15 =	vld [tilespmem:s1+$0x1840]  }
0x1e1: {  	s19 =	sand.u32 $0x380, s0;
	v16 =	vld [tilespmem:s1+$0x1850];
	s15 =	sshra.s32 s18, $0x2  }
0x1e2: {  	v17 =	vld [tilespmem:s1+$0x1860];
	s15 =	sor.u32 s19, s15  }
0x1e3: {  	[tilespmem:s15+$0xC070] =	vst.add.f32.msk $0xffff, v18  }
0x1e4: {  	[tilespmem:s15+$0xBC00] =	vst.add.f32.msk $0xffff, v3  }
0x1e5: {  	[tilespmem:s15+$0xBC10] =	vst.add.f32.msk $0xffff, v4  }
0x1e6: {  	[tilespmem:s15+$0xBC20] =	vst.add.f32.msk $0xffff, v5  }
0x1e7: {  	[tilespmem:s15+$0xBC30] =	vst.add.f32.msk $0xffff, v6  }
0x1e8: {  	[tilespmem:s15+$0xBC40] =	vst.add.f32.msk $0xffff, v7  }
0x1e9: {  	[tilespmem:s15+$0xBC50] =	vst.add.f32.msk $0xffff, v8  }
0x1ea: {  	[tilespmem:s15+$0xBC60] =	vst.add.f32.msk $0xffff, v9  }
0x1eb: {  	[tilespmem:s15+$0xBC70] =	vst.add.f32.msk $0xffff, v10  }
0x1ec: {  	[tilespmem:s15+$0xC000] =	vst.add.f32.msk $0xffff, v11  }
0x1ed: {  	[tilespmem:s15+$0xC010] =	vst.add.f32.msk $0xffff, v12  }
0x1ee: {  	s16 =	simm.s32 $0x2;
	s17 =	simm.s32 $0x0;
	[tilespmem:s15+$0xC020] =	vst.add.f32.msk $0xffff, v13  }
.LBB2_12:
0x1ef: {  	p3 =	sne.s32 s16, $0x1F;
	s17 =	smul.u32 $0x6000, s17;
	[tilespmem:s15+$0xC030] =	vst.add.f32.msk $0xffff, v14  }
0x1f0: {  	s0 =	sadd.s32 $0x80, s0;
	[tilespmem:s15+$0xC040] =	vst.add.f32.msk $0xffff, v15  }
0x1f1: {  	s18 =	sand.u32 $0x380, s0;
	s17 =	sshra.s32 s17, $0x2;
	[tilespmem:s15+$0xC050] =	vst.add.f32.msk $0xffff, v16  }
0x1f2: {  	[tilespmem:s15+$0xC060] =	vst.add.f32.msk $0xffff, v17;
	s15 =	sor.u32 s18, s17  }
0x1f3: {  	[tilespmem:s15+$0xC070] =	vst.add.f32.msk $0xffff, v18  }
0x1f4: {  	[tilespmem:s15+$0xBC00] =	vst.add.f32.msk $0xffff, v3  }
0x1f5: {  	[tilespmem:s15+$0xBC10] =	vst.add.f32.msk $0xffff, v4  }
0x1f6: {  	[tilespmem:s15+$0xBC20] =	vst.add.f32.msk $0xffff, v5  }
0x1f7: {  	[tilespmem:s15+$0xBC30] =	vst.add.f32.msk $0xffff, v6  }
0x1f8: {  	[tilespmem:s15+$0xBC40] =	vst.add.f32.msk $0xffff, v7  }
0x1f9: {  	[tilespmem:s15+$0xBC50] =	vst.add.f32.msk $0xffff, v8  }
.Ltmp9:
0x1fa: {  	[tilespmem:s15+$0xBC60] =	vst.add.f32.msk $0xffff, v9;
	(pc) =	sbr.rel @p3 .LBB2_12-.Ltmp9, $4  }
0x1fb: {  	[tilespmem:s15+$0xBC70] =	vst.add.f32.msk $0xffff, v10  }
0x1fc: {  	[tilespmem:s15+$0xC000] =	vst.add.f32.msk $0xffff, v11  }
0x1fd: {  	[tilespmem:s15+$0xC010] =	vst.add.f32.msk $0xffff, v12  }
0x1fe: {  	s17 =	sshrl.u32 s16, $0x3;
	s16 =	sadd.s32 $0x1, s16;
	[tilespmem:s15+$0xC020] =	vst.add.f32.msk $0xffff, v13  }
0x1ff: {  	s16 =	smul.u32 $0x6000, s17;
	[tilespmem:s15+$0xC030] =	vst.add.f32.msk $0xffff, v14  }
0x200: {  	[tilespmem:s15+$0xC040] =	vst.add.f32.msk $0xffff, v15;
	s0 =	sadd.s32 $0x80, s0  }
0x201: {  	[tilespmem:s15+$0xC050] =	vst.add.f32.msk $0xffff, v16;
	s0 =	sand.u32 $0x380, s0;
	s16 =	sshra.s32 s16, $0x2  }
0x202: {  	[tilespmem:s15+$0xC060] =	vst.add.f32.msk $0xffff, v17;
	s0 =	sor.u32 s0, s16  }
0x203: {  	[tilespmem:s0+$0xC070] =	vst.add.f32.msk $0xffff, v18  }
0x204: {  	[tilespmem:s0+$0xBC00] =	vst.add.f32.msk $0xffff, v3  }
0x205: {  	[tilespmem:s0+$0xBC10] =	vst.add.f32.msk $0xffff, v4  }
0x206: {  	[tilespmem:s0+$0xBC20] =	vst.add.f32.msk $0xffff, v5  }
0x207: {  	[tilespmem:s0+$0xBC30] =	vst.add.f32.msk $0xffff, v6  }
0x208: {  	[tilespmem:s0+$0xBC40] =	vst.add.f32.msk $0xffff, v7  }
0x209: {  	[tilespmem:s0+$0xBC50] =	vst.add.f32.msk $0xffff, v8  }
0x20a: {  	[tilespmem:s0+$0xBC60] =	vst.add.f32.msk $0xffff, v9  }
0x20b: {  	[tilespmem:s0+$0xBC70] =	vst.add.f32.msk $0xffff, v10  }
0x20c: {  	[tilespmem:s0+$0xC000] =	vst.add.f32.msk $0xffff, v11  }
0x20d: {  	[tilespmem:s0+$0xC010] =	vst.add.f32.msk $0xffff, v12  }
0x20e: {  	[tilespmem:s0+$0xC020] =	vst.add.f32.msk $0xffff, v13  }
0x20f: {  	[tilespmem:s0+$0xC030] =	vst.add.f32.msk $0xffff, v14  }
0x210: {  	[tilespmem:s0+$0xC040] =	vst.add.f32.msk $0xffff, v15  }
0x211: {  	[tilespmem:s0+$0xC050] =	vst.add.f32.msk $0xffff, v16  }
0x212: {  	[tilespmem:s0+$0xC060] =	vst.add.f32.msk $0xffff, v17  }
0x213: {  	v4 =	vld [tilespmem:s1+$0x1C00]  }
0x214: {  	v5 =	vld [tilespmem:s1+$0x1C10]  }
0x215: {  	v6 =	vld [tilespmem:s1+$0x1C20]  }
0x216: {  	v7 =	vld [tilespmem:s1+$0x1C30]  }
0x217: {  	v8 =	vld [tilespmem:s1+$0x1C40]  }
0x218: {  	v9 =	vld [tilespmem:s1+$0x1C50]  }
0x219: {  	v10 =	vld [tilespmem:s1+$0x1C60]  }
0x21a: {  	v11 =	vld [tilespmem:s1+$0x1C70]  }
0x21b: {  	v12 =	vld [tilespmem:s1+$0x2000]  }
0x21c: {  	v13 =	vld [tilespmem:s1+$0x2010]  }
0x21d: {  	v3 =	vld [tilespmem:s1+$0x2020]  }
0x21e: {  	s17 =	simm.s32 $0x0;
	v18 =	vld [tilespmem:s1+$0x2070]  }
0x21f: {  	s18 =	smul.u32 $0x6000, s17;
	v14 =	vld [tilespmem:s1+$0x2030]  }
0x220: {  	s0 =	simm.s32 $0x0;
	v15 =	vld [tilespmem:s1+$0x2040]  }
0x221: {  	s15 =	sshra.s32 s18, $0x2;
	v16 =	vld [tilespmem:s1+$0x2050];
	s19 =	sand.u32 $0x380, s0  }
0x222: {  	v17 =	vld [tilespmem:s1+$0x2060];
	s1 =	sor.u32 s19, s15  }
0x223: {  	[tilespmem:s1+$0xC870] =	vst.add.f32.msk $0xffff, v18  }
0x224: {  	[tilespmem:s1+$0xC400] =	vst.add.f32.msk $0xffff, v4  }
0x225: {  	[tilespmem:s1+$0xC410] =	vst.add.f32.msk $0xffff, v5  }
0x226: {  	[tilespmem:s1+$0xC420] =	vst.add.f32.msk $0xffff, v6  }
0x227: {  	[tilespmem:s1+$0xC430] =	vst.add.f32.msk $0xffff, v7  }
0x228: {  	[tilespmem:s1+$0xC440] =	vst.add.f32.msk $0xffff, v8  }
0x229: {  	[tilespmem:s1+$0xC450] =	vst.add.f32.msk $0xffff, v9  }
0x22a: {  	[tilespmem:s1+$0xC460] =	vst.add.f32.msk $0xffff, v10  }
0x22b: {  	[tilespmem:s1+$0xC470] =	vst.add.f32.msk $0xffff, v11  }
0x22c: {  	[tilespmem:s1+$0xC800] =	vst.add.f32.msk $0xffff, v12  }
0x22d: {  	[tilespmem:s1+$0xC810] =	vst.add.f32.msk $0xffff, v13  }
0x22e: {  	s16 =	simm.s32 $0x0;
	s15 =	simm.s32 $0x2;
	[tilespmem:s1+$0xC820] =	vst.add.f32.msk $0xffff, v3  }
.LBB2_14:
0x22f: {  	p3 =	sne.s32 s15, $0x1F;
	s16 =	smul.u32 $0x6000, s16;
	[tilespmem:s1+$0xC830] =	vst.add.f32.msk $0xffff, v14  }
0x230: {  	s0 =	sadd.s32 $0x80, s0;
	[tilespmem:s1+$0xC840] =	vst.add.f32.msk $0xffff, v15  }
0x231: {  	s17 =	sand.u32 $0x380, s0;
	s16 =	sshra.s32 s16, $0x2;
	[tilespmem:s1+$0xC850] =	vst.add.f32.msk $0xffff, v16  }
0x232: {  	[tilespmem:s1+$0xC860] =	vst.add.f32.msk $0xffff, v17;
	s1 =	sor.u32 s17, s16  }
0x233: {  	[tilespmem:s1+$0xC870] =	vst.add.f32.msk $0xffff, v18  }
0x234: {  	[tilespmem:s1+$0xC400] =	vst.add.f32.msk $0xffff, v4  }
0x235: {  	[tilespmem:s1+$0xC410] =	vst.add.f32.msk $0xffff, v5  }
0x236: {  	[tilespmem:s1+$0xC420] =	vst.add.f32.msk $0xffff, v6  }
0x237: {  	[tilespmem:s1+$0xC430] =	vst.add.f32.msk $0xffff, v7  }
0x238: {  	[tilespmem:s1+$0xC440] =	vst.add.f32.msk $0xffff, v8  }
0x239: {  	[tilespmem:s1+$0xC450] =	vst.add.f32.msk $0xffff, v9  }
.Ltmp10:
0x23a: {  	[tilespmem:s1+$0xC460] =	vst.add.f32.msk $0xffff, v10;
	(pc) =	sbr.rel @p3 .LBB2_14-.Ltmp10, $4  }
0x23b: {  	[tilespmem:s1+$0xC470] =	vst.add.f32.msk $0xffff, v11  }
0x23c: {  	[tilespmem:s1+$0xC800] =	vst.add.f32.msk $0xffff, v12  }
0x23d: {  	[tilespmem:s1+$0xC810] =	vst.add.f32.msk $0xffff, v13  }
0x23e: {  	s16 =	sshrl.u32 s15, $0x3;
	s15 =	sadd.s32 $0x1, s15;
	[tilespmem:s1+$0xC820] =	vst.add.f32.msk $0xffff, v3  }
0x23f: {  	s15 =	smul.u32 $0x6000, s16;
	[tilespmem:s1+$0xC830] =	vst.add.f32.msk $0xffff, v14  }
0x240: {  	[tilespmem:s1+$0xC840] =	vst.add.f32.msk $0xffff, v15;
	s0 =	sadd.s32 $0x80, s0  }
0x241: {  	[tilespmem:s1+$0xC850] =	vst.add.f32.msk $0xffff, v16;
	s0 =	sand.u32 $0x380, s0;
	s15 =	sshra.s32 s15, $0x2  }
0x242: {  	[tilespmem:s1+$0xC860] =	vst.add.f32.msk $0xffff, v17;
	s0 =	sor.u32 s0, s15  }
0x243: {  	[tilespmem:s0+$0xC870] =	vst.add.f32.msk $0xffff, v18  }
0x244: {  	[tilespmem:s0+$0xC400] =	vst.add.f32.msk $0xffff, v4  }
0x245: {  	[tilespmem:s0+$0xC410] =	vst.add.f32.msk $0xffff, v5  }
0x246: {  	[tilespmem:s0+$0xC420] =	vst.add.f32.msk $0xffff, v6  }
0x247: {  	[tilespmem:s0+$0xC430] =	vst.add.f32.msk $0xffff, v7  }
0x248: {  	[tilespmem:s0+$0xC440] =	vst.add.f32.msk $0xffff, v8  }
0x249: {  	[tilespmem:s0+$0xC450] =	vst.add.f32.msk $0xffff, v9  }
0x24a: {  	[tilespmem:s0+$0xC460] =	vst.add.f32.msk $0xffff, v10  }
0x24b: {  	[tilespmem:s0+$0xC470] =	vst.add.f32.msk $0xffff, v11  }
0x24c: {  	[tilespmem:s0+$0xC800] =	vst.add.f32.msk $0xffff, v12  }
0x24d: {  	s19 =	sshrl.u32 s31, $0x3;
	[tilespmem:s0+$0xC810] =	vst.add.f32.msk $0xffff, v13  }
0x24e: {  	s1 =	smul.u32 $0x30000, s19;
	[tilespmem:s0+$0xC820] =	vst.add.f32.msk $0xffff, v3  }
0x24f: {  	[tilespmem:s0+$0xC830] =	vst.add.f32.msk $0xffff, v14  }
0x250: {  	s1 =	sadd.s32 s11, s1;
	[tilespmem:s0+$0xC840] =	vst.add.f32.msk $0xffff, v15  }
0x251: {  	[tilespmem:s0+$0xC850] =	vst.add.f32.msk $0xffff, v16;
	s1 =	sshrl.u32 s1, $0x3  }
0x252: {  	[tilespmem:s0+$0xC860] =	vst.add.f32.msk $0xffff, v17;
	s31 =	sadd.s32 s3, s1  }
0x253: {  	[hbm4b:s31+s5] =	stream.linear.scatter [tilespmem:s26], [sflag:$0x5], $0x6000, $0x38;
	[tilespmem:$0x17400] =	vst v63  }
.LBB2_16:
0x254: {  	s0 =	simm.s32 @!p1 $0x3  }
0x255: {  	_ =	swait.ge @!p1 [sflag:s0], $0x6000  }
0x256: {  	s1 =	sadd.s32 $0x4, s30;
	[sflag:s0] =	ssyncset.done @!p1 $0x0  }
0x257: {  	s15 =	sshll.u32 s1, $0x5;
	[sflag:s0] =	ssyncadd.s32 @!p1 $0xFFFFA000;
	s0 =	simm.s32 @!p2 $0x5  }
0x258: {  	p3 =	sge.u32 s15, s10;
	_ =	swait.ge @!p2 [sflag:s0], $0x6000  }
0x259: {  	s1 =	sshll.u32 @!p3 s1, $0x7;
	[sflag:s0] =	ssyncset.done @!p2 $0x0  }
0x25a: {  	[sflag:s0] =	ssyncadd.s32 @!p2 $0xFFFFA000;
	s0 =	sand.u32 @!p3 $0x3FFFFF80, s1  }
0x25b: {  	v3 =	vld @!p3 [tilespmem:s0+$0x0];
	_ =	sdelay $0x4  }
0x25c: {  	v4 =	vshrl.u32 @!p3 v3, $0x3  }
0x25d: {  	v4 =	vmul.u32 @!p3 $0x30, v4  }
0x25e: {  	v5 =	vlaneseq.u32 @!p3;
	v3 =	vand.u32 @!p3 $0x7, v3  }
0x25f: {  	v6 =	vshrl.u32 @!p3 v5, $0x3;
	v3 =	vor.u32 @!p3 v3, v4;
	v4 =	vand.u32 @!p3 $0x7, v5  }
0x260: {  	v6 =	vmul.u32 @!p3 $0x8, v6;
	v7 =	vperm.xlane @!p3 v3, v4;
	_ =	sdelay $0x1  }
0x261: {  	v7 =	vadd.s32 @!p3 v6, v7;
	_ =	sdelay $0x2  }
0x262: {  	v5 =	vor.u32 @!p3 $0x8, v5  }
0x263: {  	vm1 =	vmmov @!p3 $0xffff;
	s15 =	simm.s32 @!p3 $0xB400;
	s1 =	simm.s32 @!p3 $0x0;
	v3 =	vperm.xlane @!p3 v3, v5  }
0x264: {  	[tilespmem:s15], [sflag:$0x2] =	stream.indirect_vreg.gather @!p3 [hbm4b:s2+s1], $0x80, v7, vm1, $0xb8;
	[tilespmem:$0x17400] =	vst v63  }
0x265: {  	v3 =	vadd.s32 @!p3 v6, v3;
	s15 =	simm.s32 @!p3 $0xBC00  }
0x266: {  	[tilespmem:s15], [sflag:$0x2] =	stream.indirect_vreg.gather @!p3 [hbm4b:s7+s1], $0x80, v7, vm1, $0xb8;
	[tilespmem:$0x17400] =	vst v63  }
0x267: {  	s15 =	simm.s32 @!p3 $0xC400  }
0x268: {  	[tilespmem:s15], [sflag:$0x2] =	stream.indirect_vreg.gather @!p3 [hbm4b:s8+s1], $0x80, v7, vm1, $0xb8;
	[tilespmem:$0x17400] =	vst v63  }
0x269: {  	s15 =	simm.s32 @!p3 $0xCC00  }
0x26a: {  	[tilespmem:s15], [sflag:$0x2] =	stream.indirect_vreg.gather @!p3 [hbm4b:s2+s1], $0x80, v3, vm1, $0xb8;
	[tilespmem:$0x17400] =	vst v63  }
0x26b: {  	s15 =	simm.s32 @!p3 $0xD400  }
0x26c: {  	[tilespmem:s15], [sflag:$0x2] =	stream.indirect_vreg.gather @!p3 [hbm4b:s7+s1], $0x80, v3, vm1, $0xb8;
	[tilespmem:$0x17400] =	vst v63  }
0x26d: {  	s15 =	simm.s32 @!p3 $0xDC00  }
0x26e: {  	[tilespmem:s15], [sflag:$0x2] =	stream.indirect_vreg.gather @!p3 [hbm4b:s8+s1], $0x80, v3, vm1, $0xb8;
	[tilespmem:$0x17400] =	vst v63  }
0x26f: {  	v3 =	vld @!p3 [tilespmem:s0+$0x10];
	_ =	sdelay $0x4  }
0x270: {  	v7 =	vshrl.u32 @!p3 v3, $0x3  }
0x271: {  	v7 =	vmul.u32 @!p3 $0x30, v7  }
0x272: {  	v3 =	vand.u32 @!p3 $0x7, v3  }
0x273: {  	v3 =	vor.u32 @!p3 v3, v7  }
0x274: {  	v4 =	vperm.xlane @!p3 v3, v4;
	_ =	sdelay $0x1  }
0x275: {  	v4 =	vadd.s32 @!p3 v6, v4;
	_ =	sdelay $0x3  }
0x276: {  	s0 =	simm.s32 @!p3 $0xE400;
	v3 =	vperm.xlane @!p3 v3, v5  }
0x277: {  	[tilespmem:s0], [sflag:$0x2] =	stream.indirect_vreg.gather @!p3 [hbm4b:s2+s1], $0x80, v4, vm1, $0xb8;
	[tilespmem:$0x17400] =	vst v63  }
0x278: {  	v3 =	vadd.s32 @!p3 v6, v3;
	s0 =	simm.s32 @!p3 $0xEC00  }
0x279: {  	[tilespmem:s0], [sflag:$0x2] =	stream.indirect_vreg.gather @!p3 [hbm4b:s7+s1], $0x80, v4, vm1, $0xb8;
	[tilespmem:$0x17400] =	vst v63  }
0x27a: {  	s0 =	simm.s32 @!p3 $0xF400  }
0x27b: {  	[tilespmem:s0], [sflag:$0x2] =	stream.indirect_vreg.gather @!p3 [hbm4b:s8+s1], $0x80, v4, vm1, $0xb8;
	[tilespmem:$0x17400] =	vst v63  }
0x27c: {  	s0 =	simm.s32 @!p3 $0xFC00  }
0x27d: {  	[tilespmem:s0], [sflag:$0x2] =	stream.indirect_vreg.gather @!p3 [hbm4b:s2+s1], $0x80, v3, vm1, $0xb8;
	[tilespmem:$0x17400] =	vst v63  }
.Ltmp11:
0x27e: {  	_ = 	snop;
	(pc) =	sbr.rel @p1 .LBB2_24-.Ltmp11, $4  }
0x27f: {  	s0 =	simm.s32 @!p3 $0x10400  }
0x280: {  	[tilespmem:s0], [sflag:$0x2] =	stream.indirect_vreg.gather @!p3 [hbm4b:s7+s1], $0x80, v3, vm1, $0xb8;
	[tilespmem:$0x17400] =	vst v63  }
0x281: {  	s0 =	simm.s32 @!p3 $0x10C00  }
0x282: {  	[tilespmem:s0], [sflag:$0x2] =	stream.indirect_vreg.gather @!p3 [hbm4b:s8+s1], $0x80, v3, vm1, $0xb8;
	[tilespmem:$0x17400] =	vst v63  }
0x283: {  	s0 =	sshrl.u32 s29, $0x3  }
0x284: {  	s1 =	smul.u32 $0x6000, s0  }
0x285: {  	s18 =	sshll.u32 s29, $0x7  }
0x286: {  	s0 =	sand.u32 $0x380, s18;
	s1 =	sshra.s32 s1, $0x2  }
0x287: {  	s15 =	sor.u32 s0, s1  }
0x288: {  	v3 =	vld [tilespmem:s15+$0xC00]  }
0x289: {  	v4 =	vld [tilespmem:s15+$0xC10]  }
0x28a: {  	v5 =	vld [tilespmem:s15+$0xC20]  }
0x28b: {  	v7 =	vld [tilespmem:s15+$0xC30]  }
0x28c: {  	v8 =	vld [tilespmem:s15+$0xC40]  }
0x28d: {  	v10 =	vld [tilespmem:s15+$0xC50]  }
0x28e: {  	v12 =	vld [tilespmem:s15+$0xC60]  }
0x28f: {  	v14 =	vld [tilespmem:s15+$0xC70]  }
0x290: {  	v6 =	vld [tilespmem:s15+$0x1000]  }
0x291: {  	v9 =	vld [tilespmem:s15+$0x1010]  }
0x292: {  	s16 =	simm.s32 $0x0;
	v13 =	vld [tilespmem:s15+$0x1020]  }
0x293: {  	s16 =	smul.u32 $0x6000, s16;
	v11 =	vld [tilespmem:s15+$0x1030]  }
0x294: {  	s29 =	simm.s32 $0x0;
	v15 =	vld [tilespmem:s15+$0x1040]  }
0x295: {  	s17 =	sand.u32 $0x380, s29;
	s16 =	sshra.s32 s16, $0x2;
	v16 =	vld [tilespmem:s15+$0x1050]  }
0x296: {  	s16 =	sor.u32 s17, s16;
	v17 =	vld [tilespmem:s15+$0x1060]  }
0x297: {  	v18 =	vld [tilespmem:s15+$0x1070];
	s30 =	sadd.s32 $0x11400, s16  }
0x298: {  	s19 =	sor.u32 $0x10, s30;
	[tilespmem:s16+$0x11400] =	vst.add.f32.msk $0xffff, v3  }
0x299: {  	s31 =	sor.u32 $0x20, s30;
	[tilespmem:s19+$0x0] =	vst.add.f32.msk $0xffff, v4  }
0x29a: {  	s16 =	sor.u32 $0x30, s30;
	[tilespmem:s31+$0x0] =	vst.add.f32.msk $0xffff, v5  }
0x29b: {  	s17 =	sor.u32 $0x40, s30;
	[tilespmem:s16+$0x0] =	vst.add.f32.msk $0xffff, v7  }
0x29c: {  	s18 =	sor.u32 $0x50, s30;
	[tilespmem:s17+$0x0] =	vst.add.f32.msk $0xffff, v8  }
0x29d: {  	s19 =	sor.u32 $0x60, s30;
	[tilespmem:s18+$0x0] =	vst.add.f32.msk $0xffff, v10  }
0x29e: {  	s31 =	sor.u32 $0x70, s30;
	[tilespmem:s19+$0x0] =	vst.add.f32.msk $0xffff, v12  }
0x29f: {  	[tilespmem:s31+$0x0] =	vst.add.f32.msk $0xffff, v14  }
0x2a0: {  	[tilespmem:s30+$0x470] =	vst.add.f32.msk $0xffff, v18  }
0x2a1: {  	s15 =	simm.s32 $0x1;
	[tilespmem:s30+$0x460] =	vst.add.f32.msk $0xffff, v17  }
.LBB2_18:
0x2a2: {  	s17 =	smov.u32 s15  }
0x2a3: {  	s16 =	sshrl.u32 s15, $0x3;
	[tilespmem:s30+$0x450] =	vst.add.f32.msk $0xffff, v16;
	s29 =	sadd.s32 $0x80, s29;
	s17 =	sadd.s32 $0x1, s15  }
0x2a4: {  	p1 =	sne.s32 s15, $0x1F;
	s16 =	smul.u32 $0x6000, s16;
	[tilespmem:s30+$0x440] =	vst.add.f32.msk $0xffff, v15  }
0x2a5: {  	[tilespmem:s30+$0x420] =	vst.add.f32.msk $0xffff, v13  }
0x2a6: {  	s15 =	sand.u32 $0x380, s29;
	s16 =	sshra.s32 s16, $0x2;
	[tilespmem:s30+$0x410] =	vst.add.f32.msk $0xffff, v9  }
0x2a7: {  	s15 =	sor.u32 s15, s16;
	[tilespmem:s30+$0x400] =	vst.add.f32.msk $0xffff, v6  }
0x2a8: {  	[tilespmem:s30+$0x430] =	vst.add.f32.msk $0xffff, v11;
	s30 =	sadd.s32 $0x11400, s15  }
0x2a9: {  	[tilespmem:s15+$0x11400] =	vst.add.f32.msk $0xffff, v3;
	s15 =	sor.u32 $0x10, s30  }
0x2aa: {  	[tilespmem:s15+$0x0] =	vst.add.f32.msk $0xffff, v4;
	s15 =	sor.u32 $0x20, s30  }
0x2ab: {  	[tilespmem:s15+$0x0] =	vst.add.f32.msk $0xffff, v5;
	s15 =	sor.u32 $0x30, s30  }
0x2ac: {  	[tilespmem:s15+$0x0] =	vst.add.f32.msk $0xffff, v7;
	s15 =	sor.u32 $0x40, s30  }
0x2ad: {  	[tilespmem:s15+$0x0] =	vst.add.f32.msk $0xffff, v8;
	s15 =	sor.u32 $0x50, s30  }
.Ltmp12:
0x2ae: {  	[tilespmem:s15+$0x0] =	vst.add.f32.msk $0xffff, v10;
	s15 =	sor.u32 $0x60, s30;
	(pc) =	sbr.rel @p1 .LBB2_18-.Ltmp12, $4  }
0x2af: {  	[tilespmem:s15+$0x0] =	vst.add.f32.msk $0xffff, v12;
	s15 =	sor.u32 $0x70, s30  }
0x2b0: {  	[tilespmem:s15+$0x0] =	vst.add.f32.msk $0xffff, v14  }
0x2b1: {  	[tilespmem:s30+$0x470] =	vst.add.f32.msk $0xffff, v18  }
0x2b2: {  	s15 =	smov.u32 s17;
	[tilespmem:s30+$0x460] =	vst.add.f32.msk $0xffff, v17  }
0x2b3: {  	[tilespmem:s30+$0x450] =	vst.add.f32.msk $0xffff, v16  }
0x2b4: {  	[tilespmem:s30+$0x440] =	vst.add.f32.msk $0xffff, v15  }
0x2b5: {  	[tilespmem:s30+$0x420] =	vst.add.f32.msk $0xffff, v13  }
0x2b6: {  	[tilespmem:s30+$0x410] =	vst.add.f32.msk $0xffff, v9  }
0x2b7: {  	[tilespmem:s30+$0x400] =	vst.add.f32.msk $0xffff, v6  }
0x2b8: {  	[tilespmem:s30+$0x430] =	vst.add.f32.msk $0xffff, v11;
	s29 =	sadd.s32 s0, s1  }
0x2b9: {  	v3 =	vld [tilespmem:s29+$0x1400]  }
0x2ba: {  	v4 =	vld [tilespmem:s29+$0x1410]  }
0x2bb: {  	v5 =	vld [tilespmem:s29+$0x1420]  }
0x2bc: {  	v6 =	vld [tilespmem:s29+$0x1430]  }
0x2bd: {  	v7 =	vld [tilespmem:s29+$0x1440]  }
0x2be: {  	v8 =	vld [tilespmem:s29+$0x1450]  }
0x2bf: {  	v9 =	vld [tilespmem:s29+$0x1460]  }
0x2c0: {  	v10 =	vld [tilespmem:s29+$0x1470]  }
0x2c1: {  	v11 =	vld [tilespmem:s29+$0x1800]  }
0x2c2: {  	v13 =	vld [tilespmem:s29+$0x1810]  }
0x2c3: {  	s19 =	simm.s32 $0x0;
	v12 =	vld [tilespmem:s29+$0x1820]  }
0x2c4: {  	v14 =	vld [tilespmem:s29+$0x1830];
	s30 =	smul.u32 $0x6000, s19  }
0x2c5: {  	s0 =	simm.s32 $0x0;
	v15 =	vld [tilespmem:s29+$0x1840]  }
0x2c6: {  	v16 =	vld [tilespmem:s29+$0x1850];
	s15 =	sand.u32 $0x380, s0;
	s1 =	sshra.s32 s30, $0x2  }
0x2c7: {  	v17 =	vld [tilespmem:s29+$0x1860];
	s15 =	sor.u32 s15, s1  }
0x2c8: {  	v18 =	vld [tilespmem:s29+$0x1870];
	s1 =	sadd.s32 $0x11C00, s15  }
0x2c9: {  	[tilespmem:s15+$0x11C00] =	vst.add.f32.msk $0xffff, v3;
	s16 =	sor.u32 $0x10, s1  }
0x2ca: {  	s31 =	sor.u32 $0x20, s1;
	[tilespmem:s16+$0x0] =	vst.add.f32.msk $0xffff, v4  }
0x2cb: {  	s17 =	sor.u32 $0x30, s1;
	[tilespmem:s31+$0x0] =	vst.add.f32.msk $0xffff, v5  }
0x2cc: {  	s18 =	sor.u32 $0x40, s1;
	[tilespmem:s17+$0x0] =	vst.add.f32.msk $0xffff, v6  }
0x2cd: {  	s19 =	sor.u32 $0x50, s1;
	[tilespmem:s18+$0x0] =	vst.add.f32.msk $0xffff, v7  }
0x2ce: {  	s30 =	sor.u32 $0x60, s1;
	[tilespmem:s19+$0x0] =	vst.add.f32.msk $0xffff, v8  }
0x2cf: {  	s31 =	sor.u32 $0x70, s1;
	[tilespmem:s30+$0x0] =	vst.add.f32.msk $0xffff, v9  }
0x2d0: {  	s1 =	sadd.s32 $0x12000, s15;
	[tilespmem:s31+$0x0] =	vst.add.f32.msk $0xffff, v10  }
0x2d1: {  	s17 =	sor.u32 $0x10, s1;
	[tilespmem:s15+$0x12000] =	vst.add.f32.msk $0xffff, v11  }
0x2d2: {  	s16 =	sor.u32 $0x30, s1;
	s15 =	simm.s32 $0x1;
	[tilespmem:s17+$0x0] =	vst.add.f32.msk $0xffff, v13;
	s17 =	sor.u32 $0x20, s1  }
.LBB2_20:
0x2d3: {  	s18 =	sshrl.u32 s15, $0x3;
	p1 =	sne.s32 s15, $0x1F;
	s15 =	sadd.s32 $0x1, s15;
	[tilespmem:s17+$0x0] =	vst.add.f32.msk $0xffff, v12  }
0x2d4: {  	s17 =	smul.u32 $0x6000, s18;
	[tilespmem:s16+$0x0] =	vst.add.f32.msk $0xffff, v14;
	s16 =	sor.u32 $0x40, s1  }
0x2d5: {  	s0 =	sadd.s32 $0x80, s0;
	[tilespmem:s16+$0x0] =	vst.add.f32.msk $0xffff, v15;
	s16 =	sor.u32 $0x50, s1  }
0x2d6: {  	s18 =	sand.u32 $0x380, s0;
	s17 =	sshra.s32 s17, $0x2;
	[tilespmem:s16+$0x0] =	vst.add.f32.msk $0xffff, v16;
	s16 =	sor.u32 $0x60, s1  }
0x2d7: {  	s17 =	sor.u32 s18, s17;
	[tilespmem:s16+$0x0] =	vst.add.f32.msk $0xffff, v17;
	s16 =	sor.u32 $0x70, s1  }
0x2d8: {  	s18 =	sadd.s32 $0x11C00, s17;
	s1 =	sadd.s32 $0x12000, s17;
	[tilespmem:s16+$0x0] =	vst.add.f32.msk $0xffff, v18  }
0x2d9: {  	[tilespmem:s17+$0x11C00] =	vst.add.f32.msk $0xffff, v3;
	s19 =	sor.u32 $0x10, s18;
	s16 =	sor.u32 $0x30, s1  }
0x2da: {  	[tilespmem:s19+$0x0] =	vst.add.f32.msk $0xffff, v4;
	s19 =	sor.u32 $0x20, s18  }
0x2db: {  	[tilespmem:s19+$0x0] =	vst.add.f32.msk $0xffff, v5;
	s19 =	sor.u32 $0x30, s18  }
0x2dc: {  	[tilespmem:s19+$0x0] =	vst.add.f32.msk $0xffff, v6;
	s19 =	sor.u32 $0x40, s18  }
0x2dd: {  	[tilespmem:s19+$0x0] =	vst.add.f32.msk $0xffff, v7;
	s19 =	sor.u32 $0x50, s18  }
.Ltmp13:
0x2de: {  	[tilespmem:s19+$0x0] =	vst.add.f32.msk $0xffff, v8;
	s19 =	sor.u32 $0x60, s18;
	(pc) =	sbr.rel @p1 .LBB2_20-.Ltmp13, $4  }
0x2df: {  	s18 =	sor.u32 $0x70, s18;
	[tilespmem:s19+$0x0] =	vst.add.f32.msk $0xffff, v9  }
0x2e0: {  	[tilespmem:s18+$0x0] =	vst.add.f32.msk $0xffff, v10  }
0x2e1: {  	[tilespmem:s17+$0x12000] =	vst.add.f32.msk $0xffff, v11;
	s17 =	sor.u32 $0x10, s1  }
0x2e2: {  	[tilespmem:s17+$0x0] =	vst.add.f32.msk $0xffff, v13;
	s17 =	sor.u32 $0x20, s1  }
0x2e3: {  	[tilespmem:s17+$0x0] =	vst.add.f32.msk $0xffff, v12  }
0x2e4: {  	s0 =	sor.u32 $0x40, s1;
	[tilespmem:s16+$0x0] =	vst.add.f32.msk $0xffff, v14  }
0x2e5: {  	s15 =	sor.u32 $0x50, s1;
	[tilespmem:s0+$0x0] =	vst.add.f32.msk $0xffff, v15  }
0x2e6: {  	s16 =	sor.u32 $0x60, s1;
	[tilespmem:s15+$0x0] =	vst.add.f32.msk $0xffff, v16  }
0x2e7: {  	s17 =	sor.u32 $0x70, s1;
	[tilespmem:s16+$0x0] =	vst.add.f32.msk $0xffff, v17  }
0x2e8: {  	[tilespmem:s17+$0x0] =	vst.add.f32.msk $0xffff, v18  }
0x2e9: {  	v3 =	vld [tilespmem:s29+$0x1C00]  }
0x2ea: {  	v4 =	vld [tilespmem:s29+$0x1C10]  }
0x2eb: {  	v5 =	vld [tilespmem:s29+$0x1C20]  }
0x2ec: {  	v6 =	vld [tilespmem:s29+$0x1C30]  }
0x2ed: {  	v7 =	vld [tilespmem:s29+$0x1C40]  }
0x2ee: {  	v8 =	vld [tilespmem:s29+$0x1C50]  }
0x2ef: {  	v9 =	vld [tilespmem:s29+$0x1C60]  }
0x2f0: {  	v11 =	vld [tilespmem:s29+$0x1C70]  }
0x2f1: {  	v15 =	vld [tilespmem:s29+$0x2000]  }
0x2f2: {  	v18 =	vld [tilespmem:s29+$0x2010]  }
0x2f3: {  	s18 =	simm.s32 $0x0;
	v16 =	vld [tilespmem:s29+$0x2020]  }
0x2f4: {  	s19 =	smul.u32 $0x6000, s18;
	v17 =	vld [tilespmem:s29+$0x2030]  }
0x2f5: {  	s0 =	simm.s32 $0x0;
	v12 =	vld [tilespmem:s29+$0x2040]  }
0x2f6: {  	s15 =	sand.u32 $0x380, s0;
	s1 =	sshra.s32 s19, $0x2;
	v13 =	vld [tilespmem:s29+$0x2050]  }
0x2f7: {  	s15 =	sor.u32 s15, s1;
	v14 =	vld [tilespmem:s29+$0x2060]  }
0x2f8: {  	s1 =	sadd.s32 $0x12400, s15;
	v10 =	vld [tilespmem:s29+$0x2070]  }
0x2f9: {  	s30 =	sor.u32 $0x10, s1;
	[tilespmem:s15+$0x12400] =	vst.add.f32.msk $0xffff, v3  }
0x2fa: {  	s31 =	sor.u32 $0x20, s1;
	[tilespmem:s30+$0x0] =	vst.add.f32.msk $0xffff, v4  }
0x2fb: {  	s17 =	sor.u32 $0x30, s1;
	[tilespmem:s31+$0x0] =	vst.add.f32.msk $0xffff, v5  }
0x2fc: {  	s18 =	sor.u32 $0x40, s1;
	[tilespmem:s17+$0x0] =	vst.add.f32.msk $0xffff, v6  }
0x2fd: {  	s19 =	sor.u32 $0x50, s1;
	[tilespmem:s18+$0x0] =	vst.add.f32.msk $0xffff, v7  }
0x2fe: {  	s29 =	sor.u32 $0x60, s1;
	[tilespmem:s19+$0x0] =	vst.add.f32.msk $0xffff, v8  }
0x2ff: {  	s30 =	sor.u32 $0x70, s1;
	[tilespmem:s29+$0x0] =	vst.add.f32.msk $0xffff, v9  }
0x300: {  	s1 =	sadd.s32 $0x12800, s15;
	[tilespmem:s30+$0x0] =	vst.add.f32.msk $0xffff, v11  }
0x301: {  	s31 =	sor.u32 $0x10, s1;
	[tilespmem:s15+$0x12800] =	vst.add.f32.msk $0xffff, v15  }
0x302: {  	s16 =	sor.u32 $0x30, s1;
	s17 =	sor.u32 $0x20, s1;
	s15 =	simm.s32 $0x1;
	[tilespmem:s31+$0x0] =	vst.add.f32.msk $0xffff, v18  }
.LBB2_22:
0x303: {  	s18 =	sshrl.u32 s15, $0x3;
	p1 =	sne.s32 s15, $0x1F;
	s15 =	sadd.s32 $0x1, s15;
	[tilespmem:s17+$0x0] =	vst.add.f32.msk $0xffff, v16  }
0x304: {  	s17 =	smul.u32 $0x6000, s18;
	[tilespmem:s16+$0x0] =	vst.add.f32.msk $0xffff, v17;
	s16 =	sor.u32 $0x40, s1  }
0x305: {  	s0 =	sadd.s32 $0x80, s0;
	[tilespmem:s16+$0x0] =	vst.add.f32.msk $0xffff, v12;
	s16 =	sor.u32 $0x50, s1  }
0x306: {  	s18 =	sand.u32 $0x380, s0;
	s17 =	sshra.s32 s17, $0x2;
	[tilespmem:s16+$0x0] =	vst.add.f32.msk $0xffff, v13;
	s16 =	sor.u32 $0x60, s1  }
0x307: {  	s17 =	sor.u32 s18, s17;
	[tilespmem:s16+$0x0] =	vst.add.f32.msk $0xffff, v14;
	s16 =	sor.u32 $0x70, s1  }
0x308: {  	s18 =	sadd.s32 $0x12400, s17;
	s1 =	sadd.s32 $0x12800, s17;
	[tilespmem:s16+$0x0] =	vst.add.f32.msk $0xffff, v10  }
0x309: {  	[tilespmem:s17+$0x12400] =	vst.add.f32.msk $0xffff, v3;
	s19 =	sor.u32 $0x10, s18;
	s16 =	sor.u32 $0x30, s1  }
0x30a: {  	[tilespmem:s19+$0x0] =	vst.add.f32.msk $0xffff, v4;
	s19 =	sor.u32 $0x20, s18  }
0x30b: {  	[tilespmem:s19+$0x0] =	vst.add.f32.msk $0xffff, v5;
	s19 =	sor.u32 $0x30, s18  }
0x30c: {  	[tilespmem:s19+$0x0] =	vst.add.f32.msk $0xffff, v6;
	s19 =	sor.u32 $0x40, s18  }
0x30d: {  	[tilespmem:s19+$0x0] =	vst.add.f32.msk $0xffff, v7;
	s19 =	sor.u32 $0x50, s18  }
.Ltmp14:
0x30e: {  	[tilespmem:s19+$0x0] =	vst.add.f32.msk $0xffff, v8;
	s19 =	sor.u32 $0x60, s18;
	(pc) =	sbr.rel @p1 .LBB2_22-.Ltmp14, $4  }
0x30f: {  	s18 =	sor.u32 $0x70, s18;
	[tilespmem:s19+$0x0] =	vst.add.f32.msk $0xffff, v9  }
0x310: {  	[tilespmem:s18+$0x0] =	vst.add.f32.msk $0xffff, v11  }
0x311: {  	[tilespmem:s17+$0x12800] =	vst.add.f32.msk $0xffff, v15;
	s17 =	sor.u32 $0x10, s1  }
0x312: {  	[tilespmem:s17+$0x0] =	vst.add.f32.msk $0xffff, v18;
	s17 =	sor.u32 $0x20, s1  }
0x313: {  	[tilespmem:s17+$0x0] =	vst.add.f32.msk $0xffff, v16;
	s0 =	sshrl.u32 s28, $0x3  }
0x314: {  	s15 =	sor.u32 $0x40, s1;
	[tilespmem:s16+$0x0] =	vst.add.f32.msk $0xffff, v17;
	s0 =	smul.u32 $0x30000, s0  }
.Ltmp15:
0x315: {  	s29 =	sor.u32 $0x50, s1;
	[tilespmem:s15+$0x0] =	vst.add.f32.msk $0xffff, v12;
	(pc) =	sbr.rel .LBB2_24-.Ltmp15, $4  }
0x316: {  	s30 =	sor.u32 $0x60, s1;
	[tilespmem:s29+$0x0] =	vst.add.f32.msk $0xffff, v13;
	s0 =	sadd.s32 s11, s0  }
0x317: {  	s31 =	sor.u32 $0x70, s1;
	[tilespmem:s30+$0x0] =	vst.add.f32.msk $0xffff, v14;
	s0 =	sshrl.u32 s0, $0x3  }
0x318: {  	[tilespmem:s31+$0x0] =	vst.add.f32.msk $0xffff, v10;
	s0 =	sadd.s32 s3, s0  }
0x319: {  	[hbm4b:s0+s5] =	stream.linear.scatter [tilespmem:s23], [sflag:$0x6], $0x6000, $0x38;
	[tilespmem:$0x17400] =	vst v63  }
.LBB2_26:
0x31a: {  	_ =	sfence.sel $0x180000  }
0x31b: {  	[bflag:$0x0] =	sbarrier.arrive $0xFFFF  }
0x31c: {  	_ =	strace $0x90000047  }
0x31d: {  	s0 =	stileid.u32;
	[bflag:$0x2] =	sbarrier.arrive $0xFFFF  }
0x31e: {  	p0 =	sne.s32 s0, $0x0;
	s0 =	rddreg [dreg:$0x3]  }
0x31f: {  	s0 =	sadd.s32 @!p0 $0x100000, s0  }
0x320: {  	[sflag:s0] =	ssyncadd.tile.s32 @!p0 $0x1;
	_ =	shalt  }
.Lfunc_end2:
_tile_overlayer_lowered:
.L_overlay_start_2:
0x321: {  	(tag) =	ssettag $0x2  }
0x322: {  	s0 =	rddreg [dreg:$0x0];
	s2 =	stileid.u32  }
0x323: {  	s1 =	rddreg [dreg:$0x1];
	p0 =	sne.s32 s2, $0x0  }
0x324: {  	s3 =	rddreg [dreg:$0x2];
	[bflag:$0x3] =	sbarrier.arrive $0xFFFF;
	s2 =	simm.s32 @!p0 $0x1C07  }
0x325: {  	[timem:s3], [sflag:s2] =	dma.local @!p0 [hbm:s0], s1  }
0x326: {  	s0 =	simm.s32 @!p0 $0x7  }
0x327: {  	_ =	swait.ge @!p0 [sflag:s0], s1  }
0x328: {  	s1 =	ssub.s32 @!p0 $0x0, s1;
	[sflag:s0] =	ssyncset.done @!p0 $0x0  }
0x329: {  	[sflag:s0] =	ssyncadd.s32 @!p0 s1  }
0x32a: {  	[bflag:$0x3] =	sbarrier.arrive $0xFFFF  }
0x32b: {  	_ =	shalt  }

</sc_bundles>
